<compile_context>
chip_gen: v7x
topology: tpu7x:2x2x1
jax: 0.10.2.dev20260603
libtpu: 0.0.44.dev20260713+nightly
codegen_flags: <defaults>
</compile_context>

<pallas_src>
import functools

import jax
import jax.numpy as jnp
from jax import lax
from jax.experimental import pallas as pl
from jax.experimental.pallas import tpu as pltpu
from jax.experimental.pallas import tpu_sc as plsc

_B = 16
_NSC = 2
_NSUB = 16
_CH = 128
_HI = jax.lax.Precision.HIGHEST


def _dot3(a, b):
    f32 = jnp.float32
    a_hi = a.astype(jnp.bfloat16).astype(f32)
    b_hi = b.astype(jnp.bfloat16).astype(f32)
    return (jnp.dot(a_hi, b_hi, preferred_element_type=f32)
            + jnp.dot(a_hi, b - b_hi, preferred_element_type=f32)
            + jnp.dot(a - a_hi, b_hi, preferred_element_type=f32))


def _seg_dot(onehot, y):
    f32 = jnp.float32
    y_hi = y.astype(jnp.bfloat16).astype(f32)
    return (jnp.dot(onehot, y_hi, preferred_element_type=f32)
            + jnp.dot(onehot, y - y_hi, preferred_element_type=f32))


def _mesh():
    return plsc.VectorSubcoreMesh(core_axis_name="c", subcore_axis_name="s")


_SC_PARAMS = pltpu.CompilerParams(use_tc_tiling_on_sc=False)



def _make_gather(e_pad, n, dim, per_w, nch):

    @functools.partial(
        pl.kernel,
        out_type=jax.ShapeDtypeStruct((e_pad, dim), jnp.float32),
        mesh=_mesh(),
        compiler_params=_SC_PARAMS,
        scratch_types=[
            pltpu.VMEM((_CH,), jnp.int32),
            pltpu.VMEM((_CH, dim), jnp.float32),
            pltpu.SemaphoreType.DMA,
        ],
    )
    def gather(src_hbm, x_hbm, out_hbm, idx_v, rows_v, sem):
        wid = lax.axis_index("s") * _NSC + lax.axis_index("c")
        base0 = wid * per_w

        @pl.loop(0, nch)
        def _body(i):
            base = pl.multiple_of(base0 + i * _CH, _CH)
            pltpu.sync_copy(src_hbm.at[pl.ds(base, _CH)], idx_v)
            pltpu.async_copy(x_hbm.at[idx_v], rows_v, sem).wait()
            pltpu.sync_copy(rows_v, out_hbm.at[pl.ds(base, _CH)])

    return gather


def _make_scatter(e_pad, nacc, rpt, dim, per_w, nch, with_deg):
    outs = [jax.ShapeDtypeStruct((_NSC, nacc, dim), jnp.float32)]
    scratch = [
        pltpu.VMEM((_CH,), jnp.int32),
        pltpu.VMEM((_CH, dim), jnp.float32),
        pltpu.VMEM((rpt, dim), jnp.float32),
        pltpu.VMEM_SHARED((nacc, dim), jnp.float32),
    ]
    if with_deg:
        outs.append(jax.ShapeDtypeStruct((_NSC, nacc, 16), jnp.float32))
        scratch += [
            pltpu.VMEM((_CH, 16), jnp.float32),
            pltpu.VMEM((rpt, 16), jnp.float32),
            pltpu.VMEM_SHARED((nacc, 16), jnp.float32),
        ]

    @functools.partial(
        pl.kernel,
        out_type=outs if with_deg else outs[0],
        mesh=_mesh(),
        compiler_params=_SC_PARAMS,
        scratch_types=scratch,
    )
    def scatter(*refs):
        if with_deg:
            (dst_hbm, msg_hbm, z32_hbm, z16_hbm, ones_hbm, agg_hbm, deg_hbm,
             idx_v, rows_v, st32, acc_sh, ones_v, st16, dacc_sh) = refs
        else:
            (dst_hbm, msg_hbm, z32_hbm, agg_hbm,
             idx_v, rows_v, st32, acc_sh) = refs

        cid = lax.axis_index("c")
        sid = lax.axis_index("s")
        wid = sid * _NSC + cid
        r0 = sid * rpt

        pltpu.sync_copy(z32_hbm, st32)
        pltpu.sync_copy(st32, acc_sh.at[pl.ds(r0, rpt)])
        if with_deg:
            pltpu.sync_copy(z16_hbm, st16)
            pltpu.sync_copy(st16, dacc_sh.at[pl.ds(r0, rpt)])
            pltpu.sync_copy(ones_hbm, ones_v)
        plsc.subcore_barrier()

        @pl.loop(0, nch)
        def _body(i):
            base = pl.multiple_of(wid * per_w + i * _CH, _CH)
            pltpu.sync_copy(dst_hbm.at[pl.ds(base, _CH)], idx_v)
            pltpu.sync_copy(msg_hbm.at[pl.ds(base, _CH)], rows_v)
            pltpu.sync_copy(rows_v, acc_sh.at[idx_v], add=True)
            if with_deg:
                pltpu.sync_copy(ones_v, dacc_sh.at[idx_v], add=True)

        plsc.subcore_barrier()
        pltpu.sync_copy(acc_sh.at[pl.ds(r0, rpt)], st32)
        pltpu.sync_copy(st32, agg_hbm.at[cid, pl.ds(r0, rpt)])
        if with_deg:
            pltpu.sync_copy(dacc_sh.at[pl.ds(r0, rpt)], st16)
            pltpu.sync_copy(st16, deg_hbm.at[cid, pl.ds(r0, rpt)])

    return scatter


def _sc_gather(src_p, xv, e_pad, per_w, nch):
    n, dim = xv.shape
    return _make_gather(e_pad, n, dim, per_w, nch)(src_p, xv)


def _sc_scatter(dst_p, msg, nacc, rpt, per_w, nch, with_deg):
    e_pad, dim = msg.shape
    f = _make_scatter(e_pad, nacc, rpt, dim, per_w, nch, with_deg)
    z32 = jnp.zeros((rpt, dim), jnp.float32)
    if with_deg:
        z16 = jnp.zeros((rpt, 16), jnp.float32)
        ones = jnp.ones((_CH, 16), jnp.float32)
        return f(dst_p, msg, z32, z16, ones)
    return f(dst_p, msg, z32)



def _make_proj(n, f_in, dim):
    def body(x_ref, w_ref, b_ref, o_ref):
        x = x_ref[...]
        w = w_ref[...]
        x_hi = x.astype(jnp.bfloat16).astype(jnp.float32)
        w_hi = w.astype(jnp.bfloat16).astype(jnp.float32)
        acc = (jnp.dot(x_hi, w_hi, preferred_element_type=jnp.float32)
               + jnp.dot(x_hi, w - w_hi, preferred_element_type=jnp.float32)
               + jnp.dot(x - x_hi, w_hi, preferred_element_type=jnp.float32))
        o_ref[...] = jnp.maximum(acc + b_ref[...], 0.0)

    return pl.pallas_call(
        body, out_shape=jax.ShapeDtypeStruct((n, dim), jnp.float32))


def _make_msg(e_pad, e_in, hid, dim, tile):
    def body(eat_ref, xs_ref, w1t_ref, b1c_ref, w2h_ref, w2l_ref,
             b2rt_ref, o_ref):
        f32 = jnp.float32
        ht = jnp.maximum(_dot3(w1t_ref[...], eat_ref[...]) + b1c_ref[...],
                         0.0)
        ht_hi = ht.astype(jnp.bfloat16).astype(f32)
        ht_lo = ht - ht_hi
        w2h = w2h_ref[...]
        ut = (jnp.dot(w2h, ht_hi, preferred_element_type=f32)
              + jnp.dot(w2h, ht_lo, preferred_element_type=f32)
              + jnp.dot(w2l_ref[...], ht_hi, preferred_element_type=f32))
        xst = xs_ref[...].T
        acct = _dot3(b2rt_ref[...], xst)
        for d in range(dim):
            acct = acct + ut[d * dim:(d + 1) * dim, :] * xst[d:d + 1, :]
        o_ref[...] = acct.T

    grid = (e_pad // tile,)
    return pl.pallas_call(
        body,
        grid=grid,
        in_specs=[
            pl.BlockSpec((e_in, tile), lambda i: (0, i)),
            pl.BlockSpec((tile, dim), lambda i: (i, 0)),
            pl.BlockSpec((hid, e_in), lambda i: (0, 0)),
            pl.BlockSpec((hid, 1), lambda i: (0, 0)),
            pl.BlockSpec((dim * dim, hid), lambda i: (0, 0)),
            pl.BlockSpec((dim * dim, hid), lambda i: (0, 0)),
            pl.BlockSpec((dim, dim), lambda i: (0, 0)),
        ],
        out_specs=pl.BlockSpec((tile, dim), lambda i: (i, 0)),
        out_shape=jax.ShapeDtypeStruct((e_pad, dim), jnp.float32),
    )


def _make_node_a(n, nacc, dim):
    def body(ap_ref, dp_ref, x_ref, root_ref, bias_ref, o_ref):
        f32 = jnp.float32
        agg = ap_ref[pl.ds(0, n), :] + ap_ref[pl.ds(nacc, n), :]
        dg = dp_ref[pl.ds(0, n), :] + dp_ref[pl.ds(nacc, n), :]
        deg = jnp.maximum(dg[:, 0:1], 1.0)
        o_ref[...] = jnp.maximum(
            agg / deg
            + _dot3(x_ref[...], root_ref[...])
            + bias_ref[...], 0.0)

    return pl.pallas_call(
        body, out_shape=jax.ShapeDtypeStruct((n, dim), jnp.float32))


def _make_node_b(n, dim):
    def body(h2_ref, x_ref, gnw_ref, gnb_ref, gna_ref, bc_ref, br_ref,
             o_ref):
        f32 = jnp.float32
        h2 = h2_ref[...]
        oh = (bc_ref[...] == lax.broadcasted_iota(jnp.int32, (n, _B), 1)
              ).astype(f32)
        oht = (br_ref[0:1, :] == lax.broadcasted_iota(jnp.int32, (_B, n), 0)
               ).astype(f32)
        cnt = jnp.maximum(jnp.sum(oht, axis=1, keepdims=True), 1.0)
        mean = _seg_dot(oht, h2) / cnt
        xm = h2 - gna_ref[...] * _seg_dot(oh, mean)
        var = _seg_dot(oht, xm * xm) / cnt
        varb = _seg_dot(oh, var)
        h2n = gnw_ref[...] * xm / jnp.sqrt(varb + 1e-5) + gnb_ref[...]
        o_ref[...] = h2n + x_ref[...]

    return pl.pallas_call(
        body, out_shape=jax.ShapeDtypeStruct((n, dim), jnp.float32))


def _make_s2s(n, dim, steps):
    def body(x_ref, bc_ref, br_ref, wih_ref, whh_ref, bsum_ref, h1_ref,
             hb1_ref, h2r_ref, hb2_ref, o_ref):
        f32 = jnp.float32
        xx = x_ref[...]
        oh = (bc_ref[...] == lax.broadcasted_iota(jnp.int32, (n, _B), 1)
              ).astype(f32)
        oht = (br_ref[0:1, :] == lax.broadcasted_iota(jnp.int32, (_B, n), 0)
               ).astype(f32)
        q_star = jnp.zeros((_B, 2 * dim), f32)
        hc = jnp.zeros((_B, dim), f32)
        cc = jnp.zeros((_B, dim), f32)
        for _ in range(steps):
            gates = (_dot3(q_star, wih_ref[...]) + _dot3(hc, whh_ref[...])
                     + bsum_ref[...])
            gi = jax.nn.sigmoid(gates[:, 0:dim])
            gf = jax.nn.sigmoid(gates[:, dim:2 * dim])
            gg = jnp.tanh(gates[:, 2 * dim:3 * dim])
            go = jax.nn.sigmoid(gates[:, 3 * dim:4 * dim])
            cc = gf * cc + gi * gg
            hc = go * jnp.tanh(cc)
            qb = _seg_dot(oh, hc)
            e = jnp.sum(xx * qb, axis=1, keepdims=True)
            emax = jnp.max(jnp.where(oh > 0, e, -1e30), axis=0, keepdims=True)
            emaxb = jnp.sum(oh * emax, axis=1, keepdims=True)
            ee = jnp.exp(e - emaxb)
            den = jnp.sum(oh * ee, axis=0, keepdims=True)
            denb = jnp.sum(oh * den, axis=1, keepdims=True)
            aw = ee / (denb + 1e-16)
            r = _seg_dot(oht, aw * xx)
            q_star = jnp.concatenate([hc, r], axis=1)
        g = jnp.maximum(_dot3(q_star, h1_ref[...]) + hb1_ref[...], 0.0)
        o_ref[...] = jnp.sum(g * h2r_ref[...], axis=1, keepdims=True) + hb2_ref[...]

    return pl.pallas_call(
        body, out_shape=jax.ShapeDtypeStruct((_B, 1), jnp.float32))



def kernel(x, edge_index, edge_attr, batch, params):
    f32 = jnp.float32
    n, f_in = x.shape
    e, e_in = edge_attr.shape
    dim = params['W0'].shape[1]
    hid = params['layer0']['W1'].shape[1]

    nw = _NSC * _NSUB
    chunk = nw * _CH
    e_pad = ((e + chunk - 1) // chunk) * chunk
    per_w = e_pad // nw
    nch = per_w // _CH
    rpt = (-(-(n + 1) // _NSUB) + 7) // 8 * 8
    nacc = rpt * _NSUB

    pad = e_pad - e
    src_p = jnp.concatenate([edge_index[0], jnp.zeros((pad,), jnp.int32)])
    dst_p = jnp.concatenate([edge_index[1], jnp.full((pad,), n, jnp.int32)])
    eat_p = jnp.concatenate([edge_attr, jnp.zeros((pad, e_in), f32)]).T
    bc = batch.reshape(n, 1)
    b8 = jnp.broadcast_to(batch.reshape(1, n), (8, n))

    xcur = _make_proj(n, f_in, dim)(x, params['W0'],
                                    params['b0'].reshape(1, dim))

    msg_call = _make_msg(e_pad, e_in, hid, dim, 1024)
    node_a = _make_node_a(n, nacc, dim)
    node_b = _make_node_b(n, dim)
    degp = None
    for li in range(2):
        l = params['layer%d' % li]
        xs = _sc_gather(src_p, xcur, e_pad, per_w, nch)
        w2t = l['W2'].T
        w2t_hi = w2t.astype(jnp.bfloat16).astype(f32)
        msg = msg_call(eat_p, xs, l['W1'].T, l['b1'].reshape(hid, 1),
                       w2t_hi, w2t - w2t_hi, l['b2'].reshape(dim, dim).T)
        if degp is None:
            aggp, degp = _sc_scatter(dst_p, msg, nacc, rpt, per_w, nch, True)
        else:
            aggp = _sc_scatter(dst_p, msg, nacc, rpt, per_w, nch, False)
        h2 = node_a(aggp.reshape(2 * nacc, dim), degp.reshape(2 * nacc, 16),
                    xcur, l['root'], l['bias'].reshape(1, dim))
        xcur = node_b(h2, xcur, l['gn_weight'].reshape(1, dim),
                      l['gn_bias'].reshape(1, dim),
                      l['gn_alpha'].reshape(1, dim), bc, b8)

    out = _make_s2s(n, dim, 3)(
        xcur, bc, b8, params['Wih'].T, params['Whh'].T,
        (params['bih'] + params['bhh']).reshape(1, 4 * dim),
        params['H1'], params['hb1'].reshape(1, dim),
        params['H2'].reshape(1, dim), params['hb2'].reshape(1, 1))
    return out.reshape(-1)

# --- scband reference (transcript-rebuilt; emitter-appended) ---
"""Pipeline reference for scband-net-3487513444357 (READ-ONLY COPY).

The authoritative reference and input builder live on the scoring server;
editing this copy changes nothing except your own understanding.
"""

import jax, jax.numpy as jnp
import numpy as np

N = 10000
E = 160000
F_IN = 128
E_IN = 16
DIM = 32
B = 16
HID = 64
STEPS = 3
LAYERS = 2

def _uni(key, shape, fan_in):
    s = 1.0 / np.sqrt(fan_in)
    return jax.random.uniform(key, shape, jnp.float32, -s, s)

def _mk_params(key):
    ks = jax.random.split(key, 8)
    p = {}
    p['W0'] = _uni(ks[0], (F_IN, DIM), F_IN)
    p['b0'] = jnp.zeros((DIM,), jnp.float32)
    for li in range(LAYERS):
        kk = jax.random.split(ks[1 + li], 4)
        l = {}
        l['W1'] = _uni(kk[0], (E_IN, HID), E_IN)
        l['b1'] = jnp.zeros((HID,), jnp.float32)
        l['W2'] = _uni(kk[1], (HID, DIM * DIM), HID) * 0.1
        l['b2'] = jnp.zeros((DIM * DIM,), jnp.float32)
        l['root'] = _uni(kk[2], (DIM, DIM), DIM)
        l['bias'] = jnp.zeros((DIM,), jnp.float32)
        l['gn_weight'] = jnp.ones((DIM,), jnp.float32)
        l['gn_bias'] = jnp.zeros((DIM,), jnp.float32)
        l['gn_alpha'] = jnp.ones((DIM,), jnp.float32)
        p['layer%d' % li] = l
    kk = jax.random.split(ks[5], 4)
    p['Wih'] = _uni(kk[0], (4 * DIM, 2 * DIM), DIM)
    p['Whh'] = _uni(kk[1], (4 * DIM, DIM), DIM)
    p['bih'] = jnp.zeros((4 * DIM,), jnp.float32)
    p['bhh'] = jnp.zeros((4 * DIM,), jnp.float32)
    p['H1'] = _uni(kk[2], (2 * DIM, DIM), 2 * DIM)
    p['hb1'] = jnp.zeros((DIM,), jnp.float32)
    p['H2'] = _uni(kk[3], (DIM, 1), DIM)
    p['hb2'] = jnp.zeros((1,), jnp.float32)
    return p

def setup_inputs(seed: int = 0):
    key = jax.random.key(seed)
    ks = jax.random.split(key, 5)
    x = jax.random.normal(ks[0], (N, F_IN), jnp.float32)
    edge_index = jax.random.randint(ks[1], (2, E), 0, N, jnp.int32)
    edge_attr = jax.random.uniform(ks[2], (E, E_IN), jnp.float32)
    batch = jnp.sort(jax.random.randint(ks[3], (N,), 0, B, jnp.int32))
    params = _mk_params(ks[4])
    return {'x': x, 'edge_index': edge_index, 'edge_attr': edge_attr, 'batch': batch, 'params': params}

def _forward(x, edge_attr, params, edge_index, batch):
    src = edge_index[0]
    dst = edge_index[1]
    n = x.shape[0]
    x = jax.nn.relu(x @ params['W0'] + params['b0'])
    for li in range(LAYERS):
        l = params['layer%d' % li]
        res = x
        h = jax.nn.relu(edge_attr @ l['W1'] + l['b1'])
        W = (h @ l['W2'] + l['b2']).reshape(-1, DIM, DIM)
        msg = jnp.einsum('ed,edf->ef', x[src], W)
        agg = jax.ops.segment_sum(msg, dst, num_segments=n)
        deg = jax.ops.segment_sum(jnp.ones((E,), x.dtype), dst, num_segments=n)
        agg = agg / jnp.maximum(deg, 1.0)[:, None]
        h2 = jax.nn.relu(agg + x @ l['root'] + l['bias'])
        cnt = jnp.maximum(jax.ops.segment_sum(jnp.ones((n,), x.dtype), batch, num_segments=B), 1.0)
        mean = jax.ops.segment_sum(h2, batch, num_segments=B) / cnt[:, None]
        xm = h2 - l['gn_alpha'] * mean[batch]
        var = jax.ops.segment_sum(xm * xm, batch, num_segments=B) / cnt[:, None]
        h2 = l['gn_weight'] * xm / jnp.sqrt(var[batch] + 1e-5) + l['gn_bias']
        x = h2 + res
    q_star = jnp.zeros((B, 2 * DIM), x.dtype)
    hc = jnp.zeros((B, DIM), x.dtype)
    cc = jnp.zeros((B, DIM), x.dtype)
    for _ in range(STEPS):
        gates = q_star @ params['Wih'].T + hc @ params['Whh'].T + params['bih'] + params['bhh']
        gi, gf, gg, go = jnp.split(gates, 4, axis=-1)
        gi = jax.nn.sigmoid(gi)
        gf = jax.nn.sigmoid(gf)
        gg = jnp.tanh(gg)
        go = jax.nn.sigmoid(go)
        cc = gf * cc + gi * gg
        hc = go * jnp.tanh(cc)
        q = hc
        e = jnp.sum(x * q[batch], axis=-1)
        emax = jax.ops.segment_max(e, batch, num_segments=B)
        ee = jnp.exp(e - emax[batch])
        den = jax.ops.segment_sum(ee, batch, num_segments=B)
        a = ee / (den[batch] + 1e-16)
        r = jax.ops.segment_sum(a[:, None] * x, batch, num_segments=B)
        q_star = jnp.concatenate([q, r], axis=-1)
    g = jax.nn.relu(q_star @ params['H1'] + params['hb1'])
    return (g @ params['H2'] + params['hb2']).reshape(-1)

def reference(x, edge_index, edge_attr, batch, params):
    return _forward(x, edge_attr, params, edge_index, batch)

if __name__ == "__main__":
    import jax
    _d = setup_inputs()
    print(jax.jit(kernel)(*tuple(_d.values())))

</pallas_src>

<mosaic_0001>
#map = affine_map<(d0, d1) -> (0)>
#map1 = affine_map<(d0, d1) -> (0, 0)>
module attributes {stable_mosaic.version = 14 : i64} {
  func.func @gather(%arg0: i32, %arg1: i32, %arg2: memref<163840xi32, #tpu.memory_space<hbm>>, %arg3: memref<10000x32xf32, #tpu.memory_space<hbm>>, %arg4: memref<163840x32xf32, #tpu.memory_space<hbm>>, %arg5: memref<128xi32, #tpu.memory_space<vmem>>, %arg6: memref<128x32xf32, #tpu.memory_space<vmem>>, %arg7: memref<!tpu.dma_semaphore, #tpu.memory_space<semaphore_mem>>) attributes {dimension_semantics = [#tpu.dimension_semantics<core_parallel>, #tpu.dimension_semantics<subcore_parallel>], iteration_bounds = array<i64: 2, 16>, scalar_prefetch = 0 : i64, scratch_operands = 3 : i64, tpu.core_type = #tpu.core_type<sc_vector_subcore>, window_params = [{transform_indices = #map}, {transform_indices = #map1}, {transform_indices = #map1}]} {
    %mul3A = arith.constant 2 : i32
    %mul3A_0 = arith.muli %arg1, %mul3A : i32
    %add3A = arith.addi %mul3A_0, %arg0 : i32
    %mul3A_1 = arith.constant 5120 : i32
    %mul3A_2 = arith.muli %add3A, %mul3A_1 : i32
    %scan3A = arith.constant 0 : i32
    %scan3A_3 = arith.constant 40 : i32
    %scan3A_4 = arith.addi %scan3A, %scan3A_3 : i32
    %scan3A_5 = arith.constant 1 : i32
    scf.for %scan3A_7 = %scan3A to %scan3A_4 step %scan3A_5  : i32 {
      %mul3A_8 = arith.constant 1 : i32
      %mul3A_9 = arith.muli %scan3A_7, %mul3A_8 : i32
      %add3A_10 = arith.constant 0 : i32
      %add3A_11 = arith.addi %add3A_10, %mul3A_9 : i32
      %mul3A_12 = arith.constant 128 : i32
      %mul3A_13 = arith.muli %add3A_11, %mul3A_12 : i32
      %add3A_14 = arith.addi %mul3A_2, %mul3A_13 : i32
      %multiple_of3A = tpu.assume_multiple %add3A_14, 128 : i32
      "tpu.region"() ({
        %run_scoped3A = tpu.sem_alloc : memref<!tpu.dma_semaphore, #tpu.memory_space<semaphore_mem>>
        %dma_start3A_19 = tpu.memref_slice %arg2[%multiple_of3A] : memref<163840xi32, #tpu.memory_space<hbm>> -> memref<128xi32, #tpu.memory_space<hbm>>
        %dma_start3A_20 = tpu.memref_slice %arg2[%multiple_of3A] : memref<163840xi32, #tpu.memory_space<hbm>> -> memref<128xi32, #tpu.memory_space<hbm>>
        tpu.enqueue_dma source(%dma_start3A_20 : memref<128xi32, #tpu.memory_space<hbm>>) target(%arg5 : memref<128xi32, #tpu.memory_space<vmem>>) target_semaphore(%run_scoped3A : memref<!tpu.dma_semaphore, #tpu.memory_space<semaphore_mem>>)
        %dma_wait3A_21 = tpu.memref_slice %arg2[%multiple_of3A] : memref<163840xi32, #tpu.memory_space<hbm>> -> memref<128xi32, #tpu.memory_space<hbm>>
        %dma_wait3A_22 = tpu.memref_slice %arg2[%multiple_of3A] : memref<163840xi32, #tpu.memory_space<hbm>> -> memref<128xi32, #tpu.memory_space<hbm>>
        tpu.wait_dma2 semaphore(%run_scoped3A : memref<!tpu.dma_semaphore, #tpu.memory_space<semaphore_mem>>) src(%dma_wait3A_22 : memref<128xi32, #tpu.memory_space<hbm>>) dst(%arg5 : memref<128xi32, #tpu.memory_space<vmem>>)
        tpu.yield
      }) : () -> ()
      %dma_start3A = arith.constant 0 : i32
      %dma_start3A_15 = arith.constant 0 : i32
      %dma_start3A_16 = tpu.memref_slice %arg3[%dma_start3A, %dma_start3A_15] : memref<10000x32xf32, #tpu.memory_space<hbm>> -> memref<10000x32xf32, #tpu.memory_space<hbm>>
      tpu.enqueue_indirect_dma source(%dma_start3A_16 : memref<10000x32xf32, #tpu.memory_space<hbm>>) target(%arg6 : memref<128x32xf32, #tpu.memory_space<vmem>>) offsets(%arg5 : memref<128xi32, #tpu.memory_space<vmem>>) semaphore(%arg7 : memref<!tpu.dma_semaphore, #tpu.memory_space<semaphore_mem>>)
      %dma_wait3A = arith.constant 0 : i32
      %dma_wait3A_17 = arith.constant 0 : i32
      %dma_wait3A_18 = tpu.memref_slice %arg3[%dma_wait3A, %dma_wait3A_17] : memref<10000x32xf32, #tpu.memory_space<hbm>> -> memref<10000x32xf32, #tpu.memory_space<hbm>>
      tpu.wait_indirect_dma semaphore(%arg7 : memref<!tpu.dma_semaphore, #tpu.memory_space<semaphore_mem>>) src(%dma_wait3A_18 : memref<10000x32xf32, #tpu.memory_space<hbm>>) dst(%arg6 : memref<128x32xf32, #tpu.memory_space<vmem>>)
      "tpu.region"() ({
        %run_scoped3A = tpu.sem_alloc : memref<!tpu.dma_semaphore, #tpu.memory_space<semaphore_mem>>
        %dma_start3A_19 = arith.constant 0 : i32
        %dma_start3A_20 = tpu.memref_slice %arg4[%multiple_of3A, %dma_start3A_19] : memref<163840x32xf32, #tpu.memory_space<hbm>> -> memref<128x32xf32, #tpu.memory_space<hbm>>
        %dma_start3A_21 = arith.constant 0 : i32
        %dma_start3A_22 = tpu.memref_slice %arg4[%multiple_of3A, %dma_start3A_21] : memref<163840x32xf32, #tpu.memory_space<hbm>> -> memref<128x32xf32, #tpu.memory_space<hbm>>
        tpu.enqueue_dma source(%arg6 : memref<128x32xf32, #tpu.memory_space<vmem>>) target(%dma_start3A_22 : memref<128x32xf32, #tpu.memory_space<hbm>>) target_semaphore(%run_scoped3A : memref<!tpu.dma_semaphore, #tpu.memory_space<semaphore_mem>>)
        %dma_wait3A_23 = arith.constant 0 : i32
        %dma_wait3A_24 = tpu.memref_slice %arg4[%multiple_of3A, %dma_wait3A_23] : memref<163840x32xf32, #tpu.memory_space<hbm>> -> memref<128x32xf32, #tpu.memory_space<hbm>>
        %dma_wait3A_25 = arith.constant 0 : i32
        %dma_wait3A_26 = tpu.memref_slice %arg4[%multiple_of3A, %dma_wait3A_25] : memref<163840x32xf32, #tpu.memory_space<hbm>> -> memref<128x32xf32, #tpu.memory_space<hbm>>
        tpu.wait_dma2 semaphore(%run_scoped3A : memref<!tpu.dma_semaphore, #tpu.memory_space<semaphore_mem>>) src(%arg6 : memref<128x32xf32, #tpu.memory_space<vmem>>) dst(%dma_wait3A_26 : memref<128x32xf32, #tpu.memory_space<hbm>>)
        tpu.yield
      }) : () -> ()
    }
    %scan3A_6 = arith.constant 40 : i32
    return
  }
}

#map = affine_map<(d0, d1) -> (0)>
#map1 = affine_map<(d0, d1) -> (0, 0)>
module attributes {stable_mosaic.version = 14 : i64} {
  func.func @gather(%arg0: i32, %arg1: i32, %arg2: memref<163840xi32, #tpu.memory_space<hbm>>, %arg3: memref<10000x32xf32, #tpu.memory_space<hbm>>, %arg4: memref<163840x32xf32, #tpu.memory_space<hbm>>, %arg5: memref<128xi32, #tpu.memory_space<vmem>>, %arg6: memref<128x32xf32, #tpu.memory_space<vmem>>, %arg7: memref<!tpu.dma_semaphore, #tpu.memory_space<semaphore_mem>>) attributes {dimension_semantics = [#tpu.dimension_semantics<core_parallel>, #tpu.dimension_semantics<subcore_parallel>], iteration_bounds = array<i64: 2, 16>, scalar_prefetch = 0 : i64, scratch_operands = 3 : i64, tpu.core_type = #tpu.core_type<sc_vector_subcore>, window_params = [{transform_indices = #map}, {transform_indices = #map1}, {transform_indices = #map1}]} {
    %mul3A = arith.constant 2 : i32
    %mul3A_0 = arith.muli %arg1, %mul3A : i32
    %add3A = arith.addi %mul3A_0, %arg0 : i32
    %mul3A_1 = arith.constant 5120 : i32
    %mul3A_2 = arith.muli %add3A, %mul3A_1 : i32
    %scan3A = arith.constant 0 : i32
    %scan3A_3 = arith.constant 40 : i32
    %scan3A_4 = arith.addi %scan3A, %scan3A_3 : i32
    %scan3A_5 = arith.constant 1 : i32
    scf.for %scan3A_7 = %scan3A to %scan3A_4 step %scan3A_5  : i32 {
      %mul3A_8 = arith.constant 1 : i32
      %mul3A_9 = arith.muli %scan3A_7, %mul3A_8 : i32
      %add3A_10 = arith.constant 0 : i32
      %add3A_11 = arith.addi %add3A_10, %mul3A_9 : i32
      %mul3A_12 = arith.constant 128 : i32
      %mul3A_13 = arith.muli %add3A_11, %mul3A_12 : i32
      %add3A_14 = arith.addi %mul3A_2, %mul3A_13 : i32
      %multiple_of3A = tpu.assume_multiple %add3A_14, 128 : i32
      "tpu.region"() ({
        %run_scoped3A = tpu.sem_alloc : memref<!tpu.dma_semaphore, #tpu.memory_space<semaphore_mem>>
        %dma_start3A_19 = tpu.memref_slice %arg2[%multiple_of3A] : memref<163840xi32, #tpu.memory_space<hbm>> -> memref<128xi32, #tpu.memory_space<hbm>>
        %dma_start3A_20 = tpu.memref_slice %arg2[%multiple_of3A] : memref<163840xi32, #tpu.memory_space<hbm>> -> memref<128xi32, #tpu.memory_space<hbm>>
        tpu.enqueue_dma source(%dma_start3A_20 : memref<128xi32, #tpu.memory_space<hbm>>) target(%arg5 : memref<128xi32, #tpu.memory_space<vmem>>) target_semaphore(%run_scoped3A : memref<!tpu.dma_semaphore, #tpu.memory_space<semaphore_mem>>)
        %dma_wait3A_21 = tpu.memref_slice %arg2[%multiple_of3A] : memref<163840xi32, #tpu.memory_space<hbm>> -> memref<128xi32, #tpu.memory_space<hbm>>
        %dma_wait3A_22 = tpu.memref_slice %arg2[%multiple_of3A] : memref<163840xi32, #tpu.memory_space<hbm>> -> memref<128xi32, #tpu.memory_space<hbm>>
        tpu.wait_dma2 semaphore(%run_scoped3A : memref<!tpu.dma_semaphore, #tpu.memory_space<semaphore_mem>>) src(%dma_wait3A_22 : memref<128xi32, #tpu.memory_space<hbm>>) dst(%arg5 : memref<128xi32, #tpu.memory_space<vmem>>)
        tpu.yield
      }) : () -> ()
      %dma_start3A = arith.constant 0 : i32
      %dma_start3A_15 = arith.constant 0 : i32
      %dma_start3A_16 = tpu.memref_slice %arg3[%dma_start3A, %dma_start3A_15] : memref<10000x32xf32, #tpu.memory_space<hbm>> -> memref<10000x32xf32, #tpu.memory_space<hbm>>
      tpu.enqueue_indirect_dma source(%dma_start3A_16 : memref<10000x32xf32, #tpu.memory_space<hbm>>) target(%arg6 : memref<128x32xf32, #tpu.memory_space<vmem>>) offsets(%arg5 : memref<128xi32, #tpu.memory_space<vmem>>) semaphore(%arg7 : memref<!tpu.dma_semaphore, #tpu.memory_space<semaphore_mem>>)
      %dma_wait3A = arith.constant 0 : i32
      %dma_wait3A_17 = arith.constant 0 : i32
      %dma_wait3A_18 = tpu.memref_slice %arg3[%dma_wait3A, %dma_wait3A_17] : memref<10000x32xf32, #tpu.memory_space<hbm>> -> memref<10000x32xf32, #tpu.memory_space<hbm>>
      tpu.wait_indirect_dma semaphore(%arg7 : memref<!tpu.dma_semaphore, #tpu.memory_space<semaphore_mem>>) src(%dma_wait3A_18 : memref<10000x32xf32, #tpu.memory_space<hbm>>) dst(%arg6 : memref<128x32xf32, #tpu.memory_space<vmem>>)
      "tpu.region"() ({
        %run_scoped3A = tpu.sem_alloc : memref<!tpu.dma_semaphore, #tpu.memory_space<semaphore_mem>>
        %dma_start3A_19 = arith.constant 0 : i32
        %dma_start3A_20 = tpu.memref_slice %arg4[%multiple_of3A, %dma_start3A_19] : memref<163840x32xf32, #tpu.memory_space<hbm>> -> memref<128x32xf32, #tpu.memory_space<hbm>>
        %dma_start3A_21 = arith.constant 0 : i32
        %dma_start3A_22 = tpu.memref_slice %arg4[%multiple_of3A, %dma_start3A_21] : memref<163840x32xf32, #tpu.memory_space<hbm>> -> memref<128x32xf32, #tpu.memory_space<hbm>>
        tpu.enqueue_dma source(%arg6 : memref<128x32xf32, #tpu.memory_space<vmem>>) target(%dma_start3A_22 : memref<128x32xf32, #tpu.memory_space<hbm>>) target_semaphore(%run_scoped3A : memref<!tpu.dma_semaphore, #tpu.memory_space<semaphore_mem>>)
        %dma_wait3A_23 = arith.constant 0 : i32
        %dma_wait3A_24 = tpu.memref_slice %arg4[%multiple_of3A, %dma_wait3A_23] : memref<163840x32xf32, #tpu.memory_space<hbm>> -> memref<128x32xf32, #tpu.memory_space<hbm>>
        %dma_wait3A_25 = arith.constant 0 : i32
        %dma_wait3A_26 = tpu.memref_slice %arg4[%multiple_of3A, %dma_wait3A_25] : memref<163840x32xf32, #tpu.memory_space<hbm>> -> memref<128x32xf32, #tpu.memory_space<hbm>>
        tpu.wait_dma2 semaphore(%run_scoped3A : memref<!tpu.dma_semaphore, #tpu.memory_space<semaphore_mem>>) src(%arg6 : memref<128x32xf32, #tpu.memory_space<vmem>>) dst(%dma_wait3A_26 : memref<128x32xf32, #tpu.memory_space<hbm>>)
        tpu.yield
      }) : () -> ()
    }
    %scan3A_6 = arith.constant 40 : i32
    return
  }
}

#map = affine_map<(d0, d1) -> (0)>
#map1 = affine_map<(d0, d1) -> (0, 0)>
#map2 = affine_map<(d0, d1) -> (0, 0, 0)>
module attributes {stable_mosaic.version = 14 : i64} {
  func.func @scatter(%arg0: i32, %arg1: i32, %arg2: memref<163840xi32, #tpu.memory_space<hbm>>, %arg3: memref<163840x32xf32, #tpu.memory_space<hbm>>, %arg4: memref<632x32xf32, #tpu.memory_space<hbm>>, %arg5: memref<632x16xf32, #tpu.memory_space<hbm>>, %arg6: memref<128x16xf32, #tpu.memory_space<hbm>>, %arg7: memref<2x10112x32xf32, #tpu.memory_space<hbm>>, %arg8: memref<2x10112x16xf32, #tpu.memory_space<hbm>>, %arg9: memref<128xi32, #tpu.memory_space<vmem>>, %arg10: memref<128x32xf32, #tpu.memory_space<vmem>>, %arg11: memref<632x32xf32, #tpu.memory_space<vmem>>, %arg12: memref<10112x32xf32, #tpu.memory_space<vmem_shared>>, %arg13: memref<128x16xf32, #tpu.memory_space<vmem>>, %arg14: memref<632x16xf32, #tpu.memory_space<vmem>>, %arg15: memref<10112x16xf32, #tpu.memory_space<vmem_shared>>) attributes {dimension_semantics = [#tpu.dimension_semantics<core_parallel>, #tpu.dimension_semantics<subcore_parallel>], iteration_bounds = array<i64: 2, 16>, scalar_prefetch = 0 : i64, scratch_operands = 7 : i64, tpu.core_type = #tpu.core_type<sc_vector_subcore>, window_params = [{transform_indices = #map}, {transform_indices = #map1}, {transform_indices = #map1}, {transform_indices = #map1}, {transform_indices = #map1}, {transform_indices = #map2}, {transform_indices = #map2}]} {
    %mul3A = arith.constant 2 : i32
    %mul3A_0 = arith.muli %arg1, %mul3A : i32
    %add3A = arith.addi %mul3A_0, %arg0 : i32
    %mul3A_1 = arith.constant 632 : i32
    %mul3A_2 = arith.muli %arg1, %mul3A_1 : i32
    "tpu.region"() ({
      %run_scoped3A = tpu.sem_alloc : memref<!tpu.dma_semaphore, #tpu.memory_space<semaphore_mem>>
      tpu.enqueue_dma source(%arg4 : memref<632x32xf32, #tpu.memory_space<hbm>>) target(%arg11 : memref<632x32xf32, #tpu.memory_space<vmem>>) target_semaphore(%run_scoped3A : memref<!tpu.dma_semaphore, #tpu.memory_space<semaphore_mem>>)
      tpu.wait_dma2 semaphore(%run_scoped3A : memref<!tpu.dma_semaphore, #tpu.memory_space<semaphore_mem>>) src(%arg4 : memref<632x32xf32, #tpu.memory_space<hbm>>) dst(%arg11 : memref<632x32xf32, #tpu.memory_space<vmem>>)
      tpu.yield
    }) : () -> ()
    "tpu.region"() ({
      %run_scoped3A = tpu.sem_alloc : memref<!tpu.dma_semaphore, #tpu.memory_space<semaphore_mem>>
      %dma_start3A = arith.constant 0 : i32
      %dma_start3A_8 = tpu.memref_slice %arg12[%mul3A_2, %dma_start3A] : memref<10112x32xf32, #tpu.memory_space<vmem_shared>> -> memref<632x32xf32, #tpu.memory_space<vmem_shared>>
      %dma_start3A_9 = arith.constant 0 : i32
      %dma_start3A_10 = tpu.memref_slice %arg12[%mul3A_2, %dma_start3A_9] : memref<10112x32xf32, #tpu.memory_space<vmem_shared>> -> memref<632x32xf32, #tpu.memory_space<vmem_shared>>
      tpu.enqueue_dma source(%arg11 : memref<632x32xf32, #tpu.memory_space<vmem>>) target(%dma_start3A_10 : memref<632x32xf32, #tpu.memory_space<vmem_shared>>) target_semaphore(%run_scoped3A : memref<!tpu.dma_semaphore, #tpu.memory_space<semaphore_mem>>)
      %dma_wait3A = arith.constant 0 : i32
      %dma_wait3A_11 = tpu.memref_slice %arg12[%mul3A_2, %dma_wait3A] : memref<10112x32xf32, #tpu.memory_space<vmem_shared>> -> memref<632x32xf32, #tpu.memory_space<vmem_shared>>
      %dma_wait3A_12 = arith.constant 0 : i32
      %dma_wait3A_13 = tpu.memref_slice %arg12[%mul3A_2, %dma_wait3A_12] : memref<10112x32xf32, #tpu.memory_space<vmem_shared>> -> memref<632x32xf32, #tpu.memory_space<vmem_shared>>
      tpu.wait_dma2 semaphore(%run_scoped3A : memref<!tpu.dma_semaphore, #tpu.memory_space<semaphore_mem>>) src(%arg11 : memref<632x32xf32, #tpu.memory_space<vmem>>) dst(%dma_wait3A_13 : memref<632x32xf32, #tpu.memory_space<vmem_shared>>)
      tpu.yield
    }) : () -> ()
    "tpu.region"() ({
      %run_scoped3A = tpu.sem_alloc : memref<!tpu.dma_semaphore, #tpu.memory_space<semaphore_mem>>
      tpu.enqueue_dma source(%arg5 : memref<632x16xf32, #tpu.memory_space<hbm>>) target(%arg14 : memref<632x16xf32, #tpu.memory_space<vmem>>) target_semaphore(%run_scoped3A : memref<!tpu.dma_semaphore, #tpu.memory_space<semaphore_mem>>)
      tpu.wait_dma2 semaphore(%run_scoped3A : memref<!tpu.dma_semaphore, #tpu.memory_space<semaphore_mem>>) src(%arg5 : memref<632x16xf32, #tpu.memory_space<hbm>>) dst(%arg14 : memref<632x16xf32, #tpu.memory_space<vmem>>)
      tpu.yield
    }) : () -> ()
    "tpu.region"() ({
      %run_scoped3A = tpu.sem_alloc : memref<!tpu.dma_semaphore, #tpu.memory_space<semaphore_mem>>
      %dma_start3A = arith.constant 0 : i32
      %dma_start3A_8 = tpu.memref_slice %arg15[%mul3A_2, %dma_start3A] : memref<10112x16xf32, #tpu.memory_space<vmem_shared>> -> memref<632x16xf32, #tpu.memory_space<vmem_shared>>
      %dma_start3A_9 = arith.constant 0 : i32
      %dma_start3A_10 = tpu.memref_slice %arg15[%mul3A_2, %dma_start3A_9] : memref<10112x16xf32, #tpu.memory_space<vmem_shared>> -> memref<632x16xf32, #tpu.memory_space<vmem_shared>>
      tpu.enqueue_dma source(%arg14 : memref<632x16xf32, #tpu.memory_space<vmem>>) target(%dma_start3A_10 : memref<632x16xf32, #tpu.memory_space<vmem_shared>>) target_semaphore(%run_scoped3A : memref<!tpu.dma_semaphore, #tpu.memory_space<semaphore_mem>>)
      %dma_wait3A = arith.constant 0 : i32
      %dma_wait3A_11 = tpu.memref_slice %arg15[%mul3A_2, %dma_wait3A] : memref<10112x16xf32, #tpu.memory_space<vmem_shared>> -> memref<632x16xf32, #tpu.memory_space<vmem_shared>>
      %dma_wait3A_12 = arith.constant 0 : i32
      %dma_wait3A_13 = tpu.memref_slice %arg15[%mul3A_2, %dma_wait3A_12] : memref<10112x16xf32, #tpu.memory_space<vmem_shared>> -> memref<632x16xf32, #tpu.memory_space<vmem_shared>>
      tpu.wait_dma2 semaphore(%run_scoped3A : memref<!tpu.dma_semaphore, #tpu.memory_space<semaphore_mem>>) src(%arg14 : memref<632x16xf32, #tpu.memory_space<vmem>>) dst(%dma_wait3A_13 : memref<632x16xf32, #tpu.memory_space<vmem_shared>>)
      tpu.yield
    }) : () -> ()
    "tpu.region"() ({
      %run_scoped3A = tpu.sem_alloc : memref<!tpu.dma_semaphore, #tpu.memory_space<semaphore_mem>>
      tpu.enqueue_dma source(%arg6 : memref<128x16xf32, #tpu.memory_space<hbm>>) target(%arg13 : memref<128x16xf32, #tpu.memory_space<vmem>>) target_semaphore(%run_scoped3A : memref<!tpu.dma_semaphore, #tpu.memory_space<semaphore_mem>>)
      tpu.wait_dma2 semaphore(%run_scoped3A : memref<!tpu.dma_semaphore, #tpu.memory_space<semaphore_mem>>) src(%arg6 : memref<128x16xf32, #tpu.memory_space<hbm>>) dst(%arg13 : memref<128x16xf32, #tpu.memory_space<vmem>>)
      tpu.yield
    }) : () -> ()
    %barrier3A = arith.constant 0 : index
    tpu.barrier barrier_id(%barrier3A)
    %scan3A = arith.constant 0 : i32
    %scan3A_3 = arith.constant 40 : i32
    %scan3A_4 = arith.addi %scan3A, %scan3A_3 : i32
    %scan3A_5 = arith.constant 1 : i32
    scf.for %scan3A_8 = %scan3A to %scan3A_4 step %scan3A_5  : i32 {
      %mul3A_9 = arith.constant 1 : i32
      %mul3A_10 = arith.muli %scan3A_8, %mul3A_9 : i32
      %add3A_11 = arith.constant 0 : i32
      %add3A_12 = arith.addi %add3A_11, %mul3A_10 : i32
      %mul3A_13 = arith.constant 5120 : i32
      %mul3A_14 = arith.muli %add3A, %mul3A_13 : i32
      %mul3A_15 = arith.constant 128 : i32
      %mul3A_16 = arith.muli %add3A_12, %mul3A_15 : i32
      %add3A_17 = arith.addi %mul3A_14, %mul3A_16 : i32
      %multiple_of3A = tpu.assume_multiple %add3A_17, 128 : i32
      "tpu.region"() ({
        %run_scoped3A = tpu.sem_alloc : memref<!tpu.dma_semaphore, #tpu.memory_space<semaphore_mem>>
        %dma_start3A = tpu.memref_slice %arg2[%multiple_of3A] : memref<163840xi32, #tpu.memory_space<hbm>> -> memref<128xi32, #tpu.memory_space<hbm>>
        %dma_start3A_18 = tpu.memref_slice %arg2[%multiple_of3A] : memref<163840xi32, #tpu.memory_space<hbm>> -> memref<128xi32, #tpu.memory_space<hbm>>
        tpu.enqueue_dma source(%dma_start3A_18 : memref<128xi32, #tpu.memory_space<hbm>>) target(%arg9 : memref<128xi32, #tpu.memory_space<vmem>>) target_semaphore(%run_scoped3A : memref<!tpu.dma_semaphore, #tpu.memory_space<semaphore_mem>>)
        %dma_wait3A = tpu.memref_slice %arg2[%multiple_of3A] : memref<163840xi32, #tpu.memory_space<hbm>> -> memref<128xi32, #tpu.memory_space<hbm>>
        %dma_wait3A_19 = tpu.memref_slice %arg2[%multiple_of3A] : memref<163840xi32, #tpu.memory_space<hbm>> -> memref<128xi32, #tpu.memory_space<hbm>>
        tpu.wait_dma2 semaphore(%run_scoped3A : memref<!tpu.dma_semaphore, #tpu.memory_space<semaphore_mem>>) src(%dma_wait3A_19 : memref<128xi32, #tpu.memory_space<hbm>>) dst(%arg9 : memref<128xi32, #tpu.memory_space<vmem>>)
        tpu.yield
      }) : () -> ()
      "tpu.region"() ({
        %run_scoped3A = tpu.sem_alloc : memref<!tpu.dma_semaphore, #tpu.memory_space<semaphore_mem>>
        %dma_start3A = arith.constant 0 : i32
        %dma_start3A_18 = tpu.memref_slice %arg3[%multiple_of3A, %dma_start3A] : memref<163840x32xf32, #tpu.memory_space<hbm>> -> memref<128x32xf32, #tpu.memory_space<hbm>>
        %dma_start3A_19 = arith.constant 0 : i32
        %dma_start3A_20 = tpu.memref_slice %arg3[%multiple_of3A, %dma_start3A_19] : memref<163840x32xf32, #tpu.memory_space<hbm>> -> memref<128x32xf32, #tpu.memory_space<hbm>>
        tpu.enqueue_dma source(%dma_start3A_20 : memref<128x32xf32, #tpu.memory_space<hbm>>) target(%arg10 : memref<128x32xf32, #tpu.memory_space<vmem>>) target_semaphore(%run_scoped3A : memref<!tpu.dma_semaphore, #tpu.memory_space<semaphore_mem>>)
        %dma_wait3A = arith.constant 0 : i32
        %dma_wait3A_21 = tpu.memref_slice %arg3[%multiple_of3A, %dma_wait3A] : memref<163840x32xf32, #tpu.memory_space<hbm>> -> memref<128x32xf32, #tpu.memory_space<hbm>>
        %dma_wait3A_22 = arith.constant 0 : i32
        %dma_wait3A_23 = tpu.memref_slice %arg3[%multiple_of3A, %dma_wait3A_22] : memref<163840x32xf32, #tpu.memory_space<hbm>> -> memref<128x32xf32, #tpu.memory_space<hbm>>
        tpu.wait_dma2 semaphore(%run_scoped3A : memref<!tpu.dma_semaphore, #tpu.memory_space<semaphore_mem>>) src(%dma_wait3A_23 : memref<128x32xf32, #tpu.memory_space<hbm>>) dst(%arg10 : memref<128x32xf32, #tpu.memory_space<vmem>>)
        tpu.yield
      }) : () -> ()
      "tpu.region"() ({
        %run_scoped3A = tpu.sem_alloc : memref<!tpu.dma_semaphore, #tpu.memory_space<semaphore_mem>>
        %dma_start3A = arith.constant 0 : i32
        %dma_start3A_18 = arith.constant 0 : i32
        %dma_start3A_19 = tpu.memref_slice %arg12[%dma_start3A, %dma_start3A_18] : memref<10112x32xf32, #tpu.memory_space<vmem_shared>> -> memref<10112x32xf32, #tpu.memory_space<vmem_shared>>
        tpu.enqueue_indirect_dma source(%arg10 : memref<128x32xf32, #tpu.memory_space<vmem>>) target(%dma_start3A_19 : memref<10112x32xf32, #tpu.memory_space<vmem_shared>>) offsets(%arg9 : memref<128xi32, #tpu.memory_space<vmem>>) semaphore(%run_scoped3A : memref<!tpu.dma_semaphore, #tpu.memory_space<semaphore_mem>>) {add = true}
        %dma_wait3A = arith.constant 0 : i32
        %dma_wait3A_20 = arith.constant 0 : i32
        %dma_wait3A_21 = tpu.memref_slice %arg12[%dma_wait3A, %dma_wait3A_20] : memref<10112x32xf32, #tpu.memory_space<vmem_shared>> -> memref<10112x32xf32, #tpu.memory_space<vmem_shared>>
        tpu.wait_indirect_dma semaphore(%run_scoped3A : memref<!tpu.dma_semaphore, #tpu.memory_space<semaphore_mem>>) src(%arg10 : memref<128x32xf32, #tpu.memory_space<vmem>>) dst(%dma_wait3A_21 : memref<10112x32xf32, #tpu.memory_space<vmem_shared>>)
        tpu.yield
      }) : () -> ()
      "tpu.region"() ({
        %run_scoped3A = tpu.sem_alloc : memref<!tpu.dma_semaphore, #tpu.memory_space<semaphore_mem>>
        %dma_start3A = arith.constant 0 : i32
        %dma_start3A_18 = arith.constant 0 : i32
        %dma_start3A_19 = tpu.memref_slice %arg15[%dma_start3A, %dma_start3A_18] : memref<10112x16xf32, #tpu.memory_space<vmem_shared>> -> memref<10112x16xf32, #tpu.memory_space<vmem_shared>>
        tpu.enqueue_indirect_dma source(%arg13 : memref<128x16xf32, #tpu.memory_space<vmem>>) target(%dma_start3A_19 : memref<10112x16xf32, #tpu.memory_space<vmem_shared>>) offsets(%arg9 : memref<128xi32, #tpu.memory_space<vmem>>) semaphore(%run_scoped3A : memref<!tpu.dma_semaphore, #tpu.memory_space<semaphore_mem>>) {add = true}
        %dma_wait3A = arith.constant 0 : i32
        %dma_wait3A_20 = arith.constant 0 : i32
        %dma_wait3A_21 = tpu.memref_slice %arg15[%dma_wait3A, %dma_wait3A_20] : memref<10112x16xf32, #tpu.memory_space<vmem_shared>> -> memref<10112x16xf32, #tpu.memory_space<vmem_shared>>
        tpu.wait_indirect_dma semaphore(%run_scoped3A : memref<!tpu.dma_semaphore, #tpu.memory_space<semaphore_mem>>) src(%arg13 : memref<128x16xf32, #tpu.memory_space<vmem>>) dst(%dma_wait3A_21 : memref<10112x16xf32, #tpu.memory_space<vmem_shared>>)
        tpu.yield
      }) : () -> ()
    }
    %scan3A_6 = arith.constant 40 : i32
    %barrier3A_7 = arith.constant 0 : index
    tpu.barrier barrier_id(%barrier3A_7)
    "tpu.region"() ({
      %run_scoped3A = tpu.sem_alloc : memref<!tpu.dma_semaphore, #tpu.memory_space<semaphore_mem>>
      %dma_start3A = arith.constant 0 : i32
      %dma_start3A_8 = tpu.memref_slice %arg12[%mul3A_2, %dma_start3A] : memref<10112x32xf32, #tpu.memory_space<vmem_shared>> -> memref<632x32xf32, #tpu.memory_space<vmem_shared>>
      %dma_start3A_9 = arith.constant 0 : i32
      %dma_start3A_10 = tpu.memref_slice %arg12[%mul3A_2, %dma_start3A_9] : memref<10112x32xf32, #tpu.memory_space<vmem_shared>> -> memref<632x32xf32, #tpu.memory_space<vmem_shared>>
      tpu.enqueue_dma source(%dma_start3A_10 : memref<632x32xf32, #tpu.memory_space<vmem_shared>>) target(%arg11 : memref<632x32xf32, #tpu.memory_space<vmem>>) target_semaphore(%run_scoped3A : memref<!tpu.dma_semaphore, #tpu.memory_space<semaphore_mem>>)
      %dma_wait3A = arith.constant 0 : i32
      %dma_wait3A_11 = tpu.memref_slice %arg12[%mul3A_2, %dma_wait3A] : memref<10112x32xf32, #tpu.memory_space<vmem_shared>> -> memref<632x32xf32, #tpu.memory_space<vmem_shared>>
      %dma_wait3A_12 = arith.constant 0 : i32
      %dma_wait3A_13 = tpu.memref_slice %arg12[%mul3A_2, %dma_wait3A_12] : memref<10112x32xf32, #tpu.memory_space<vmem_shared>> -> memref<632x32xf32, #tpu.memory_space<vmem_shared>>
      tpu.wait_dma2 semaphore(%run_scoped3A : memref<!tpu.dma_semaphore, #tpu.memory_space<semaphore_mem>>) src(%dma_wait3A_13 : memref<632x32xf32, #tpu.memory_space<vmem_shared>>) dst(%arg11 : memref<632x32xf32, #tpu.memory_space<vmem>>)
      tpu.yield
    }) : () -> ()
    "tpu.region"() ({
      %run_scoped3A = tpu.sem_alloc : memref<!tpu.dma_semaphore, #tpu.memory_space<semaphore_mem>>
      %dma_start3A = arith.constant 0 : i32
      %dma_start3A_8 = tpu.memref_slice %arg7[%arg0, %mul3A_2, %dma_start3A] : memref<2x10112x32xf32, #tpu.memory_space<hbm>> -> memref<1x632x32xf32, #tpu.memory_space<hbm>>
      %dma_start3A_9 = tpu.memref_squeeze %dma_start3A_8 : memref<1x632x32xf32, #tpu.memory_space<hbm>> -> memref<632x32xf32, #tpu.memory_space<hbm>>
      %dma_start3A_10 = arith.constant 0 : i32
      %dma_start3A_11 = tpu.memref_slice %arg7[%arg0, %mul3A_2, %dma_start3A_10] : memref<2x10112x32xf32, #tpu.memory_space<hbm>> -> memref<1x632x32xf32, #tpu.memory_space<hbm>>
      %dma_start3A_12 = tpu.memref_squeeze %dma_start3A_11 : memref<1x632x32xf32, #tpu.memory_space<hbm>> -> memref<632x32xf32, #tpu.memory_space<hbm>>
      tpu.enqueue_dma source(%arg11 : memref<632x32xf32, #tpu.memory_space<vmem>>) target(%dma_start3A_12 : memref<632x32xf32, #tpu.memory_space<hbm>>) target_semaphore(%run_scoped3A : memref<!tpu.dma_semaphore, #tpu.memory_space<semaphore_mem>>)
      %dma_wait3A = arith.constant 0 : i32
      %dma_wait3A_13 = tpu.memref_slice %arg7[%arg0, %mul3A_2, %dma_wait3A] : memref<2x10112x32xf32, #tpu.memory_space<hbm>> -> memref<1x632x32xf32, #tpu.memory_space<hbm>>
      %dma_wait3A_14 = tpu.memref_squeeze %dma_wait3A_13 : memref<1x632x32xf32, #tpu.memory_space<hbm>> -> memref<632x32xf32, #tpu.memory_space<hbm>>
      %dma_wait3A_15 = arith.constant 0 : i32
      %dma_wait3A_16 = tpu.memref_slice %arg7[%arg0, %mul3A_2, %dma_wait3A_15] : memref<2x10112x32xf32, #tpu.memory_space<hbm>> -> memref<1x632x32xf32, #tpu.memory_space<hbm>>
      %dma_wait3A_17 = tpu.memref_squeeze %dma_wait3A_16 : memref<1x632x32xf32, #tpu.memory_space<hbm>> -> memref<632x32xf32, #tpu.memory_space<hbm>>
      tpu.wait_dma2 semaphore(%run_scoped3A : memref<!tpu.dma_semaphore, #tpu.memory_space<semaphore_mem>>) src(%arg11 : memref<632x32xf32, #tpu.memory_space<vmem>>) dst(%dma_wait3A_17 : memref<632x32xf32, #tpu.memory_space<hbm>>)
      tpu.yield
    }) : () -> ()
    "tpu.region"() ({
      %run_scoped3A = tpu.sem_alloc : memref<!tpu.dma_semaphore, #tpu.memory_space<semaphore_mem>>
      %dma_start3A = arith.constant 0 : i32
      %dma_start3A_8 = tpu.memref_slice %arg15[%mul3A_2, %dma_start3A] : memref<10112x16xf32, #tpu.memory_space<vmem_shared>> -> memref<632x16xf32, #tpu.memory_space<vmem_shared>>
      %dma_start3A_9 = arith.constant 0 : i32
      %dma_start3A_10 = tpu.memref_slice %arg15[%mul3A_2, %dma_start3A_9] : memref<10112x16xf32, #tpu.memory_space<vmem_shared>> -> memref<632x16xf32, #tpu.memory_space<vmem_shared>>
      tpu.enqueue_dma source(%dma_start3A_10 : memref<632x16xf32, #tpu.memory_space<vmem_shared>>) target(%arg14 : memref<632x16xf32, #tpu.memory_space<vmem>>) target_semaphore(%run_scoped3A : memref<!tpu.dma_semaphore, #tpu.memory_space<semaphore_mem>>)
      %dma_wait3A = arith.constant 0 : i32
      %dma_wait3A_11 = tpu.memref_slice %arg15[%mul3A_2, %dma_wait3A] : memref<10112x16xf32, #tpu.memory_space<vmem_shared>> -> memref<632x16xf32, #tpu.memory_space<vmem_shared>>
      %dma_wait3A_12 = arith.constant 0 : i32
      %dma_wait3A_13 = tpu.memref_slice %arg15[%mul3A_2, %dma_wait3A_12] : memref<10112x16xf32, #tpu.memory_space<vmem_shared>> -> memref<632x16xf32, #tpu.memory_space<vmem_shared>>
      tpu.wait_dma2 semaphore(%run_scoped3A : memref<!tpu.dma_semaphore, #tpu.memory_space<semaphore_mem>>) src(%dma_wait3A_13 : memref<632x16xf32, #tpu.memory_space<vmem_shared>>) dst(%arg14 : memref<632x16xf32, #tpu.memory_space<vmem>>)
      tpu.yield
    }) : () -> ()
    "tpu.region"() ({
      %run_scoped3A = tpu.sem_alloc : memref<!tpu.dma_semaphore, #tpu.memory_space<semaphore_mem>>
      %dma_start3A = arith.constant 0 : i32
      %dma_start3A_8 = tpu.memref_slice %arg8[%arg0, %mul3A_2, %dma_start3A] : memref<2x10112x16xf32, #tpu.memory_space<hbm>> -> memref<1x632x16xf32, #tpu.memory_space<hbm>>
      %dma_start3A_9 = tpu.memref_squeeze %dma_start3A_8 : memref<1x632x16xf32, #tpu.memory_space<hbm>> -> memref<632x16xf32, #tpu.memory_space<hbm>>
      %dma_start3A_10 = arith.constant 0 : i32
      %dma_start3A_11 = tpu.memref_slice %arg8[%arg0, %mul3A_2, %dma_start3A_10] : memref<2x10112x16xf32, #tpu.memory_space<hbm>> -> memref<1x632x16xf32, #tpu.memory_space<hbm>>
      %dma_start3A_12 = tpu.memref_squeeze %dma_start3A_11 : memref<1x632x16xf32, #tpu.memory_space<hbm>> -> memref<632x16xf32, #tpu.memory_space<hbm>>
      tpu.enqueue_dma source(%arg14 : memref<632x16xf32, #tpu.memory_space<vmem>>) target(%dma_start3A_12 : memref<632x16xf32, #tpu.memory_space<hbm>>) target_semaphore(%run_scoped3A : memref<!tpu.dma_semaphore, #tpu.memory_space<semaphore_mem>>)
      %dma_wait3A = arith.constant 0 : i32
      %dma_wait3A_13 = tpu.memref_slice %arg8[%arg0, %mul3A_2, %dma_wait3A] : memref<2x10112x16xf32, #tpu.memory_space<hbm>> -> memref<1x632x16xf32, #tpu.memory_space<hbm>>
      %dma_wait3A_14 = tpu.memref_squeeze %dma_wait3A_13 : memref<1x632x16xf32, #tpu.memory_space<hbm>> -> memref<632x16xf32, #tpu.memory_space<hbm>>
      %dma_wait3A_15 = arith.constant 0 : i32
      %dma_wait3A_16 = tpu.memref_slice %arg8[%arg0, %mul3A_2, %dma_wait3A_15] : memref<2x10112x16xf32, #tpu.memory_space<hbm>> -> memref<1x632x16xf32, #tpu.memory_space<hbm>>
      %dma_wait3A_17 = tpu.memref_squeeze %dma_wait3A_16 : memref<1x632x16xf32, #tpu.memory_space<hbm>> -> memref<632x16xf32, #tpu.memory_space<hbm>>
      tpu.wait_dma2 semaphore(%run_scoped3A : memref<!tpu.dma_semaphore, #tpu.memory_space<semaphore_mem>>) src(%arg14 : memref<632x16xf32, #tpu.memory_space<vmem>>) dst(%dma_wait3A_17 : memref<632x16xf32, #tpu.memory_space<hbm>>)
      tpu.yield
    }) : () -> ()
    return
  }
}

#map = affine_map<(d0, d1) -> (0)>
#map1 = affine_map<(d0, d1) -> (0, 0)>
#map2 = affine_map<(d0, d1) -> (0, 0, 0)>
module attributes {stable_mosaic.version = 14 : i64} {
  func.func @scatter(%arg0: i32, %arg1: i32, %arg2: memref<163840xi32, #tpu.memory_space<hbm>>, %arg3: memref<163840x32xf32, #tpu.memory_space<hbm>>, %arg4: memref<632x32xf32, #tpu.memory_space<hbm>>, %arg5: memref<2x10112x32xf32, #tpu.memory_space<hbm>>, %arg6: memref<128xi32, #tpu.memory_space<vmem>>, %arg7: memref<128x32xf32, #tpu.memory_space<vmem>>, %arg8: memref<632x32xf32, #tpu.memory_space<vmem>>, %arg9: memref<10112x32xf32, #tpu.memory_space<vmem_shared>>) attributes {dimension_semantics = [#tpu.dimension_semantics<core_parallel>, #tpu.dimension_semantics<subcore_parallel>], iteration_bounds = array<i64: 2, 16>, scalar_prefetch = 0 : i64, scratch_operands = 4 : i64, tpu.core_type = #tpu.core_type<sc_vector_subcore>, window_params = [{transform_indices = #map}, {transform_indices = #map1}, {transform_indices = #map1}, {transform_indices = #map2}]} {
    %mul3A = arith.constant 2 : i32
    %mul3A_0 = arith.muli %arg1, %mul3A : i32
    %add3A = arith.addi %mul3A_0, %arg0 : i32
    %mul3A_1 = arith.constant 632 : i32
    %mul3A_2 = arith.muli %arg1, %mul3A_1 : i32
    "tpu.region"() ({
      %run_scoped3A = tpu.sem_alloc : memref<!tpu.dma_semaphore, #tpu.memory_space<semaphore_mem>>
      tpu.enqueue_dma source(%arg4 : memref<632x32xf32, #tpu.memory_space<hbm>>) target(%arg8 : memref<632x32xf32, #tpu.memory_space<vmem>>) target_semaphore(%run_scoped3A : memref<!tpu.dma_semaphore, #tpu.memory_space<semaphore_mem>>)
      tpu.wait_dma2 semaphore(%run_scoped3A : memref<!tpu.dma_semaphore, #tpu.memory_space<semaphore_mem>>) src(%arg4 : memref<632x32xf32, #tpu.memory_space<hbm>>) dst(%arg8 : memref<632x32xf32, #tpu.memory_space<vmem>>)
      tpu.yield
    }) : () -> ()
    "tpu.region"() ({
      %run_scoped3A = tpu.sem_alloc : memref<!tpu.dma_semaphore, #tpu.memory_space<semaphore_mem>>
      %dma_start3A = arith.constant 0 : i32
      %dma_start3A_8 = tpu.memref_slice %arg9[%mul3A_2, %dma_start3A] : memref<10112x32xf32, #tpu.memory_space<vmem_shared>> -> memref<632x32xf32, #tpu.memory_space<vmem_shared>>
      %dma_start3A_9 = arith.constant 0 : i32
      %dma_start3A_10 = tpu.memref_slice %arg9[%mul3A_2, %dma_start3A_9] : memref<10112x32xf32, #tpu.memory_space<vmem_shared>> -> memref<632x32xf32, #tpu.memory_space<vmem_shared>>
      tpu.enqueue_dma source(%arg8 : memref<632x32xf32, #tpu.memory_space<vmem>>) target(%dma_start3A_10 : memref<632x32xf32, #tpu.memory_space<vmem_shared>>) target_semaphore(%run_scoped3A : memref<!tpu.dma_semaphore, #tpu.memory_space<semaphore_mem>>)
      %dma_wait3A = arith.constant 0 : i32
      %dma_wait3A_11 = tpu.memref_slice %arg9[%mul3A_2, %dma_wait3A] : memref<10112x32xf32, #tpu.memory_space<vmem_shared>> -> memref<632x32xf32, #tpu.memory_space<vmem_shared>>
      %dma_wait3A_12 = arith.constant 0 : i32
      %dma_wait3A_13 = tpu.memref_slice %arg9[%mul3A_2, %dma_wait3A_12] : memref<10112x32xf32, #tpu.memory_space<vmem_shared>> -> memref<632x32xf32, #tpu.memory_space<vmem_shared>>
      tpu.wait_dma2 semaphore(%run_scoped3A : memref<!tpu.dma_semaphore, #tpu.memory_space<semaphore_mem>>) src(%arg8 : memref<632x32xf32, #tpu.memory_space<vmem>>) dst(%dma_wait3A_13 : memref<632x32xf32, #tpu.memory_space<vmem_shared>>)
      tpu.yield
    }) : () -> ()
    %barrier3A = arith.constant 0 : index
    tpu.barrier barrier_id(%barrier3A)
    %scan3A = arith.constant 0 : i32
    %scan3A_3 = arith.constant 40 : i32
    %scan3A_4 = arith.addi %scan3A, %scan3A_3 : i32
    %scan3A_5 = arith.constant 1 : i32
    scf.for %scan3A_8 = %scan3A to %scan3A_4 step %scan3A_5  : i32 {
      %mul3A_9 = arith.constant 1 : i32
      %mul3A_10 = arith.muli %scan3A_8, %mul3A_9 : i32
      %add3A_11 = arith.constant 0 : i32
      %add3A_12 = arith.addi %add3A_11, %mul3A_10 : i32
      %mul3A_13 = arith.constant 5120 : i32
      %mul3A_14 = arith.muli %add3A, %mul3A_13 : i32
      %mul3A_15 = arith.constant 128 : i32
      %mul3A_16 = arith.muli %add3A_12, %mul3A_15 : i32
      %add3A_17 = arith.addi %mul3A_14, %mul3A_16 : i32
      %multiple_of3A = tpu.assume_multiple %add3A_17, 128 : i32
      "tpu.region"() ({
        %run_scoped3A = tpu.sem_alloc : memref<!tpu.dma_semaphore, #tpu.memory_space<semaphore_mem>>
        %dma_start3A = tpu.memref_slice %arg2[%multiple_of3A] : memref<163840xi32, #tpu.memory_space<hbm>> -> memref<128xi32, #tpu.memory_space<hbm>>
        %dma_start3A_18 = tpu.memref_slice %arg2[%multiple_of3A] : memref<163840xi32, #tpu.memory_space<hbm>> -> memref<128xi32, #tpu.memory_space<hbm>>
        tpu.enqueue_dma source(%dma_start3A_18 : memref<128xi32, #tpu.memory_space<hbm>>) target(%arg6 : memref<128xi32, #tpu.memory_space<vmem>>) target_semaphore(%run_scoped3A : memref<!tpu.dma_semaphore, #tpu.memory_space<semaphore_mem>>)
        %dma_wait3A = tpu.memref_slice %arg2[%multiple_of3A] : memref<163840xi32, #tpu.memory_space<hbm>> -> memref<128xi32, #tpu.memory_space<hbm>>
        %dma_wait3A_19 = tpu.memref_slice %arg2[%multiple_of3A] : memref<163840xi32, #tpu.memory_space<hbm>> -> memref<128xi32, #tpu.memory_space<hbm>>
        tpu.wait_dma2 semaphore(%run_scoped3A : memref<!tpu.dma_semaphore, #tpu.memory_space<semaphore_mem>>) src(%dma_wait3A_19 : memref<128xi32, #tpu.memory_space<hbm>>) dst(%arg6 : memref<128xi32, #tpu.memory_space<vmem>>)
        tpu.yield
      }) : () -> ()
      "tpu.region"() ({
        %run_scoped3A = tpu.sem_alloc : memref<!tpu.dma_semaphore, #tpu.memory_space<semaphore_mem>>
        %dma_start3A = arith.constant 0 : i32
        %dma_start3A_18 = tpu.memref_slice %arg3[%multiple_of3A, %dma_start3A] : memref<163840x32xf32, #tpu.memory_space<hbm>> -> memref<128x32xf32, #tpu.memory_space<hbm>>
        %dma_start3A_19 = arith.constant 0 : i32
        %dma_start3A_20 = tpu.memref_slice %arg3[%multiple_of3A, %dma_start3A_19] : memref<163840x32xf32, #tpu.memory_space<hbm>> -> memref<128x32xf32, #tpu.memory_space<hbm>>
        tpu.enqueue_dma source(%dma_start3A_20 : memref<128x32xf32, #tpu.memory_space<hbm>>) target(%arg7 : memref<128x32xf32, #tpu.memory_space<vmem>>) target_semaphore(%run_scoped3A : memref<!tpu.dma_semaphore, #tpu.memory_space<semaphore_mem>>)
        %dma_wait3A = arith.constant 0 : i32
        %dma_wait3A_21 = tpu.memref_slice %arg3[%multiple_of3A, %dma_wait3A] : memref<163840x32xf32, #tpu.memory_space<hbm>> -> memref<128x32xf32, #tpu.memory_space<hbm>>
        %dma_wait3A_22 = arith.constant 0 : i32
        %dma_wait3A_23 = tpu.memref_slice %arg3[%multiple_of3A, %dma_wait3A_22] : memref<163840x32xf32, #tpu.memory_space<hbm>> -> memref<128x32xf32, #tpu.memory_space<hbm>>
        tpu.wait_dma2 semaphore(%run_scoped3A : memref<!tpu.dma_semaphore, #tpu.memory_space<semaphore_mem>>) src(%dma_wait3A_23 : memref<128x32xf32, #tpu.memory_space<hbm>>) dst(%arg7 : memref<128x32xf32, #tpu.memory_space<vmem>>)
        tpu.yield
      }) : () -> ()
      "tpu.region"() ({
        %run_scoped3A = tpu.sem_alloc : memref<!tpu.dma_semaphore, #tpu.memory_space<semaphore_mem>>
        %dma_start3A = arith.constant 0 : i32
        %dma_start3A_18 = arith.constant 0 : i32
        %dma_start3A_19 = tpu.memref_slice %arg9[%dma_start3A, %dma_start3A_18] : memref<10112x32xf32, #tpu.memory_space<vmem_shared>> -> memref<10112x32xf32, #tpu.memory_space<vmem_shared>>
        tpu.enqueue_indirect_dma source(%arg7 : memref<128x32xf32, #tpu.memory_space<vmem>>) target(%dma_start3A_19 : memref<10112x32xf32, #tpu.memory_space<vmem_shared>>) offsets(%arg6 : memref<128xi32, #tpu.memory_space<vmem>>) semaphore(%run_scoped3A : memref<!tpu.dma_semaphore, #tpu.memory_space<semaphore_mem>>) {add = true}
        %dma_wait3A = arith.constant 0 : i32
        %dma_wait3A_20 = arith.constant 0 : i32
        %dma_wait3A_21 = tpu.memref_slice %arg9[%dma_wait3A, %dma_wait3A_20] : memref<10112x32xf32, #tpu.memory_space<vmem_shared>> -> memref<10112x32xf32, #tpu.memory_space<vmem_shared>>
        tpu.wait_indirect_dma semaphore(%run_scoped3A : memref<!tpu.dma_semaphore, #tpu.memory_space<semaphore_mem>>) src(%arg7 : memref<128x32xf32, #tpu.memory_space<vmem>>) dst(%dma_wait3A_21 : memref<10112x32xf32, #tpu.memory_space<vmem_shared>>)
        tpu.yield
      }) : () -> ()
    }
    %scan3A_6 = arith.constant 40 : i32
    %barrier3A_7 = arith.constant 0 : index
    tpu.barrier barrier_id(%barrier3A_7)
    "tpu.region"() ({
      %run_scoped3A = tpu.sem_alloc : memref<!tpu.dma_semaphore, #tpu.memory_space<semaphore_mem>>
      %dma_start3A = arith.constant 0 : i32
      %dma_start3A_8 = tpu.memref_slice %arg9[%mul3A_2, %dma_start3A] : memref<10112x32xf32, #tpu.memory_space<vmem_shared>> -> memref<632x32xf32, #tpu.memory_space<vmem_shared>>
      %dma_start3A_9 = arith.constant 0 : i32
      %dma_start3A_10 = tpu.memref_slice %arg9[%mul3A_2, %dma_start3A_9] : memref<10112x32xf32, #tpu.memory_space<vmem_shared>> -> memref<632x32xf32, #tpu.memory_space<vmem_shared>>
      tpu.enqueue_dma source(%dma_start3A_10 : memref<632x32xf32, #tpu.memory_space<vmem_shared>>) target(%arg8 : memref<632x32xf32, #tpu.memory_space<vmem>>) target_semaphore(%run_scoped3A : memref<!tpu.dma_semaphore, #tpu.memory_space<semaphore_mem>>)
      %dma_wait3A = arith.constant 0 : i32
      %dma_wait3A_11 = tpu.memref_slice %arg9[%mul3A_2, %dma_wait3A] : memref<10112x32xf32, #tpu.memory_space<vmem_shared>> -> memref<632x32xf32, #tpu.memory_space<vmem_shared>>
      %dma_wait3A_12 = arith.constant 0 : i32
      %dma_wait3A_13 = tpu.memref_slice %arg9[%mul3A_2, %dma_wait3A_12] : memref<10112x32xf32, #tpu.memory_space<vmem_shared>> -> memref<632x32xf32, #tpu.memory_space<vmem_shared>>
      tpu.wait_dma2 semaphore(%run_scoped3A : memref<!tpu.dma_semaphore, #tpu.memory_space<semaphore_mem>>) src(%dma_wait3A_13 : memref<632x32xf32, #tpu.memory_space<vmem_shared>>) dst(%arg8 : memref<632x32xf32, #tpu.memory_space<vmem>>)
      tpu.yield
    }) : () -> ()
    "tpu.region"() ({
      %run_scoped3A = tpu.sem_alloc : memref<!tpu.dma_semaphore, #tpu.memory_space<semaphore_mem>>
      %dma_start3A = arith.constant 0 : i32
      %dma_start3A_8 = tpu.memref_slice %arg5[%arg0, %mul3A_2, %dma_start3A] : memref<2x10112x32xf32, #tpu.memory_space<hbm>> -> memref<1x632x32xf32, #tpu.memory_space<hbm>>
      %dma_start3A_9 = tpu.memref_squeeze %dma_start3A_8 : memref<1x632x32xf32, #tpu.memory_space<hbm>> -> memref<632x32xf32, #tpu.memory_space<hbm>>
      %dma_start3A_10 = arith.constant 0 : i32
      %dma_start3A_11 = tpu.memref_slice %arg5[%arg0, %mul3A_2, %dma_start3A_10] : memref<2x10112x32xf32, #tpu.memory_space<hbm>> -> memref<1x632x32xf32, #tpu.memory_space<hbm>>
      %dma_start3A_12 = tpu.memref_squeeze %dma_start3A_11 : memref<1x632x32xf32, #tpu.memory_space<hbm>> -> memref<632x32xf32, #tpu.memory_space<hbm>>
      tpu.enqueue_dma source(%arg8 : memref<632x32xf32, #tpu.memory_space<vmem>>) target(%dma_start3A_12 : memref<632x32xf32, #tpu.memory_space<hbm>>) target_semaphore(%run_scoped3A : memref<!tpu.dma_semaphore, #tpu.memory_space<semaphore_mem>>)
      %dma_wait3A = arith.constant 0 : i32
      %dma_wait3A_13 = tpu.memref_slice %arg5[%arg0, %mul3A_2, %dma_wait3A] : memref<2x10112x32xf32, #tpu.memory_space<hbm>> -> memref<1x632x32xf32, #tpu.memory_space<hbm>>
      %dma_wait3A_14 = tpu.memref_squeeze %dma_wait3A_13 : memref<1x632x32xf32, #tpu.memory_space<hbm>> -> memref<632x32xf32, #tpu.memory_space<hbm>>
      %dma_wait3A_15 = arith.constant 0 : i32
      %dma_wait3A_16 = tpu.memref_slice %arg5[%arg0, %mul3A_2, %dma_wait3A_15] : memref<2x10112x32xf32, #tpu.memory_space<hbm>> -> memref<1x632x32xf32, #tpu.memory_space<hbm>>
      %dma_wait3A_17 = tpu.memref_squeeze %dma_wait3A_16 : memref<1x632x32xf32, #tpu.memory_space<hbm>> -> memref<632x32xf32, #tpu.memory_space<hbm>>
      tpu.wait_dma2 semaphore(%run_scoped3A : memref<!tpu.dma_semaphore, #tpu.memory_space<semaphore_mem>>) src(%arg8 : memref<632x32xf32, #tpu.memory_space<vmem>>) dst(%dma_wait3A_17 : memref<632x32xf32, #tpu.memory_space<hbm>>)
      tpu.yield
    }) : () -> ()
    return
  }
}

module attributes {stable_mosaic.version = 14 : i64} {
  func.func @body(%arg0: memref<10000x128xf32, #tpu.memory_space<vmem>>, %arg1: memref<128x32xf32, #tpu.memory_space<vmem>>, %arg2: memref<1x32xf32, #tpu.memory_space<vmem>>, %arg3: memref<10000x32xf32, #tpu.memory_space<vmem>>) attributes {dimension_semantics = [], scalar_prefetch = 0 : i64, scratch_operands = 0 : i64, tpu.core_type = #tpu.core_type<tc>} {
    %get3A = arith.constant 0 : index
    %get3A_0 = arith.constant 0 : index
    %get3A_1 = vector.load %arg0[%get3A, %get3A_0] : memref<10000x128xf32, #tpu.memory_space<vmem>>, vector<10000x128xf32>
    %get3A_2 = arith.constant 0 : index
    %get3A_3 = arith.constant 0 : index
    %get3A_4 = vector.load %arg1[%get3A_2, %get3A_3] : memref<128x32xf32, #tpu.memory_space<vmem>>, vector<128x32xf32>
    %convert_element_type3A = arith.truncf %get3A_1 : vector<10000x128xf32> to vector<10000x128xbf16>
    %convert_element_type3A_5 = arith.extf %convert_element_type3A : vector<10000x128xbf16> to vector<10000x128xf32>
    %convert_element_type3A_6 = arith.truncf %get3A_4 : vector<128x32xf32> to vector<128x32xbf16>
    %convert_element_type3A_7 = arith.extf %convert_element_type3A_6 : vector<128x32xbf16> to vector<128x32xf32>
    %dot_general3A = arith.constant dense<0.000000e+00> : vector<10000x32xf32>
    %dot_general3A_8 = tpu.matmul %convert_element_type3A_5, %convert_element_type3A_7, %dot_general3A {dimension_numbers = #tpu.dot_dimension_numbers<[1], [0], [0], [1], [0, 0, 1, 1], [], []>, transpose_lhs_hint = false} : vector<10000x128xf32>, vector<128x32xf32>, vector<10000x32xf32> -> vector<10000x32xf32>
    %sub3A = arith.subf %get3A_4, %convert_element_type3A_7 : vector<128x32xf32>
    %dot_general3A_9 = arith.constant dense<0.000000e+00> : vector<10000x32xf32>
    %dot_general3A_10 = tpu.matmul %convert_element_type3A_5, %sub3A, %dot_general3A_9 {dimension_numbers = #tpu.dot_dimension_numbers<[1], [0], [0], [1], [0, 0, 1, 1], [], []>, transpose_lhs_hint = false} : vector<10000x128xf32>, vector<128x32xf32>, vector<10000x32xf32> -> vector<10000x32xf32>
    %add3A = arith.addf %dot_general3A_8, %dot_general3A_10 : vector<10000x32xf32>
    %sub3A_11 = arith.subf %get3A_1, %convert_element_type3A_5 : vector<10000x128xf32>
    %dot_general3A_12 = arith.constant dense<0.000000e+00> : vector<10000x32xf32>
    %dot_general3A_13 = tpu.matmul %sub3A_11, %convert_element_type3A_7, %dot_general3A_12 {dimension_numbers = #tpu.dot_dimension_numbers<[1], [0], [0], [1], [0, 0, 1, 1], [], []>, transpose_lhs_hint = false} : vector<10000x128xf32>, vector<128x32xf32>, vector<10000x32xf32> -> vector<10000x32xf32>
    %add3A_14 = arith.addf %add3A, %dot_general3A_13 : vector<10000x32xf32>
    %get3A_15 = arith.constant 0 : index
    %get3A_16 = arith.constant 0 : index
    %get3A_17 = vector.load %arg2[%get3A_15, %get3A_16] : memref<1x32xf32, #tpu.memory_space<vmem>>, vector<1x32xf32>
    %add3A_18 = vector.broadcast %get3A_17 : vector<1x32xf32> to vector<10000x32xf32>
    %add3A_19 = arith.addf %add3A_14, %add3A_18 : vector<10000x32xf32>
    %max3A = arith.constant 0.000000e+00 : f32
    %max3A_20 = vector.broadcast %max3A : f32 to vector<10000x32xf32>
    %max3A_21 = arith.maximumf %add3A_19, %max3A_20 : vector<10000x32xf32>
    %swap3A = arith.constant 0 : index
    %swap3A_22 = arith.constant 0 : index
    %swap3A_23 = vector.load %arg3[%swap3A, %swap3A_22] : memref<10000x32xf32, #tpu.memory_space<vmem>>, vector<10000x32xf32>
    tpu.vector_store %arg3[%swap3A, %swap3A_22], %max3A_21 {strides = array<i32>} : memref<10000x32xf32, #tpu.memory_space<vmem>>, vector<10000x32xf32>,
    return
  }
}

module attributes {stable_mosaic.version = 14 : i64} {
  func.func @body(%arg0: i32, %arg1: memref<16x1024xf32, #tpu.memory_space<vmem>>, %arg2: memref<1024x32xf32, #tpu.memory_space<vmem>>, %arg3: memref<64x16xf32, #tpu.memory_space<vmem>>, %arg4: memref<64x1xf32, #tpu.memory_space<vmem>>, %arg5: memref<1024x64xf32, #tpu.memory_space<vmem>>, %arg6: memref<1024x64xf32, #tpu.memory_space<vmem>>, %arg7: memref<32x32xf32, #tpu.memory_space<vmem>>, %arg8: memref<1024x32xf32, #tpu.memory_space<vmem>>) attributes {dimension_semantics = [#tpu.dimension_semantics<arbitrary>], iteration_bounds = array<i64: 160>, scalar_prefetch = 0 : i64, scratch_operands = 0 : i64, tpu.core_type = #tpu.core_type<tc>, window_params = [{transform_indices = @transform_0, window_bounds = array<i64: 16, 1024>}, {transform_indices = @transform_1, window_bounds = array<i64: 1024, 32>}, {pipeline_mode = #tpu.pipeline_mode<synchronous>, transform_indices = @transform_2, window_bounds = array<i64: 64, 16>}, {pipeline_mode = #tpu.pipeline_mode<synchronous>, transform_indices = @transform_3, window_bounds = array<i64: 64, 1>}, {pipeline_mode = #tpu.pipeline_mode<synchronous>, transform_indices = @transform_4, window_bounds = array<i64: 1024, 64>}, {pipeline_mode = #tpu.pipeline_mode<synchronous>, transform_indices = @transform_5, window_bounds = array<i64: 1024, 64>}, {pipeline_mode = #tpu.pipeline_mode<synchronous>, transform_indices = @transform_6, window_bounds = array<i64: 32, 32>}, {transform_indices = @transform_7, window_bounds = array<i64: 1024, 32>}]} {
    %get3A = arith.constant 0 : index
    %get3A_0 = arith.constant 0 : index
    %get3A_1 = vector.load %arg3[%get3A, %get3A_0] : memref<64x16xf32, #tpu.memory_space<vmem>>, vector<64x16xf32>
    %get3A_2 = arith.constant 0 : index
    %get3A_3 = arith.constant 0 : index
    %get3A_4 = vector.load %arg1[%get3A_2, %get3A_3] : memref<16x1024xf32, #tpu.memory_space<vmem>>, vector<16x1024xf32>
    %convert_element_type3A = arith.truncf %get3A_1 : vector<64x16xf32> to vector<64x16xbf16>
    %convert_element_type3A_5 = arith.extf %convert_element_type3A : vector<64x16xbf16> to vector<64x16xf32>
    %convert_element_type3A_6 = arith.truncf %get3A_4 : vector<16x1024xf32> to vector<16x1024xbf16>
    %convert_element_type3A_7 = arith.extf %convert_element_type3A_6 : vector<16x1024xbf16> to vector<16x1024xf32>
    %dot_general3A = arith.constant dense<0.000000e+00> : vector<64x1024xf32>
    %dot_general3A_8 = tpu.matmul %convert_element_type3A_5, %convert_element_type3A_7, %dot_general3A {dimension_numbers = #tpu.dot_dimension_numbers<[1], [0], [0], [1], [0, 0, 1, 1], [], []>, transpose_lhs_hint = false} : vector<64x16xf32>, vector<16x1024xf32>, vector<64x1024xf32> -> vector<64x1024xf32>
    %sub3A = arith.subf %get3A_4, %convert_element_type3A_7 : vector<16x1024xf32>
    %dot_general3A_9 = arith.constant dense<0.000000e+00> : vector<64x1024xf32>
    %dot_general3A_10 = tpu.matmul %convert_element_type3A_5, %sub3A, %dot_general3A_9 {dimension_numbers = #tpu.dot_dimension_numbers<[1], [0], [0], [1], [0, 0, 1, 1], [], []>, transpose_lhs_hint = false} : vector<64x16xf32>, vector<16x1024xf32>, vector<64x1024xf32> -> vector<64x1024xf32>
    %add3A = arith.addf %dot_general3A_8, %dot_general3A_10 : vector<64x1024xf32>
    %sub3A_11 = arith.subf %get3A_1, %convert_element_type3A_5 : vector<64x16xf32>
    %dot_general3A_12 = arith.constant dense<0.000000e+00> : vector<64x1024xf32>
    %dot_general3A_13 = tpu.matmul %sub3A_11, %convert_element_type3A_7, %dot_general3A_12 {dimension_numbers = #tpu.dot_dimension_numbers<[1], [0], [0], [1], [0, 0, 1, 1], [], []>, transpose_lhs_hint = false} : vector<64x16xf32>, vector<16x1024xf32>, vector<64x1024xf32> -> vector<64x1024xf32>
    %add3A_14 = arith.addf %add3A, %dot_general3A_13 : vector<64x1024xf32>
    %get3A_15 = arith.constant 0 : index
    %get3A_16 = arith.constant 0 : index
    %get3A_17 = vector.load %arg4[%get3A_15, %get3A_16] : memref<64x1xf32, #tpu.memory_space<vmem>>, vector<64x1xf32>
    %add3A_18 = vector.broadcast %get3A_17 : vector<64x1xf32> to vector<64x1024xf32>
    %add3A_19 = arith.addf %add3A_14, %add3A_18 : vector<64x1024xf32>
    %max3A = arith.constant 0.000000e+00 : f32
    %max3A_20 = vector.broadcast %max3A : f32 to vector<64x1024xf32>
    %max3A_21 = arith.maximumf %add3A_19, %max3A_20 : vector<64x1024xf32>
    %convert_element_type3A_22 = arith.truncf %max3A_21 : vector<64x1024xf32> to vector<64x1024xbf16>
    %convert_element_type3A_23 = arith.extf %convert_element_type3A_22 : vector<64x1024xbf16> to vector<64x1024xf32>
    %sub3A_24 = arith.subf %max3A_21, %convert_element_type3A_23 : vector<64x1024xf32>
    %get3A_25 = arith.constant 0 : index
    %get3A_26 = arith.constant 0 : index
    %get3A_27 = vector.load %arg5[%get3A_25, %get3A_26] : memref<1024x64xf32, #tpu.memory_space<vmem>>, vector<1024x64xf32>
    %dot_general3A_28 = arith.constant dense<0.000000e+00> : vector<1024x1024xf32>
    %dot_general3A_29 = tpu.matmul %get3A_27, %convert_element_type3A_23, %dot_general3A_28 {dimension_numbers = #tpu.dot_dimension_numbers<[1], [0], [0], [1], [0, 0, 1, 1], [], []>, transpose_lhs_hint = false} : vector<1024x64xf32>, vector<64x1024xf32>, vector<1024x1024xf32> -> vector<1024x1024xf32>
    %dot_general3A_30 = arith.constant dense<0.000000e+00> : vector<1024x1024xf32>
    %dot_general3A_31 = tpu.matmul %get3A_27, %sub3A_24, %dot_general3A_30 {dimension_numbers = #tpu.dot_dimension_numbers<[1], [0], [0], [1], [0, 0, 1, 1], [], []>, transpose_lhs_hint = false} : vector<1024x64xf32>, vector<64x1024xf32>, vector<1024x1024xf32> -> vector<1024x1024xf32>
    %add3A_32 = arith.addf %dot_general3A_29, %dot_general3A_31 : vector<1024x1024xf32>
    %get3A_33 = arith.constant 0 : index
    %get3A_34 = arith.constant 0 : index
    %get3A_35 = vector.load %arg6[%get3A_33, %get3A_34] : memref<1024x64xf32, #tpu.memory_space<vmem>>, vector<1024x64xf32>
    %dot_general3A_36 = arith.constant dense<0.000000e+00> : vector<1024x1024xf32>
    %dot_general3A_37 = tpu.matmul %get3A_35, %convert_element_type3A_23, %dot_general3A_36 {dimension_numbers = #tpu.dot_dimension_numbers<[1], [0], [0], [1], [0, 0, 1, 1], [], []>, transpose_lhs_hint = false} : vector<1024x64xf32>, vector<64x1024xf32>, vector<1024x1024xf32> -> vector<1024x1024xf32>
    %add3A_38 = arith.addf %add3A_32, %dot_general3A_37 : vector<1024x1024xf32>
    %get3A_39 = arith.constant 0 : index
    %get3A_40 = arith.constant 0 : index
    %get3A_41 = vector.load %arg2[%get3A_39, %get3A_40] : memref<1024x32xf32, #tpu.memory_space<vmem>>, vector<1024x32xf32>
    %transpose3A = tpu.transpose %get3A_41, [1, 0] : vector<1024x32xf32> -> vector<32x1024xf32>
    %get3A_42 = arith.constant 0 : index
    %get3A_43 = arith.constant 0 : index
    %get3A_44 = vector.load %arg7[%get3A_42, %get3A_43] : memref<32x32xf32, #tpu.memory_space<vmem>>, vector<32x32xf32>
    %convert_element_type3A_45 = arith.truncf %get3A_44 : vector<32x32xf32> to vector<32x32xbf16>
    %convert_element_type3A_46 = arith.extf %convert_element_type3A_45 : vector<32x32xbf16> to vector<32x32xf32>
    %convert_element_type3A_47 = arith.truncf %transpose3A : vector<32x1024xf32> to vector<32x1024xbf16>
    %convert_element_type3A_48 = arith.extf %convert_element_type3A_47 : vector<32x1024xbf16> to vector<32x1024xf32>
    %dot_general3A_49 = arith.constant dense<0.000000e+00> : vector<32x1024xf32>
    %dot_general3A_50 = tpu.matmul %convert_element_type3A_46, %convert_element_type3A_48, %dot_general3A_49 {dimension_numbers = #tpu.dot_dimension_numbers<[1], [0], [0], [1], [0, 0, 1, 1], [], []>, transpose_lhs_hint = false} : vector<32x32xf32>, vector<32x1024xf32>, vector<32x1024xf32> -> vector<32x1024xf32>
    %sub3A_51 = arith.subf %transpose3A, %convert_element_type3A_48 : vector<32x1024xf32>
    %dot_general3A_52 = arith.constant dense<0.000000e+00> : vector<32x1024xf32>
    %dot_general3A_53 = tpu.matmul %convert_element_type3A_46, %sub3A_51, %dot_general3A_52 {dimension_numbers = #tpu.dot_dimension_numbers<[1], [0], [0], [1], [0, 0, 1, 1], [], []>, transpose_lhs_hint = false} : vector<32x32xf32>, vector<32x1024xf32>, vector<32x1024xf32> -> vector<32x1024xf32>
    %add3A_54 = arith.addf %dot_general3A_50, %dot_general3A_53 : vector<32x1024xf32>
    %sub3A_55 = arith.subf %get3A_44, %convert_element_type3A_46 : vector<32x32xf32>
    %dot_general3A_56 = arith.constant dense<0.000000e+00> : vector<32x1024xf32>
    %dot_general3A_57 = tpu.matmul %sub3A_55, %convert_element_type3A_48, %dot_general3A_56 {dimension_numbers = #tpu.dot_dimension_numbers<[1], [0], [0], [1], [0, 0, 1, 1], [], []>, transpose_lhs_hint = false} : vector<32x32xf32>, vector<32x1024xf32>, vector<32x1024xf32> -> vector<32x1024xf32>
    %add3A_58 = arith.addf %add3A_54, %dot_general3A_57 : vector<32x1024xf32>
    %slice3A = vector.extract_strided_slice %add3A_38 {offsets = [0, 0], sizes = [32, 1024], strides = [1, 1]} : vector<1024x1024xf32> to vector<32x1024xf32>
    %slice3A_59 = vector.extract_strided_slice %transpose3A {offsets = [0, 0], sizes = [1, 1024], strides = [1, 1]} : vector<32x1024xf32> to vector<1x1024xf32>
    %mul3A = vector.broadcast %slice3A_59 : vector<1x1024xf32> to vector<32x1024xf32>
    %mul3A_60 = arith.mulf %slice3A, %mul3A : vector<32x1024xf32>
    %add3A_61 = arith.addf %add3A_58, %mul3A_60 : vector<32x1024xf32>
    %slice3A_62 = vector.extract_strided_slice %add3A_38 {offsets = [32, 0], sizes = [32, 1024], strides = [1, 1]} : vector<1024x1024xf32> to vector<32x1024xf32>
    %slice3A_63 = vector.extract_strided_slice %transpose3A {offsets = [1, 0], sizes = [1, 1024], strides = [1, 1]} : vector<32x1024xf32> to vector<1x1024xf32>
    %mul3A_64 = vector.broadcast %slice3A_63 : vector<1x1024xf32> to vector<32x1024xf32>
    %mul3A_65 = arith.mulf %slice3A_62, %mul3A_64 : vector<32x1024xf32>
    %add3A_66 = arith.addf %add3A_61, %mul3A_65 : vector<32x1024xf32>
    %slice3A_67 = vector.extract_strided_slice %add3A_38 {offsets = [64, 0], sizes = [32, 1024], strides = [1, 1]} : vector<1024x1024xf32> to vector<32x1024xf32>
    %slice3A_68 = vector.extract_strided_slice %transpose3A {offsets = [2, 0], sizes = [1, 1024], strides = [1, 1]} : vector<32x1024xf32> to vector<1x1024xf32>
    %mul3A_69 = vector.broadcast %slice3A_68 : vector<1x1024xf32> to vector<32x1024xf32>
    %mul3A_70 = arith.mulf %slice3A_67, %mul3A_69 : vector<32x1024xf32>
    %add3A_71 = arith.addf %add3A_66, %mul3A_70 : vector<32x1024xf32>
    %slice3A_72 = vector.extract_strided_slice %add3A_38 {offsets = [96, 0], sizes = [32, 1024], strides = [1, 1]} : vector<1024x1024xf32> to vector<32x1024xf32>
    %slice3A_73 = vector.extract_strided_slice %transpose3A {offsets = [3, 0], sizes = [1, 1024], strides = [1, 1]} : vector<32x1024xf32> to vector<1x1024xf32>
    %mul3A_74 = vector.broadcast %slice3A_73 : vector<1x1024xf32> to vector<32x1024xf32>
    %mul3A_75 = arith.mulf %slice3A_72, %mul3A_74 : vector<32x1024xf32>
    %add3A_76 = arith.addf %add3A_71, %mul3A_75 : vector<32x1024xf32>
    %slice3A_77 = vector.extract_strided_slice %add3A_38 {offsets = [128, 0], sizes = [32, 1024], strides = [1, 1]} : vector<1024x1024xf32> to vector<32x1024xf32>
    %slice3A_78 = vector.extract_strided_slice %transpose3A {offsets = [4, 0], sizes = [1, 1024], strides = [1, 1]} : vector<32x1024xf32> to vector<1x1024xf32>
    %mul3A_79 = vector.broadcast %slice3A_78 : vector<1x1024xf32> to vector<32x1024xf32>
    %mul3A_80 = arith.mulf %slice3A_77, %mul3A_79 : vector<32x1024xf32>
    %add3A_81 = arith.addf %add3A_76, %mul3A_80 : vector<32x1024xf32>
    %slice3A_82 = vector.extract_strided_slice %add3A_38 {offsets = [160, 0], sizes = [32, 1024], strides = [1, 1]} : vector<1024x1024xf32> to vector<32x1024xf32>
    %slice3A_83 = vector.extract_strided_slice %transpose3A {offsets = [5, 0], sizes = [1, 1024], strides = [1, 1]} : vector<32x1024xf32> to vector<1x1024xf32>
    %mul3A_84 = vector.broadcast %slice3A_83 : vector<1x1024xf32> to vector<32x1024xf32>
    %mul3A_85 = arith.mulf %slice3A_82, %mul3A_84 : vector<32x1024xf32>
    %add3A_86 = arith.addf %add3A_81, %mul3A_85 : vector<32x1024xf32>
    %slice3A_87 = vector.extract_strided_slice %add3A_38 {offsets = [192, 0], sizes = [32, 1024], strides = [1, 1]} : vector<1024x1024xf32> to vector<32x1024xf32>
    %slice3A_88 = vector.extract_strided_slice %transpose3A {offsets = [6, 0], sizes = [1, 1024], strides = [1, 1]} : vector<32x1024xf32> to vector<1x1024xf32>
    %mul3A_89 = vector.broadcast %slice3A_88 : vector<1x1024xf32> to vector<32x1024xf32>
    %mul3A_90 = arith.mulf %slice3A_87, %mul3A_89 : vector<32x1024xf32>
    %add3A_91 = arith.addf %add3A_86, %mul3A_90 : vector<32x1024xf32>
    %slice3A_92 = vector.extract_strided_slice %add3A_38 {offsets = [224, 0], sizes = [32, 1024], strides = [1, 1]} : vector<1024x1024xf32> to vector<32x1024xf32>
    %slice3A_93 = vector.extract_strided_slice %transpose3A {offsets = [7, 0], sizes = [1, 1024], strides = [1, 1]} : vector<32x1024xf32> to vector<1x1024xf32>
    %mul3A_94 = vector.broadcast %slice3A_93 : vector<1x1024xf32> to vector<32x1024xf32>
    %mul3A_95 = arith.mulf %slice3A_92, %mul3A_94 : vector<32x1024xf32>
    %add3A_96 = arith.addf %add3A_91, %mul3A_95 : vector<32x1024xf32>
    %slice3A_97 = vector.extract_strided_slice %add3A_38 {offsets = [256, 0], sizes = [32, 1024], strides = [1, 1]} : vector<1024x1024xf32> to vector<32x1024xf32>
    %slice3A_98 = vector.extract_strided_slice %transpose3A {offsets = [8, 0], sizes = [1, 1024], strides = [1, 1]} : vector<32x1024xf32> to vector<1x1024xf32>
    %mul3A_99 = vector.broadcast %slice3A_98 : vector<1x1024xf32> to vector<32x1024xf32>
    %mul3A_100 = arith.mulf %slice3A_97, %mul3A_99 : vector<32x1024xf32>
    %add3A_101 = arith.addf %add3A_96, %mul3A_100 : vector<32x1024xf32>
    %slice3A_102 = vector.extract_strided_slice %add3A_38 {offsets = [288, 0], sizes = [32, 1024], strides = [1, 1]} : vector<1024x1024xf32> to vector<32x1024xf32>
    %slice3A_103 = vector.extract_strided_slice %transpose3A {offsets = [9, 0], sizes = [1, 1024], strides = [1, 1]} : vector<32x1024xf32> to vector<1x1024xf32>
    %mul3A_104 = vector.broadcast %slice3A_103 : vector<1x1024xf32> to vector<32x1024xf32>
    %mul3A_105 = arith.mulf %slice3A_102, %mul3A_104 : vector<32x1024xf32>
    %add3A_106 = arith.addf %add3A_101, %mul3A_105 : vector<32x1024xf32>
    %slice3A_107 = vector.extract_strided_slice %add3A_38 {offsets = [320, 0], sizes = [32, 1024], strides = [1, 1]} : vector<1024x1024xf32> to vector<32x1024xf32>
    %slice3A_108 = vector.extract_strided_slice %transpose3A {offsets = [10, 0], sizes = [1, 1024], strides = [1, 1]} : vector<32x1024xf32> to vector<1x1024xf32>
    %mul3A_109 = vector.broadcast %slice3A_108 : vector<1x1024xf32> to vector<32x1024xf32>
    %mul3A_110 = arith.mulf %slice3A_107, %mul3A_109 : vector<32x1024xf32>
    %add3A_111 = arith.addf %add3A_106, %mul3A_110 : vector<32x1024xf32>
    %slice3A_112 = vector.extract_strided_slice %add3A_38 {offsets = [352, 0], sizes = [32, 1024], strides = [1, 1]} : vector<1024x1024xf32> to vector<32x1024xf32>
    %slice3A_113 = vector.extract_strided_slice %transpose3A {offsets = [11, 0], sizes = [1, 1024], strides = [1, 1]} : vector<32x1024xf32> to vector<1x1024xf32>
    %mul3A_114 = vector.broadcast %slice3A_113 : vector<1x1024xf32> to vector<32x1024xf32>
    %mul3A_115 = arith.mulf %slice3A_112, %mul3A_114 : vector<32x1024xf32>
    %add3A_116 = arith.addf %add3A_111, %mul3A_115 : vector<32x1024xf32>
    %slice3A_117 = vector.extract_strided_slice %add3A_38 {offsets = [384, 0], sizes = [32, 1024], strides = [1, 1]} : vector<1024x1024xf32> to vector<32x1024xf32>
    %slice3A_118 = vector.extract_strided_slice %transpose3A {offsets = [12, 0], sizes = [1, 1024], strides = [1, 1]} : vector<32x1024xf32> to vector<1x1024xf32>
    %mul3A_119 = vector.broadcast %slice3A_118 : vector<1x1024xf32> to vector<32x1024xf32>
    %mul3A_120 = arith.mulf %slice3A_117, %mul3A_119 : vector<32x1024xf32>
    %add3A_121 = arith.addf %add3A_116, %mul3A_120 : vector<32x1024xf32>
    %slice3A_122 = vector.extract_strided_slice %add3A_38 {offsets = [416, 0], sizes = [32, 1024], strides = [1, 1]} : vector<1024x1024xf32> to vector<32x1024xf32>
    %slice3A_123 = vector.extract_strided_slice %transpose3A {offsets = [13, 0], sizes = [1, 1024], strides = [1, 1]} : vector<32x1024xf32> to vector<1x1024xf32>
    %mul3A_124 = vector.broadcast %slice3A_123 : vector<1x1024xf32> to vector<32x1024xf32>
    %mul3A_125 = arith.mulf %slice3A_122, %mul3A_124 : vector<32x1024xf32>
    %add3A_126 = arith.addf %add3A_121, %mul3A_125 : vector<32x1024xf32>
    %slice3A_127 = vector.extract_strided_slice %add3A_38 {offsets = [448, 0], sizes = [32, 1024], strides = [1, 1]} : vector<1024x1024xf32> to vector<32x1024xf32>
    %slice3A_128 = vector.extract_strided_slice %transpose3A {offsets = [14, 0], sizes = [1, 1024], strides = [1, 1]} : vector<32x1024xf32> to vector<1x1024xf32>
    %mul3A_129 = vector.broadcast %slice3A_128 : vector<1x1024xf32> to vector<32x1024xf32>
    %mul3A_130 = arith.mulf %slice3A_127, %mul3A_129 : vector<32x1024xf32>
    %add3A_131 = arith.addf %add3A_126, %mul3A_130 : vector<32x1024xf32>
    %slice3A_132 = vector.extract_strided_slice %add3A_38 {offsets = [480, 0], sizes = [32, 1024], strides = [1, 1]} : vector<1024x1024xf32> to vector<32x1024xf32>
    %slice3A_133 = vector.extract_strided_slice %transpose3A {offsets = [15, 0], sizes = [1, 1024], strides = [1, 1]} : vector<32x1024xf32> to vector<1x1024xf32>
    %mul3A_134 = vector.broadcast %slice3A_133 : vector<1x1024xf32> to vector<32x1024xf32>
    %mul3A_135 = arith.mulf %slice3A_132, %mul3A_134 : vector<32x1024xf32>
    %add3A_136 = arith.addf %add3A_131, %mul3A_135 : vector<32x1024xf32>
    %slice3A_137 = vector.extract_strided_slice %add3A_38 {offsets = [512, 0], sizes = [32, 1024], strides = [1, 1]} : vector<1024x1024xf32> to vector<32x1024xf32>
    %slice3A_138 = vector.extract_strided_slice %transpose3A {offsets = [16, 0], sizes = [1, 1024], strides = [1, 1]} : vector<32x1024xf32> to vector<1x1024xf32>
    %mul3A_139 = vector.broadcast %slice3A_138 : vector<1x1024xf32> to vector<32x1024xf32>
    %mul3A_140 = arith.mulf %slice3A_137, %mul3A_139 : vector<32x1024xf32>
    %add3A_141 = arith.addf %add3A_136, %mul3A_140 : vector<32x1024xf32>
    %slice3A_142 = vector.extract_strided_slice %add3A_38 {offsets = [544, 0], sizes = [32, 1024], strides = [1, 1]} : vector<1024x1024xf32> to vector<32x1024xf32>
    %slice3A_143 = vector.extract_strided_slice %transpose3A {offsets = [17, 0], sizes = [1, 1024], strides = [1, 1]} : vector<32x1024xf32> to vector<1x1024xf32>
    %mul3A_144 = vector.broadcast %slice3A_143 : vector<1x1024xf32> to vector<32x1024xf32>
    %mul3A_145 = arith.mulf %slice3A_142, %mul3A_144 : vector<32x1024xf32>
    %add3A_146 = arith.addf %add3A_141, %mul3A_145 : vector<32x1024xf32>
    %slice3A_147 = vector.extract_strided_slice %add3A_38 {offsets = [576, 0], sizes = [32, 1024], strides = [1, 1]} : vector<1024x1024xf32> to vector<32x1024xf32>
    %slice3A_148 = vector.extract_strided_slice %transpose3A {offsets = [18, 0], sizes = [1, 1024], strides = [1, 1]} : vector<32x1024xf32> to vector<1x1024xf32>
    %mul3A_149 = vector.broadcast %slice3A_148 : vector<1x1024xf32> to vector<32x1024xf32>
    %mul3A_150 = arith.mulf %slice3A_147, %mul3A_149 : vector<32x1024xf32>
    %add3A_151 = arith.addf %add3A_146, %mul3A_150 : vector<32x1024xf32>
    %slice3A_152 = vector.extract_strided_slice %add3A_38 {offsets = [608, 0], sizes = [32, 1024], strides = [1, 1]} : vector<1024x1024xf32> to vector<32x1024xf32>
    %slice3A_153 = vector.extract_strided_slice %transpose3A {offsets = [19, 0], sizes = [1, 1024], strides = [1, 1]} : vector<32x1024xf32> to vector<1x1024xf32>
    %mul3A_154 = vector.broadcast %slice3A_153 : vector<1x1024xf32> to vector<32x1024xf32>
    %mul3A_155 = arith.mulf %slice3A_152, %mul3A_154 : vector<32x1024xf32>
    %add3A_156 = arith.addf %add3A_151, %mul3A_155 : vector<32x1024xf32>
    %slice3A_157 = vector.extract_strided_slice %add3A_38 {offsets = [640, 0], sizes = [32, 1024], strides = [1, 1]} : vector<1024x1024xf32> to vector<32x1024xf32>
    %slice3A_158 = vector.extract_strided_slice %transpose3A {offsets = [20, 0], sizes = [1, 1024], strides = [1, 1]} : vector<32x1024xf32> to vector<1x1024xf32>
    %mul3A_159 = vector.broadcast %slice3A_158 : vector<1x1024xf32> to vector<32x1024xf32>
    %mul3A_160 = arith.mulf %slice3A_157, %mul3A_159 : vector<32x1024xf32>
    %add3A_161 = arith.addf %add3A_156, %mul3A_160 : vector<32x1024xf32>
    %slice3A_162 = vector.extract_strided_slice %add3A_38 {offsets = [672, 0], sizes = [32, 1024], strides = [1, 1]} : vector<1024x1024xf32> to vector<32x1024xf32>
    %slice3A_163 = vector.extract_strided_slice %transpose3A {offsets = [21, 0], sizes = [1, 1024], strides = [1, 1]} : vector<32x1024xf32> to vector<1x1024xf32>
    %mul3A_164 = vector.broadcast %slice3A_163 : vector<1x1024xf32> to vector<32x1024xf32>
    %mul3A_165 = arith.mulf %slice3A_162, %mul3A_164 : vector<32x1024xf32>
    %add3A_166 = arith.addf %add3A_161, %mul3A_165 : vector<32x1024xf32>
    %slice3A_167 = vector.extract_strided_slice %add3A_38 {offsets = [704, 0], sizes = [32, 1024], strides = [1, 1]} : vector<1024x1024xf32> to vector<32x1024xf32>
    %slice3A_168 = vector.extract_strided_slice %transpose3A {offsets = [22, 0], sizes = [1, 1024], strides = [1, 1]} : vector<32x1024xf32> to vector<1x1024xf32>
    %mul3A_169 = vector.broadcast %slice3A_168 : vector<1x1024xf32> to vector<32x1024xf32>
    %mul3A_170 = arith.mulf %slice3A_167, %mul3A_169 : vector<32x1024xf32>
    %add3A_171 = arith.addf %add3A_166, %mul3A_170 : vector<32x1024xf32>
    %slice3A_172 = vector.extract_strided_slice %add3A_38 {offsets = [736, 0], sizes = [32, 1024], strides = [1, 1]} : vector<1024x1024xf32> to vector<32x1024xf32>
    %slice3A_173 = vector.extract_strided_slice %transpose3A {offsets = [23, 0], sizes = [1, 1024], strides = [1, 1]} : vector<32x1024xf32> to vector<1x1024xf32>
    %mul3A_174 = vector.broadcast %slice3A_173 : vector<1x1024xf32> to vector<32x1024xf32>
    %mul3A_175 = arith.mulf %slice3A_172, %mul3A_174 : vector<32x1024xf32>
    %add3A_176 = arith.addf %add3A_171, %mul3A_175 : vector<32x1024xf32>
    %slice3A_177 = vector.extract_strided_slice %add3A_38 {offsets = [768, 0], sizes = [32, 1024], strides = [1, 1]} : vector<1024x1024xf32> to vector<32x1024xf32>
    %slice3A_178 = vector.extract_strided_slice %transpose3A {offsets = [24, 0], sizes = [1, 1024], strides = [1, 1]} : vector<32x1024xf32> to vector<1x1024xf32>
    %mul3A_179 = vector.broadcast %slice3A_178 : vector<1x1024xf32> to vector<32x1024xf32>
    %mul3A_180 = arith.mulf %slice3A_177, %mul3A_179 : vector<32x1024xf32>
    %add3A_181 = arith.addf %add3A_176, %mul3A_180 : vector<32x1024xf32>
    %slice3A_182 = vector.extract_strided_slice %add3A_38 {offsets = [800, 0], sizes = [32, 1024], strides = [1, 1]} : vector<1024x1024xf32> to vector<32x1024xf32>
    %slice3A_183 = vector.extract_strided_slice %transpose3A {offsets = [25, 0], sizes = [1, 1024], strides = [1, 1]} : vector<32x1024xf32> to vector<1x1024xf32>
    %mul3A_184 = vector.broadcast %slice3A_183 : vector<1x1024xf32> to vector<32x1024xf32>
    %mul3A_185 = arith.mulf %slice3A_182, %mul3A_184 : vector<32x1024xf32>
    %add3A_186 = arith.addf %add3A_181, %mul3A_185 : vector<32x1024xf32>
    %slice3A_187 = vector.extract_strided_slice %add3A_38 {offsets = [832, 0], sizes = [32, 1024], strides = [1, 1]} : vector<1024x1024xf32> to vector<32x1024xf32>
    %slice3A_188 = vector.extract_strided_slice %transpose3A {offsets = [26, 0], sizes = [1, 1024], strides = [1, 1]} : vector<32x1024xf32> to vector<1x1024xf32>
    %mul3A_189 = vector.broadcast %slice3A_188 : vector<1x1024xf32> to vector<32x1024xf32>
    %mul3A_190 = arith.mulf %slice3A_187, %mul3A_189 : vector<32x1024xf32>
    %add3A_191 = arith.addf %add3A_186, %mul3A_190 : vector<32x1024xf32>
    %slice3A_192 = vector.extract_strided_slice %add3A_38 {offsets = [864, 0], sizes = [32, 1024], strides = [1, 1]} : vector<1024x1024xf32> to vector<32x1024xf32>
    %slice3A_193 = vector.extract_strided_slice %transpose3A {offsets = [27, 0], sizes = [1, 1024], strides = [1, 1]} : vector<32x1024xf32> to vector<1x1024xf32>
    %mul3A_194 = vector.broadcast %slice3A_193 : vector<1x1024xf32> to vector<32x1024xf32>
    %mul3A_195 = arith.mulf %slice3A_192, %mul3A_194 : vector<32x1024xf32>
    %add3A_196 = arith.addf %add3A_191, %mul3A_195 : vector<32x1024xf32>
    %slice3A_197 = vector.extract_strided_slice %add3A_38 {offsets = [896, 0], sizes = [32, 1024], strides = [1, 1]} : vector<1024x1024xf32> to vector<32x1024xf32>
    %slice3A_198 = vector.extract_strided_slice %transpose3A {offsets = [28, 0], sizes = [1, 1024], strides = [1, 1]} : vector<32x1024xf32> to vector<1x1024xf32>
    %mul3A_199 = vector.broadcast %slice3A_198 : vector<1x1024xf32> to vector<32x1024xf32>
    %mul3A_200 = arith.mulf %slice3A_197, %mul3A_199 : vector<32x1024xf32>
    %add3A_201 = arith.addf %add3A_196, %mul3A_200 : vector<32x1024xf32>
    %slice3A_202 = vector.extract_strided_slice %add3A_38 {offsets = [928, 0], sizes = [32, 1024], strides = [1, 1]} : vector<1024x1024xf32> to vector<32x1024xf32>
    %slice3A_203 = vector.extract_strided_slice %transpose3A {offsets = [29, 0], sizes = [1, 1024], strides = [1, 1]} : vector<32x1024xf32> to vector<1x1024xf32>
    %mul3A_204 = vector.broadcast %slice3A_203 : vector<1x1024xf32> to vector<32x1024xf32>
    %mul3A_205 = arith.mulf %slice3A_202, %mul3A_204 : vector<32x1024xf32>
    %add3A_206 = arith.addf %add3A_201, %mul3A_205 : vector<32x1024xf32>
    %slice3A_207 = vector.extract_strided_slice %add3A_38 {offsets = [960, 0], sizes = [32, 1024], strides = [1, 1]} : vector<1024x1024xf32> to vector<32x1024xf32>
    %slice3A_208 = vector.extract_strided_slice %transpose3A {offsets = [30, 0], sizes = [1, 1024], strides = [1, 1]} : vector<32x1024xf32> to vector<1x1024xf32>
    %mul3A_209 = vector.broadcast %slice3A_208 : vector<1x1024xf32> to vector<32x1024xf32>
    %mul3A_210 = arith.mulf %slice3A_207, %mul3A_209 : vector<32x1024xf32>
    %add3A_211 = arith.addf %add3A_206, %mul3A_210 : vector<32x1024xf32>
    %slice3A_212 = vector.extract_strided_slice %add3A_38 {offsets = [992, 0], sizes = [32, 1024], strides = [1, 1]} : vector<1024x1024xf32> to vector<32x1024xf32>
    %slice3A_213 = vector.extract_strided_slice %transpose3A {offsets = [31, 0], sizes = [1, 1024], strides = [1, 1]} : vector<32x1024xf32> to vector<1x1024xf32>
    %mul3A_214 = vector.broadcast %slice3A_213 : vector<1x1024xf32> to vector<32x1024xf32>
    %mul3A_215 = arith.mulf %slice3A_212, %mul3A_214 : vector<32x1024xf32>
    %add3A_216 = arith.addf %add3A_211, %mul3A_215 : vector<32x1024xf32>
    %transpose3A_217 = tpu.transpose %add3A_216, [1, 0] : vector<32x1024xf32> -> vector<1024x32xf32>
    %swap3A = arith.constant 0 : index
    %swap3A_218 = arith.constant 0 : index
    %swap3A_219 = vector.load %arg8[%swap3A, %swap3A_218] : memref<1024x32xf32, #tpu.memory_space<vmem>>, vector<1024x32xf32>
    tpu.vector_store %arg8[%swap3A, %swap3A_218], %transpose3A_217 {strides = array<i32>} : memref<1024x32xf32, #tpu.memory_space<vmem>>, vector<1024x32xf32>,
    return
  }
  func.func @transform_0(%arg0: i32) -> (i32, i32) {
    %c0_i32 = arith.constant 0 : i32
    %c0_i32_0 = arith.constant 0 : i32
    return %c0_i32, %arg0 : i32, i32
  }
  func.func @transform_1(%arg0: i32) -> (i32, i32) {
    %c0_i32 = arith.constant 0 : i32
    %c0_i32_0 = arith.constant 0 : i32
    return %arg0, %c0_i32 : i32, i32
  }
  func.func @transform_2(%arg0: i32) -> (i32, i32) {
    %c0_i32 = arith.constant 0 : i32
    %c0_i32_0 = arith.constant 0 : i32
    %c0_i32_1 = arith.constant 0 : i32
    return %c0_i32, %c0_i32_0 : i32, i32
  }
  func.func @transform_3(%arg0: i32) -> (i32, i32) {
    %c0_i32 = arith.constant 0 : i32
    %c0_i32_0 = arith.constant 0 : i32
    %c0_i32_1 = arith.constant 0 : i32
    return %c0_i32, %c0_i32_0 : i32, i32
  }
  func.func @transform_4(%arg0: i32) -> (i32, i32) {
    %c0_i32 = arith.constant 0 : i32
    %c0_i32_0 = arith.constant 0 : i32
    %c0_i32_1 = arith.constant 0 : i32
    return %c0_i32, %c0_i32_0 : i32, i32
  }
  func.func @transform_5(%arg0: i32) -> (i32, i32) {
    %c0_i32 = arith.constant 0 : i32
    %c0_i32_0 = arith.constant 0 : i32
    %c0_i32_1 = arith.constant 0 : i32
    return %c0_i32, %c0_i32_0 : i32, i32
  }
  func.func @transform_6(%arg0: i32) -> (i32, i32) {
    %c0_i32 = arith.constant 0 : i32
    %c0_i32_0 = arith.constant 0 : i32
    %c0_i32_1 = arith.constant 0 : i32
    return %c0_i32, %c0_i32_0 : i32, i32
  }
  func.func @transform_7(%arg0: i32) -> (i32, i32) {
    %c0_i32 = arith.constant 0 : i32
    %c0_i32_0 = arith.constant 0 : i32
    return %arg0, %c0_i32 : i32, i32
  }
}

module attributes {stable_mosaic.version = 14 : i64} {
  func.func @body(%arg0: memref<20224x32xf32, #tpu.memory_space<vmem>>, %arg1: memref<20224x16xf32, #tpu.memory_space<vmem>>, %arg2: memref<10000x32xf32, #tpu.memory_space<vmem>>, %arg3: memref<32x32xf32, #tpu.memory_space<vmem>>, %arg4: memref<1x32xf32, #tpu.memory_space<vmem>>, %arg5: memref<10000x32xf32, #tpu.memory_space<vmem>>) attributes {dimension_semantics = [], scalar_prefetch = 0 : i64, scratch_operands = 0 : i64, tpu.core_type = #tpu.core_type<tc>} {
    %get3A = arith.constant 0 : index
    %get3A_0 = arith.constant 0 : index
    %get3A_1 = vector.load %arg0[%get3A, %get3A_0] : memref<20224x32xf32, #tpu.memory_space<vmem>>, vector<10000x32xf32>
    %get3A_2 = arith.constant 10112 : index
    %get3A_3 = arith.constant 0 : index
    %get3A_4 = vector.load %arg0[%get3A_2, %get3A_3] : memref<20224x32xf32, #tpu.memory_space<vmem>>, vector<10000x32xf32>
    %add3A = arith.addf %get3A_1, %get3A_4 : vector<10000x32xf32>
    %get3A_5 = arith.constant 0 : index
    %get3A_6 = arith.constant 0 : index
    %get3A_7 = vector.load %arg1[%get3A_5, %get3A_6] : memref<20224x16xf32, #tpu.memory_space<vmem>>, vector<10000x16xf32>
    %get3A_8 = arith.constant 10112 : index
    %get3A_9 = arith.constant 0 : index
    %get3A_10 = vector.load %arg1[%get3A_8, %get3A_9] : memref<20224x16xf32, #tpu.memory_space<vmem>>, vector<10000x16xf32>
    %add3A_11 = arith.addf %get3A_7, %get3A_10 : vector<10000x16xf32>
    %slice3A = vector.extract_strided_slice %add3A_11 {offsets = [0, 0], sizes = [10000, 1], strides = [1, 1]} : vector<10000x16xf32> to vector<10000x1xf32>
    %max3A = arith.constant 1.000000e+00 : f32
    %max3A_12 = vector.broadcast %max3A : f32 to vector<10000x1xf32>
    %max3A_13 = arith.maximumf %slice3A, %max3A_12 : vector<10000x1xf32>
    %div3A = vector.broadcast %max3A_13 : vector<10000x1xf32> to vector<10000x32xf32>
    %div3A_14 = arith.divf %add3A, %div3A : vector<10000x32xf32>
    %get3A_15 = arith.constant 0 : index
    %get3A_16 = arith.constant 0 : index
    %get3A_17 = vector.load %arg2[%get3A_15, %get3A_16] : memref<10000x32xf32, #tpu.memory_space<vmem>>, vector<10000x32xf32>
    %get3A_18 = arith.constant 0 : index
    %get3A_19 = arith.constant 0 : index
    %get3A_20 = vector.load %arg3[%get3A_18, %get3A_19] : memref<32x32xf32, #tpu.memory_space<vmem>>, vector<32x32xf32>
    %convert_element_type3A = arith.truncf %get3A_17 : vector<10000x32xf32> to vector<10000x32xbf16>
    %convert_element_type3A_21 = arith.extf %convert_element_type3A : vector<10000x32xbf16> to vector<10000x32xf32>
    %convert_element_type3A_22 = arith.truncf %get3A_20 : vector<32x32xf32> to vector<32x32xbf16>
    %convert_element_type3A_23 = arith.extf %convert_element_type3A_22 : vector<32x32xbf16> to vector<32x32xf32>
    %dot_general3A = arith.constant dense<0.000000e+00> : vector<10000x32xf32>
    %dot_general3A_24 = tpu.matmul %convert_element_type3A_21, %convert_element_type3A_23, %dot_general3A {dimension_numbers = #tpu.dot_dimension_numbers<[1], [0], [0], [1], [0, 0, 1, 1], [], []>, transpose_lhs_hint = false} : vector<10000x32xf32>, vector<32x32xf32>, vector<10000x32xf32> -> vector<10000x32xf32>
    %sub3A = arith.subf %get3A_20, %convert_element_type3A_23 : vector<32x32xf32>
    %dot_general3A_25 = arith.constant dense<0.000000e+00> : vector<10000x32xf32>
    %dot_general3A_26 = tpu.matmul %convert_element_type3A_21, %sub3A, %dot_general3A_25 {dimension_numbers = #tpu.dot_dimension_numbers<[1], [0], [0], [1], [0, 0, 1, 1], [], []>, transpose_lhs_hint = false} : vector<10000x32xf32>, vector<32x32xf32>, vector<10000x32xf32> -> vector<10000x32xf32>
    %add3A_27 = arith.addf %dot_general3A_24, %dot_general3A_26 : vector<10000x32xf32>
    %sub3A_28 = arith.subf %get3A_17, %convert_element_type3A_21 : vector<10000x32xf32>
    %dot_general3A_29 = arith.constant dense<0.000000e+00> : vector<10000x32xf32>
    %dot_general3A_30 = tpu.matmul %sub3A_28, %convert_element_type3A_23, %dot_general3A_29 {dimension_numbers = #tpu.dot_dimension_numbers<[1], [0], [0], [1], [0, 0, 1, 1], [], []>, transpose_lhs_hint = false} : vector<10000x32xf32>, vector<32x32xf32>, vector<10000x32xf32> -> vector<10000x32xf32>
    %add3A_31 = arith.addf %add3A_27, %dot_general3A_30 : vector<10000x32xf32>
    %add3A_32 = arith.addf %div3A_14, %add3A_31 : vector<10000x32xf32>
    %get3A_33 = arith.constant 0 : index
    %get3A_34 = arith.constant 0 : index
    %get3A_35 = vector.load %arg4[%get3A_33, %get3A_34] : memref<1x32xf32, #tpu.memory_space<vmem>>, vector<1x32xf32>
    %add3A_36 = vector.broadcast %get3A_35 : vector<1x32xf32> to vector<10000x32xf32>
    %add3A_37 = arith.addf %add3A_32, %add3A_36 : vector<10000x32xf32>
    %max3A_38 = arith.constant 0.000000e+00 : f32
    %max3A_39 = vector.broadcast %max3A_38 : f32 to vector<10000x32xf32>
    %max3A_40 = arith.maximumf %add3A_37, %max3A_39 : vector<10000x32xf32>
    %swap3A = arith.constant 0 : index
    %swap3A_41 = arith.constant 0 : index
    %swap3A_42 = vector.load %arg5[%swap3A, %swap3A_41] : memref<10000x32xf32, #tpu.memory_space<vmem>>, vector<10000x32xf32>
    tpu.vector_store %arg5[%swap3A, %swap3A_41], %max3A_40 {strides = array<i32>} : memref<10000x32xf32, #tpu.memory_space<vmem>>, vector<10000x32xf32>,
    return
  }
}

module attributes {stable_mosaic.version = 14 : i64} {
  func.func @body(%arg0: memref<10000x32xf32, #tpu.memory_space<vmem>>, %arg1: memref<10000x32xf32, #tpu.memory_space<vmem>>, %arg2: memref<1x32xf32, #tpu.memory_space<vmem>>, %arg3: memref<1x32xf32, #tpu.memory_space<vmem>>, %arg4: memref<1x32xf32, #tpu.memory_space<vmem>>, %arg5: memref<10000x1xi32, #tpu.memory_space<vmem>>, %arg6: memref<8x10000xi32, #tpu.memory_space<vmem>>, %arg7: memref<10000x32xf32, #tpu.memory_space<vmem>>) attributes {dimension_semantics = [], scalar_prefetch = 0 : i64, scratch_operands = 0 : i64, tpu.core_type = #tpu.core_type<tc>} {
    %get3A = arith.constant 0 : index
    %get3A_0 = arith.constant 0 : index
    %get3A_1 = vector.load %arg0[%get3A, %get3A_0] : memref<10000x32xf32, #tpu.memory_space<vmem>>, vector<10000x32xf32>
    %get3A_2 = arith.constant 0 : index
    %get3A_3 = arith.constant 0 : index
    %get3A_4 = vector.load %arg5[%get3A_2, %get3A_3] : memref<10000x1xi32, #tpu.memory_space<vmem>>, vector<10000x1xi32>
    %iota3A = tpu.iota {dimensions = array<i32: 1>} : vector<10000x16xi32>
    %eq3A = vector.broadcast %get3A_4 : vector<10000x1xi32> to vector<10000x16xi32>
    %eq3A_5 = arith.cmpi eq, %eq3A, %iota3A : vector<10000x16xi32>
    %convert_element_type3A = arith.extui %eq3A_5 : vector<10000x16xi1> to vector<10000x16xi32>
    %convert_element_type3A_6 = arith.sitofp %convert_element_type3A : vector<10000x16xi32> to vector<10000x16xf32>
    %get3A_7 = arith.constant 0 : index
    %get3A_8 = arith.constant 0 : index
    %get3A_9 = vector.load %arg6[%get3A_7, %get3A_8] : memref<8x10000xi32, #tpu.memory_space<vmem>>, vector<1x10000xi32>
    %iota3A_10 = tpu.iota {dimensions = array<i32: 0>} : vector<16x10000xi32>
    %eq3A_11 = vector.broadcast %get3A_9 : vector<1x10000xi32> to vector<16x10000xi32>
    %eq3A_12 = arith.cmpi eq, %eq3A_11, %iota3A_10 : vector<16x10000xi32>
    %convert_element_type3A_13 = arith.extui %eq3A_12 : vector<16x10000xi1> to vector<16x10000xi32>
    %convert_element_type3A_14 = arith.sitofp %convert_element_type3A_13 : vector<16x10000xi32> to vector<16x10000xf32>
    %reduce_sum3A = arith.constant dense<0.000000e+00> : vector<16xf32>
    %reduce_sum3A_15 = vector.multi_reduction <add>, %convert_element_type3A_14, %reduce_sum3A [1] : vector<16x10000xf32> to vector<16xf32>
    %broadcast_in_dim3A = vector.shape_cast %reduce_sum3A_15 : vector<16xf32> to vector<16x1xf32>
    %max3A = arith.constant 1.000000e+00 : f32
    %max3A_16 = vector.broadcast %max3A : f32 to vector<16x1xf32>
    %max3A_17 = arith.maximumf %broadcast_in_dim3A, %max3A_16 : vector<16x1xf32>
    %convert_element_type3A_18 = arith.truncf %get3A_1 : vector<10000x32xf32> to vector<10000x32xbf16>
    %convert_element_type3A_19 = arith.extf %convert_element_type3A_18 : vector<10000x32xbf16> to vector<10000x32xf32>
    %dot_general3A = arith.constant dense<0.000000e+00> : vector<16x32xf32>
    %dot_general3A_20 = tpu.matmul %convert_element_type3A_14, %convert_element_type3A_19, %dot_general3A {dimension_numbers = #tpu.dot_dimension_numbers<[1], [0], [0], [1], [0, 0, 1, 1], [], []>, transpose_lhs_hint = false} : vector<16x10000xf32>, vector<10000x32xf32>, vector<16x32xf32> -> vector<16x32xf32>
    %sub3A = arith.subf %get3A_1, %convert_element_type3A_19 : vector<10000x32xf32>
    %dot_general3A_21 = arith.constant dense<0.000000e+00> : vector<16x32xf32>
    %dot_general3A_22 = tpu.matmul %convert_element_type3A_14, %sub3A, %dot_general3A_21 {dimension_numbers = #tpu.dot_dimension_numbers<[1], [0], [0], [1], [0, 0, 1, 1], [], []>, transpose_lhs_hint = false} : vector<16x10000xf32>, vector<10000x32xf32>, vector<16x32xf32> -> vector<16x32xf32>
    %add3A = arith.addf %dot_general3A_20, %dot_general3A_22 : vector<16x32xf32>
    %div3A = vector.broadcast %max3A_17 : vector<16x1xf32> to vector<16x32xf32>
    %div3A_23 = arith.divf %add3A, %div3A : vector<16x32xf32>
    %get3A_24 = arith.constant 0 : index
    %get3A_25 = arith.constant 0 : index
    %get3A_26 = vector.load %arg4[%get3A_24, %get3A_25] : memref<1x32xf32, #tpu.memory_space<vmem>>, vector<1x32xf32>
    %convert_element_type3A_27 = arith.truncf %div3A_23 : vector<16x32xf32> to vector<16x32xbf16>
    %convert_element_type3A_28 = arith.extf %convert_element_type3A_27 : vector<16x32xbf16> to vector<16x32xf32>
    %dot_general3A_29 = arith.constant dense<0.000000e+00> : vector<10000x32xf32>
    %dot_general3A_30 = tpu.matmul %convert_element_type3A_6, %convert_element_type3A_28, %dot_general3A_29 {dimension_numbers = #tpu.dot_dimension_numbers<[1], [0], [0], [1], [0, 0, 1, 1], [], []>, transpose_lhs_hint = false} : vector<10000x16xf32>, vector<16x32xf32>, vector<10000x32xf32> -> vector<10000x32xf32>
    %sub3A_31 = arith.subf %div3A_23, %convert_element_type3A_28 : vector<16x32xf32>
    %dot_general3A_32 = arith.constant dense<0.000000e+00> : vector<10000x32xf32>
    %dot_general3A_33 = tpu.matmul %convert_element_type3A_6, %sub3A_31, %dot_general3A_32 {dimension_numbers = #tpu.dot_dimension_numbers<[1], [0], [0], [1], [0, 0, 1, 1], [], []>, transpose_lhs_hint = false} : vector<10000x16xf32>, vector<16x32xf32>, vector<10000x32xf32> -> vector<10000x32xf32>
    %add3A_34 = arith.addf %dot_general3A_30, %dot_general3A_33 : vector<10000x32xf32>
    %mul3A = vector.broadcast %get3A_26 : vector<1x32xf32> to vector<10000x32xf32>
    %mul3A_35 = arith.mulf %mul3A, %add3A_34 : vector<10000x32xf32>
    %sub3A_36 = arith.subf %get3A_1, %mul3A_35 : vector<10000x32xf32>
    %mul3A_37 = arith.mulf %sub3A_36, %sub3A_36 : vector<10000x32xf32>
    %convert_element_type3A_38 = arith.truncf %mul3A_37 : vector<10000x32xf32> to vector<10000x32xbf16>
    %convert_element_type3A_39 = arith.extf %convert_element_type3A_38 : vector<10000x32xbf16> to vector<10000x32xf32>
    %dot_general3A_40 = arith.constant dense<0.000000e+00> : vector<16x32xf32>
    %dot_general3A_41 = tpu.matmul %convert_element_type3A_14, %convert_element_type3A_39, %dot_general3A_40 {dimension_numbers = #tpu.dot_dimension_numbers<[1], [0], [0], [1], [0, 0, 1, 1], [], []>, transpose_lhs_hint = false} : vector<16x10000xf32>, vector<10000x32xf32>, vector<16x32xf32> -> vector<16x32xf32>
    %sub3A_42 = arith.subf %mul3A_37, %convert_element_type3A_39 : vector<10000x32xf32>
    %dot_general3A_43 = arith.constant dense<0.000000e+00> : vector<16x32xf32>
    %dot_general3A_44 = tpu.matmul %convert_element_type3A_14, %sub3A_42, %dot_general3A_43 {dimension_numbers = #tpu.dot_dimension_numbers<[1], [0], [0], [1], [0, 0, 1, 1], [], []>, transpose_lhs_hint = false} : vector<16x10000xf32>, vector<10000x32xf32>, vector<16x32xf32> -> vector<16x32xf32>
    %add3A_45 = arith.addf %dot_general3A_41, %dot_general3A_44 : vector<16x32xf32>
    %div3A_46 = vector.broadcast %max3A_17 : vector<16x1xf32> to vector<16x32xf32>
    %div3A_47 = arith.divf %add3A_45, %div3A_46 : vector<16x32xf32>
    %convert_element_type3A_48 = arith.truncf %div3A_47 : vector<16x32xf32> to vector<16x32xbf16>
    %convert_element_type3A_49 = arith.extf %convert_element_type3A_48 : vector<16x32xbf16> to vector<16x32xf32>
    %dot_general3A_50 = arith.constant dense<0.000000e+00> : vector<10000x32xf32>
    %dot_general3A_51 = tpu.matmul %convert_element_type3A_6, %convert_element_type3A_49, %dot_general3A_50 {dimension_numbers = #tpu.dot_dimension_numbers<[1], [0], [0], [1], [0, 0, 1, 1], [], []>, transpose_lhs_hint = false} : vector<10000x16xf32>, vector<16x32xf32>, vector<10000x32xf32> -> vector<10000x32xf32>
    %sub3A_52 = arith.subf %div3A_47, %convert_element_type3A_49 : vector<16x32xf32>
    %dot_general3A_53 = arith.constant dense<0.000000e+00> : vector<10000x32xf32>
    %dot_general3A_54 = tpu.matmul %convert_element_type3A_6, %sub3A_52, %dot_general3A_53 {dimension_numbers = #tpu.dot_dimension_numbers<[1], [0], [0], [1], [0, 0, 1, 1], [], []>, transpose_lhs_hint = false} : vector<10000x16xf32>, vector<16x32xf32>, vector<10000x32xf32> -> vector<10000x32xf32>
    %add3A_55 = arith.addf %dot_general3A_51, %dot_general3A_54 : vector<10000x32xf32>
    %get3A_56 = arith.constant 0 : index
    %get3A_57 = arith.constant 0 : index
    %get3A_58 = vector.load %arg2[%get3A_56, %get3A_57] : memref<1x32xf32, #tpu.memory_space<vmem>>, vector<1x32xf32>
    %mul3A_59 = vector.broadcast %get3A_58 : vector<1x32xf32> to vector<10000x32xf32>
    %mul3A_60 = arith.mulf %mul3A_59, %sub3A_36 : vector<10000x32xf32>
    %add3A_61 = arith.constant 9.99999974E-6 : f32
    %add3A_62 = vector.broadcast %add3A_61 : f32 to vector<10000x32xf32>
    %add3A_63 = arith.addf %add3A_55, %add3A_62 : vector<10000x32xf32>
    %sqrt3A = math.sqrt %add3A_63 : vector<10000x32xf32>
    %div3A_64 = arith.divf %mul3A_60, %sqrt3A : vector<10000x32xf32>
    %get3A_65 = arith.constant 0 : index
    %get3A_66 = arith.constant 0 : index
    %get3A_67 = vector.load %arg3[%get3A_65, %get3A_66] : memref<1x32xf32, #tpu.memory_space<vmem>>, vector<1x32xf32>
    %add3A_68 = vector.broadcast %get3A_67 : vector<1x32xf32> to vector<10000x32xf32>
    %add3A_69 = arith.addf %div3A_64, %add3A_68 : vector<10000x32xf32>
    %get3A_70 = arith.constant 0 : index
    %get3A_71 = arith.constant 0 : index
    %get3A_72 = vector.load %arg1[%get3A_70, %get3A_71] : memref<10000x32xf32, #tpu.memory_space<vmem>>, vector<10000x32xf32>
    %add3A_73 = arith.addf %add3A_69, %get3A_72 : vector<10000x32xf32>
    %swap3A = arith.constant 0 : index
    %swap3A_74 = arith.constant 0 : index
    %swap3A_75 = vector.load %arg7[%swap3A, %swap3A_74] : memref<10000x32xf32, #tpu.memory_space<vmem>>, vector<10000x32xf32>
    tpu.vector_store %arg7[%swap3A, %swap3A_74], %add3A_73 {strides = array<i32>} : memref<10000x32xf32, #tpu.memory_space<vmem>>, vector<10000x32xf32>,
    return
  }
}

module attributes {stable_mosaic.version = 14 : i64} {
  func.func @body(%arg0: memref<10000x32xf32, #tpu.memory_space<vmem>>, %arg1: memref<10000x1xi32, #tpu.memory_space<vmem>>, %arg2: memref<8x10000xi32, #tpu.memory_space<vmem>>, %arg3: memref<64x128xf32, #tpu.memory_space<vmem>>, %arg4: memref<32x128xf32, #tpu.memory_space<vmem>>, %arg5: memref<1x128xf32, #tpu.memory_space<vmem>>, %arg6: memref<64x32xf32, #tpu.memory_space<vmem>>, %arg7: memref<1x32xf32, #tpu.memory_space<vmem>>, %arg8: memref<1x32xf32, #tpu.memory_space<vmem>>, %arg9: memref<1x1xf32, #tpu.memory_space<vmem>>, %arg10: memref<16x1xf32, #tpu.memory_space<vmem>>) attributes {dimension_semantics = [], scalar_prefetch = 0 : i64, scratch_operands = 0 : i64, tpu.core_type = #tpu.core_type<tc>} {
    %get3A = arith.constant 0 : index
    %get3A_0 = arith.constant 0 : index
    %get3A_1 = vector.load %arg0[%get3A, %get3A_0] : memref<10000x32xf32, #tpu.memory_space<vmem>>, vector<10000x32xf32>
    %get3A_2 = arith.constant 0 : index
    %get3A_3 = arith.constant 0 : index
    %get3A_4 = vector.load %arg1[%get3A_2, %get3A_3] : memref<10000x1xi32, #tpu.memory_space<vmem>>, vector<10000x1xi32>
    %iota3A = tpu.iota {dimensions = array<i32: 1>} : vector<10000x16xi32>
    %eq3A = vector.broadcast %get3A_4 : vector<10000x1xi32> to vector<10000x16xi32>
    %eq3A_5 = arith.cmpi eq, %eq3A, %iota3A : vector<10000x16xi32>
    %convert_element_type3A = arith.extui %eq3A_5 : vector<10000x16xi1> to vector<10000x16xi32>
    %convert_element_type3A_6 = arith.sitofp %convert_element_type3A : vector<10000x16xi32> to vector<10000x16xf32>
    %get3A_7 = arith.constant 0 : index
    %get3A_8 = arith.constant 0 : index
    %get3A_9 = vector.load %arg2[%get3A_7, %get3A_8] : memref<8x10000xi32, #tpu.memory_space<vmem>>, vector<1x10000xi32>
    %iota3A_10 = tpu.iota {dimensions = array<i32: 0>} : vector<16x10000xi32>
    %eq3A_11 = vector.broadcast %get3A_9 : vector<1x10000xi32> to vector<16x10000xi32>
    %eq3A_12 = arith.cmpi eq, %eq3A_11, %iota3A_10 : vector<16x10000xi32>
    %convert_element_type3A_13 = arith.extui %eq3A_12 : vector<16x10000xi1> to vector<16x10000xi32>
    %convert_element_type3A_14 = arith.sitofp %convert_element_type3A_13 : vector<16x10000xi32> to vector<16x10000xf32>
    %broadcast_in_dim3A = arith.constant 0.000000e+00 : f32
    %broadcast_in_dim3A_15 = vector.broadcast %broadcast_in_dim3A : f32 to vector<16x64xf32>
    %broadcast_in_dim3A_16 = arith.constant 0.000000e+00 : f32
    %broadcast_in_dim3A_17 = vector.broadcast %broadcast_in_dim3A_16 : f32 to vector<16x32xf32>
    %broadcast_in_dim3A_18 = arith.constant 0.000000e+00 : f32
    %broadcast_in_dim3A_19 = vector.broadcast %broadcast_in_dim3A_18 : f32 to vector<16x32xf32>
    %get3A_20 = arith.constant 0 : index
    %get3A_21 = arith.constant 0 : index
    %get3A_22 = vector.load %arg3[%get3A_20, %get3A_21] : memref<64x128xf32, #tpu.memory_space<vmem>>, vector<64x128xf32>
    %convert_element_type3A_23 = arith.truncf %broadcast_in_dim3A_15 : vector<16x64xf32> to vector<16x64xbf16>
    %convert_element_type3A_24 = arith.extf %convert_element_type3A_23 : vector<16x64xbf16> to vector<16x64xf32>
    %convert_element_type3A_25 = arith.truncf %get3A_22 : vector<64x128xf32> to vector<64x128xbf16>
    %convert_element_type3A_26 = arith.extf %convert_element_type3A_25 : vector<64x128xbf16> to vector<64x128xf32>
    %dot_general3A = arith.constant dense<0.000000e+00> : vector<16x128xf32>
    %dot_general3A_27 = tpu.matmul %convert_element_type3A_24, %convert_element_type3A_26, %dot_general3A {dimension_numbers = #tpu.dot_dimension_numbers<[1], [0], [0], [1], [0, 0, 1, 1], [], []>, transpose_lhs_hint = false} : vector<16x64xf32>, vector<64x128xf32>, vector<16x128xf32> -> vector<16x128xf32>
    %sub3A = arith.subf %get3A_22, %convert_element_type3A_26 : vector<64x128xf32>
    %dot_general3A_28 = arith.constant dense<0.000000e+00> : vector<16x128xf32>
    %dot_general3A_29 = tpu.matmul %convert_element_type3A_24, %sub3A, %dot_general3A_28 {dimension_numbers = #tpu.dot_dimension_numbers<[1], [0], [0], [1], [0, 0, 1, 1], [], []>, transpose_lhs_hint = false} : vector<16x64xf32>, vector<64x128xf32>, vector<16x128xf32> -> vector<16x128xf32>
    %add3A = arith.addf %dot_general3A_27, %dot_general3A_29 : vector<16x128xf32>
    %sub3A_30 = arith.subf %broadcast_in_dim3A_15, %convert_element_type3A_24 : vector<16x64xf32>
    %dot_general3A_31 = arith.constant dense<0.000000e+00> : vector<16x128xf32>
    %dot_general3A_32 = tpu.matmul %sub3A_30, %convert_element_type3A_26, %dot_general3A_31 {dimension_numbers = #tpu.dot_dimension_numbers<[1], [0], [0], [1], [0, 0, 1, 1], [], []>, transpose_lhs_hint = false} : vector<16x64xf32>, vector<64x128xf32>, vector<16x128xf32> -> vector<16x128xf32>
    %add3A_33 = arith.addf %add3A, %dot_general3A_32 : vector<16x128xf32>
    %get3A_34 = arith.constant 0 : index
    %get3A_35 = arith.constant 0 : index
    %get3A_36 = vector.load %arg4[%get3A_34, %get3A_35] : memref<32x128xf32, #tpu.memory_space<vmem>>, vector<32x128xf32>
    %convert_element_type3A_37 = arith.truncf %broadcast_in_dim3A_17 : vector<16x32xf32> to vector<16x32xbf16>
    %convert_element_type3A_38 = arith.extf %convert_element_type3A_37 : vector<16x32xbf16> to vector<16x32xf32>
    %convert_element_type3A_39 = arith.truncf %get3A_36 : vector<32x128xf32> to vector<32x128xbf16>
    %convert_element_type3A_40 = arith.extf %convert_element_type3A_39 : vector<32x128xbf16> to vector<32x128xf32>
    %dot_general3A_41 = arith.constant dense<0.000000e+00> : vector<16x128xf32>
    %dot_general3A_42 = tpu.matmul %convert_element_type3A_38, %convert_element_type3A_40, %dot_general3A_41 {dimension_numbers = #tpu.dot_dimension_numbers<[1], [0], [0], [1], [0, 0, 1, 1], [], []>, transpose_lhs_hint = false} : vector<16x32xf32>, vector<32x128xf32>, vector<16x128xf32> -> vector<16x128xf32>
    %sub3A_43 = arith.subf %get3A_36, %convert_element_type3A_40 : vector<32x128xf32>
    %dot_general3A_44 = arith.constant dense<0.000000e+00> : vector<16x128xf32>
    %dot_general3A_45 = tpu.matmul %convert_element_type3A_38, %sub3A_43, %dot_general3A_44 {dimension_numbers = #tpu.dot_dimension_numbers<[1], [0], [0], [1], [0, 0, 1, 1], [], []>, transpose_lhs_hint = false} : vector<16x32xf32>, vector<32x128xf32>, vector<16x128xf32> -> vector<16x128xf32>
    %add3A_46 = arith.addf %dot_general3A_42, %dot_general3A_45 : vector<16x128xf32>
    %sub3A_47 = arith.subf %broadcast_in_dim3A_17, %convert_element_type3A_38 : vector<16x32xf32>
    %dot_general3A_48 = arith.constant dense<0.000000e+00> : vector<16x128xf32>
    %dot_general3A_49 = tpu.matmul %sub3A_47, %convert_element_type3A_40, %dot_general3A_48 {dimension_numbers = #tpu.dot_dimension_numbers<[1], [0], [0], [1], [0, 0, 1, 1], [], []>, transpose_lhs_hint = false} : vector<16x32xf32>, vector<32x128xf32>, vector<16x128xf32> -> vector<16x128xf32>
    %add3A_50 = arith.addf %add3A_46, %dot_general3A_49 : vector<16x128xf32>
    %add3A_51 = arith.addf %add3A_33, %add3A_50 : vector<16x128xf32>
    %get3A_52 = arith.constant 0 : index
    %get3A_53 = arith.constant 0 : index
    %get3A_54 = vector.load %arg5[%get3A_52, %get3A_53] : memref<1x128xf32, #tpu.memory_space<vmem>>, vector<1x128xf32>
    %add3A_55 = vector.broadcast %get3A_54 : vector<1x128xf32> to vector<16x128xf32>
    %add3A_56 = arith.addf %add3A_51, %add3A_55 : vector<16x128xf32>
    %slice3A = vector.extract_strided_slice %add3A_56 {offsets = [0, 0], sizes = [16, 32], strides = [1, 1]} : vector<16x128xf32> to vector<16x32xf32>
    %logistic3A = arith.negf %slice3A : vector<16x32xf32>
    %logistic3A_57 = math.exp %logistic3A : vector<16x32xf32>
    %logistic3A_58 = arith.constant 1.000000e+00 : f32
    %logistic3A_59 = vector.broadcast %logistic3A_58 : f32 to vector<16x32xf32>
    %logistic3A_60 = arith.addf %logistic3A_59, %logistic3A_57 : vector<16x32xf32>
    %logistic3A_61 = arith.divf %logistic3A_59, %logistic3A_60 : vector<16x32xf32>
    %slice3A_62 = vector.extract_strided_slice %add3A_56 {offsets = [0, 32], sizes = [16, 32], strides = [1, 1]} : vector<16x128xf32> to vector<16x32xf32>
    %logistic3A_63 = arith.negf %slice3A_62 : vector<16x32xf32>
    %logistic3A_64 = math.exp %logistic3A_63 : vector<16x32xf32>
    %logistic3A_65 = arith.constant 1.000000e+00 : f32
    %logistic3A_66 = vector.broadcast %logistic3A_65 : f32 to vector<16x32xf32>
    %logistic3A_67 = arith.addf %logistic3A_66, %logistic3A_64 : vector<16x32xf32>
    %logistic3A_68 = arith.divf %logistic3A_66, %logistic3A_67 : vector<16x32xf32>
    %slice3A_69 = vector.extract_strided_slice %add3A_56 {offsets = [0, 64], sizes = [16, 32], strides = [1, 1]} : vector<16x128xf32> to vector<16x32xf32>
    %tanh3A = math.tanh %slice3A_69 : vector<16x32xf32>
    %slice3A_70 = vector.extract_strided_slice %add3A_56 {offsets = [0, 96], sizes = [16, 32], strides = [1, 1]} : vector<16x128xf32> to vector<16x32xf32>
    %logistic3A_71 = arith.negf %slice3A_70 : vector<16x32xf32>
    %logistic3A_72 = math.exp %logistic3A_71 : vector<16x32xf32>
    %logistic3A_73 = arith.constant 1.000000e+00 : f32
    %logistic3A_74 = vector.broadcast %logistic3A_73 : f32 to vector<16x32xf32>
    %logistic3A_75 = arith.addf %logistic3A_74, %logistic3A_72 : vector<16x32xf32>
    %logistic3A_76 = arith.divf %logistic3A_74, %logistic3A_75 : vector<16x32xf32>
    %mul3A = arith.mulf %logistic3A_68, %broadcast_in_dim3A_19 : vector<16x32xf32>
    %mul3A_77 = arith.mulf %logistic3A_61, %tanh3A : vector<16x32xf32>
    %add3A_78 = arith.addf %mul3A, %mul3A_77 : vector<16x32xf32>
    %tanh3A_79 = math.tanh %add3A_78 : vector<16x32xf32>
    %mul3A_80 = arith.mulf %logistic3A_76, %tanh3A_79 : vector<16x32xf32>
    %convert_element_type3A_81 = arith.truncf %mul3A_80 : vector<16x32xf32> to vector<16x32xbf16>
    %convert_element_type3A_82 = arith.extf %convert_element_type3A_81 : vector<16x32xbf16> to vector<16x32xf32>
    %dot_general3A_83 = arith.constant dense<0.000000e+00> : vector<10000x32xf32>
    %dot_general3A_84 = tpu.matmul %convert_element_type3A_6, %convert_element_type3A_82, %dot_general3A_83 {dimension_numbers = #tpu.dot_dimension_numbers<[1], [0], [0], [1], [0, 0, 1, 1], [], []>, transpose_lhs_hint = false} : vector<10000x16xf32>, vector<16x32xf32>, vector<10000x32xf32> -> vector<10000x32xf32>
    %sub3A_85 = arith.subf %mul3A_80, %convert_element_type3A_82 : vector<16x32xf32>
    %dot_general3A_86 = arith.constant dense<0.000000e+00> : vector<10000x32xf32>
    %dot_general3A_87 = tpu.matmul %convert_element_type3A_6, %sub3A_85, %dot_general3A_86 {dimension_numbers = #tpu.dot_dimension_numbers<[1], [0], [0], [1], [0, 0, 1, 1], [], []>, transpose_lhs_hint = false} : vector<10000x16xf32>, vector<16x32xf32>, vector<10000x32xf32> -> vector<10000x32xf32>
    %add3A_88 = arith.addf %dot_general3A_84, %dot_general3A_87 : vector<10000x32xf32>
    %mul3A_89 = arith.mulf %get3A_1, %add3A_88 : vector<10000x32xf32>
    %reduce_sum3A = arith.constant dense<0.000000e+00> : vector<10000xf32>
    %reduce_sum3A_90 = vector.multi_reduction <add>, %mul3A_89, %reduce_sum3A [1] : vector<10000x32xf32> to vector<10000xf32>
    %broadcast_in_dim3A_91 = vector.shape_cast %reduce_sum3A_90 : vector<10000xf32> to vector<10000x1xf32>
    %gt3A = arith.constant 0.000000e+00 : f32
    %gt3A_92 = vector.broadcast %gt3A : f32 to vector<10000x16xf32>
    %gt3A_93 = arith.cmpf ogt, %convert_element_type3A_6, %gt3A_92 : vector<10000x16xf32>
    %jit3A = arith.constant -1.000000e+30 : f32
    %broadcast_in_dim3A_94 = vector.shape_cast %broadcast_in_dim3A_91 : vector<10000x1xf32> to vector<10000x1xf32>
    %broadcast_in_dim3A_95 = vector.broadcast %broadcast_in_dim3A_94 : vector<10000x1xf32> to vector<10000x16xf32>
    %broadcast_in_dim3A_96 = vector.broadcast %jit3A : f32 to vector<10000x16xf32>
    %select_n3A = arith.select %gt3A_93, %broadcast_in_dim3A_95, %broadcast_in_dim3A_96 : vector<10000x16xi1>, vector<10000x16xf32>
    %reduce_max3A = arith.constant dense<0xFF800000> : vector<16xf32>
    %reduce_max3A_97 = vector.multi_reduction <maximumf>, %select_n3A, %reduce_max3A [0] : vector<10000x16xf32> to vector<16xf32>
    %broadcast_in_dim3A_98 = vector.shape_cast %reduce_max3A_97 : vector<16xf32> to vector<1x16xf32>
    %mul3A_99 = vector.broadcast %broadcast_in_dim3A_98 : vector<1x16xf32> to vector<10000x16xf32>
    %mul3A_100 = arith.mulf %convert_element_type3A_6, %mul3A_99 : vector<10000x16xf32>
    %reduce_sum3A_101 = arith.constant dense<0.000000e+00> : vector<10000xf32>
    %reduce_sum3A_102 = vector.multi_reduction <add>, %mul3A_100, %reduce_sum3A_101 [1] : vector<10000x16xf32> to vector<10000xf32>
    %broadcast_in_dim3A_103 = vector.shape_cast %reduce_sum3A_102 : vector<10000xf32> to vector<10000x1xf32>
    %sub3A_104 = arith.subf %broadcast_in_dim3A_91, %broadcast_in_dim3A_103 : vector<10000x1xf32>
    %exp3A = math.exp %sub3A_104 : vector<10000x1xf32>
    %mul3A_105 = vector.broadcast %exp3A : vector<10000x1xf32> to vector<10000x16xf32>
    %mul3A_106 = arith.mulf %convert_element_type3A_6, %mul3A_105 : vector<10000x16xf32>
    %reduce_sum3A_107 = arith.constant dense<0.000000e+00> : vector<16xf32>
    %reduce_sum3A_108 = vector.multi_reduction <add>, %mul3A_106, %reduce_sum3A_107 [0] : vector<10000x16xf32> to vector<16xf32>
    %broadcast_in_dim3A_109 = vector.shape_cast %reduce_sum3A_108 : vector<16xf32> to vector<1x16xf32>
    %mul3A_110 = vector.broadcast %broadcast_in_dim3A_109 : vector<1x16xf32> to vector<10000x16xf32>
    %mul3A_111 = arith.mulf %convert_element_type3A_6, %mul3A_110 : vector<10000x16xf32>
    %reduce_sum3A_112 = arith.constant dense<0.000000e+00> : vector<10000xf32>
    %reduce_sum3A_113 = vector.multi_reduction <add>, %mul3A_111, %reduce_sum3A_112 [1] : vector<10000x16xf32> to vector<10000xf32>
    %broadcast_in_dim3A_114 = vector.shape_cast %reduce_sum3A_113 : vector<10000xf32> to vector<10000x1xf32>
    %add3A_115 = arith.constant 1.000000e-16 : f32
    %add3A_116 = vector.broadcast %add3A_115 : f32 to vector<10000x1xf32>
    %add3A_117 = arith.addf %broadcast_in_dim3A_114, %add3A_116 : vector<10000x1xf32>
    %div3A = arith.divf %exp3A, %add3A_117 : vector<10000x1xf32>
    %mul3A_118 = vector.broadcast %div3A : vector<10000x1xf32> to vector<10000x32xf32>
    %mul3A_119 = arith.mulf %mul3A_118, %get3A_1 : vector<10000x32xf32>
    %convert_element_type3A_120 = arith.truncf %mul3A_119 : vector<10000x32xf32> to vector<10000x32xbf16>
    %convert_element_type3A_121 = arith.extf %convert_element_type3A_120 : vector<10000x32xbf16> to vector<10000x32xf32>
    %dot_general3A_122 = arith.constant dense<0.000000e+00> : vector<16x32xf32>
    %dot_general3A_123 = tpu.matmul %convert_element_type3A_14, %convert_element_type3A_121, %dot_general3A_122 {dimension_numbers = #tpu.dot_dimension_numbers<[1], [0], [0], [1], [0, 0, 1, 1], [], []>, transpose_lhs_hint = false} : vector<16x10000xf32>, vector<10000x32xf32>, vector<16x32xf32> -> vector<16x32xf32>
    %sub3A_124 = arith.subf %mul3A_119, %convert_element_type3A_121 : vector<10000x32xf32>
    %dot_general3A_125 = arith.constant dense<0.000000e+00> : vector<16x32xf32>
    %dot_general3A_126 = tpu.matmul %convert_element_type3A_14, %sub3A_124, %dot_general3A_125 {dimension_numbers = #tpu.dot_dimension_numbers<[1], [0], [0], [1], [0, 0, 1, 1], [], []>, transpose_lhs_hint = false} : vector<16x10000xf32>, vector<10000x32xf32>, vector<16x32xf32> -> vector<16x32xf32>
    %add3A_127 = arith.addf %dot_general3A_123, %dot_general3A_126 : vector<16x32xf32>
    %concatenate3A = tpu.concatenate %mul3A_80, %add3A_127 in 1 : vector<16x32xf32>, vector<16x32xf32> -> vector<16x64xf32>
    %get3A_128 = arith.constant 0 : index
    %get3A_129 = arith.constant 0 : index
    %get3A_130 = vector.load %arg3[%get3A_128, %get3A_129] : memref<64x128xf32, #tpu.memory_space<vmem>>, vector<64x128xf32>
    %convert_element_type3A_131 = arith.truncf %concatenate3A : vector<16x64xf32> to vector<16x64xbf16>
    %convert_element_type3A_132 = arith.extf %convert_element_type3A_131 : vector<16x64xbf16> to vector<16x64xf32>
    %convert_element_type3A_133 = arith.truncf %get3A_130 : vector<64x128xf32> to vector<64x128xbf16>
    %convert_element_type3A_134 = arith.extf %convert_element_type3A_133 : vector<64x128xbf16> to vector<64x128xf32>
    %dot_general3A_135 = arith.constant dense<0.000000e+00> : vector<16x128xf32>
    %dot_general3A_136 = tpu.matmul %convert_element_type3A_132, %convert_element_type3A_134, %dot_general3A_135 {dimension_numbers = #tpu.dot_dimension_numbers<[1], [0], [0], [1], [0, 0, 1, 1], [], []>, transpose_lhs_hint = false} : vector<16x64xf32>, vector<64x128xf32>, vector<16x128xf32> -> vector<16x128xf32>
    %sub3A_137 = arith.subf %get3A_130, %convert_element_type3A_134 : vector<64x128xf32>
    %dot_general3A_138 = arith.constant dense<0.000000e+00> : vector<16x128xf32>
    %dot_general3A_139 = tpu.matmul %convert_element_type3A_132, %sub3A_137, %dot_general3A_138 {dimension_numbers = #tpu.dot_dimension_numbers<[1], [0], [0], [1], [0, 0, 1, 1], [], []>, transpose_lhs_hint = false} : vector<16x64xf32>, vector<64x128xf32>, vector<16x128xf32> -> vector<16x128xf32>
    %add3A_140 = arith.addf %dot_general3A_136, %dot_general3A_139 : vector<16x128xf32>
    %sub3A_141 = arith.subf %concatenate3A, %convert_element_type3A_132 : vector<16x64xf32>
    %dot_general3A_142 = arith.constant dense<0.000000e+00> : vector<16x128xf32>
    %dot_general3A_143 = tpu.matmul %sub3A_141, %convert_element_type3A_134, %dot_general3A_142 {dimension_numbers = #tpu.dot_dimension_numbers<[1], [0], [0], [1], [0, 0, 1, 1], [], []>, transpose_lhs_hint = false} : vector<16x64xf32>, vector<64x128xf32>, vector<16x128xf32> -> vector<16x128xf32>
    %add3A_144 = arith.addf %add3A_140, %dot_general3A_143 : vector<16x128xf32>
    %get3A_145 = arith.constant 0 : index
    %get3A_146 = arith.constant 0 : index
    %get3A_147 = vector.load %arg4[%get3A_145, %get3A_146] : memref<32x128xf32, #tpu.memory_space<vmem>>, vector<32x128xf32>
    %convert_element_type3A_148 = arith.truncf %mul3A_80 : vector<16x32xf32> to vector<16x32xbf16>
    %convert_element_type3A_149 = arith.extf %convert_element_type3A_148 : vector<16x32xbf16> to vector<16x32xf32>
    %convert_element_type3A_150 = arith.truncf %get3A_147 : vector<32x128xf32> to vector<32x128xbf16>
    %convert_element_type3A_151 = arith.extf %convert_element_type3A_150 : vector<32x128xbf16> to vector<32x128xf32>
    %dot_general3A_152 = arith.constant dense<0.000000e+00> : vector<16x128xf32>
    %dot_general3A_153 = tpu.matmul %convert_element_type3A_149, %convert_element_type3A_151, %dot_general3A_152 {dimension_numbers = #tpu.dot_dimension_numbers<[1], [0], [0], [1], [0, 0, 1, 1], [], []>, transpose_lhs_hint = false} : vector<16x32xf32>, vector<32x128xf32>, vector<16x128xf32> -> vector<16x128xf32>
    %sub3A_154 = arith.subf %get3A_147, %convert_element_type3A_151 : vector<32x128xf32>
    %dot_general3A_155 = arith.constant dense<0.000000e+00> : vector<16x128xf32>
    %dot_general3A_156 = tpu.matmul %convert_element_type3A_149, %sub3A_154, %dot_general3A_155 {dimension_numbers = #tpu.dot_dimension_numbers<[1], [0], [0], [1], [0, 0, 1, 1], [], []>, transpose_lhs_hint = false} : vector<16x32xf32>, vector<32x128xf32>, vector<16x128xf32> -> vector<16x128xf32>
    %add3A_157 = arith.addf %dot_general3A_153, %dot_general3A_156 : vector<16x128xf32>
    %sub3A_158 = arith.subf %mul3A_80, %convert_element_type3A_149 : vector<16x32xf32>
    %dot_general3A_159 = arith.constant dense<0.000000e+00> : vector<16x128xf32>
    %dot_general3A_160 = tpu.matmul %sub3A_158, %convert_element_type3A_151, %dot_general3A_159 {dimension_numbers = #tpu.dot_dimension_numbers<[1], [0], [0], [1], [0, 0, 1, 1], [], []>, transpose_lhs_hint = false} : vector<16x32xf32>, vector<32x128xf32>, vector<16x128xf32> -> vector<16x128xf32>
    %add3A_161 = arith.addf %add3A_157, %dot_general3A_160 : vector<16x128xf32>
    %add3A_162 = arith.addf %add3A_144, %add3A_161 : vector<16x128xf32>
    %get3A_163 = arith.constant 0 : index
    %get3A_164 = arith.constant 0 : index
    %get3A_165 = vector.load %arg5[%get3A_163, %get3A_164] : memref<1x128xf32, #tpu.memory_space<vmem>>, vector<1x128xf32>
    %add3A_166 = vector.broadcast %get3A_165 : vector<1x128xf32> to vector<16x128xf32>
    %add3A_167 = arith.addf %add3A_162, %add3A_166 : vector<16x128xf32>
    %slice3A_168 = vector.extract_strided_slice %add3A_167 {offsets = [0, 0], sizes = [16, 32], strides = [1, 1]} : vector<16x128xf32> to vector<16x32xf32>
    %logistic3A_169 = arith.negf %slice3A_168 : vector<16x32xf32>
    %logistic3A_170 = math.exp %logistic3A_169 : vector<16x32xf32>
    %logistic3A_171 = arith.constant 1.000000e+00 : f32
    %logistic3A_172 = vector.broadcast %logistic3A_171 : f32 to vector<16x32xf32>
    %logistic3A_173 = arith.addf %logistic3A_172, %logistic3A_170 : vector<16x32xf32>
    %logistic3A_174 = arith.divf %logistic3A_172, %logistic3A_173 : vector<16x32xf32>
    %slice3A_175 = vector.extract_strided_slice %add3A_167 {offsets = [0, 32], sizes = [16, 32], strides = [1, 1]} : vector<16x128xf32> to vector<16x32xf32>
    %logistic3A_176 = arith.negf %slice3A_175 : vector<16x32xf32>
    %logistic3A_177 = math.exp %logistic3A_176 : vector<16x32xf32>
    %logistic3A_178 = arith.constant 1.000000e+00 : f32
    %logistic3A_179 = vector.broadcast %logistic3A_178 : f32 to vector<16x32xf32>
    %logistic3A_180 = arith.addf %logistic3A_179, %logistic3A_177 : vector<16x32xf32>
    %logistic3A_181 = arith.divf %logistic3A_179, %logistic3A_180 : vector<16x32xf32>
    %slice3A_182 = vector.extract_strided_slice %add3A_167 {offsets = [0, 64], sizes = [16, 32], strides = [1, 1]} : vector<16x128xf32> to vector<16x32xf32>
    %tanh3A_183 = math.tanh %slice3A_182 : vector<16x32xf32>
    %slice3A_184 = vector.extract_strided_slice %add3A_167 {offsets = [0, 96], sizes = [16, 32], strides = [1, 1]} : vector<16x128xf32> to vector<16x32xf32>
    %logistic3A_185 = arith.negf %slice3A_184 : vector<16x32xf32>
    %logistic3A_186 = math.exp %logistic3A_185 : vector<16x32xf32>
    %logistic3A_187 = arith.constant 1.000000e+00 : f32
    %logistic3A_188 = vector.broadcast %logistic3A_187 : f32 to vector<16x32xf32>
    %logistic3A_189 = arith.addf %logistic3A_188, %logistic3A_186 : vector<16x32xf32>
    %logistic3A_190 = arith.divf %logistic3A_188, %logistic3A_189 : vector<16x32xf32>
    %mul3A_191 = arith.mulf %logistic3A_181, %add3A_78 : vector<16x32xf32>
    %mul3A_192 = arith.mulf %logistic3A_174, %tanh3A_183 : vector<16x32xf32>
    %add3A_193 = arith.addf %mul3A_191, %mul3A_192 : vector<16x32xf32>
    %tanh3A_194 = math.tanh %add3A_193 : vector<16x32xf32>
    %mul3A_195 = arith.mulf %logistic3A_190, %tanh3A_194 : vector<16x32xf32>
    %convert_element_type3A_196 = arith.truncf %mul3A_195 : vector<16x32xf32> to vector<16x32xbf16>
    %convert_element_type3A_197 = arith.extf %convert_element_type3A_196 : vector<16x32xbf16> to vector<16x32xf32>
    %dot_general3A_198 = arith.constant dense<0.000000e+00> : vector<10000x32xf32>
    %dot_general3A_199 = tpu.matmul %convert_element_type3A_6, %convert_element_type3A_197, %dot_general3A_198 {dimension_numbers = #tpu.dot_dimension_numbers<[1], [0], [0], [1], [0, 0, 1, 1], [], []>, transpose_lhs_hint = false} : vector<10000x16xf32>, vector<16x32xf32>, vector<10000x32xf32> -> vector<10000x32xf32>
    %sub3A_200 = arith.subf %mul3A_195, %convert_element_type3A_197 : vector<16x32xf32>
    %dot_general3A_201 = arith.constant dense<0.000000e+00> : vector<10000x32xf32>
    %dot_general3A_202 = tpu.matmul %convert_element_type3A_6, %sub3A_200, %dot_general3A_201 {dimension_numbers = #tpu.dot_dimension_numbers<[1], [0], [0], [1], [0, 0, 1, 1], [], []>, transpose_lhs_hint = false} : vector<10000x16xf32>, vector<16x32xf32>, vector<10000x32xf32> -> vector<10000x32xf32>
    %add3A_203 = arith.addf %dot_general3A_199, %dot_general3A_202 : vector<10000x32xf32>
    %mul3A_204 = arith.mulf %get3A_1, %add3A_203 : vector<10000x32xf32>
    %reduce_sum3A_205 = arith.constant dense<0.000000e+00> : vector<10000xf32>
    %reduce_sum3A_206 = vector.multi_reduction <add>, %mul3A_204, %reduce_sum3A_205 [1] : vector<10000x32xf32> to vector<10000xf32>
    %broadcast_in_dim3A_207 = vector.shape_cast %reduce_sum3A_206 : vector<10000xf32> to vector<10000x1xf32>
    %gt3A_208 = arith.constant 0.000000e+00 : f32
    %gt3A_209 = vector.broadcast %gt3A_208 : f32 to vector<10000x16xf32>
    %gt3A_210 = arith.cmpf ogt, %convert_element_type3A_6, %gt3A_209 : vector<10000x16xf32>
    %jit3A_211 = arith.constant -1.000000e+30 : f32
    %broadcast_in_dim3A_212 = vector.shape_cast %broadcast_in_dim3A_207 : vector<10000x1xf32> to vector<10000x1xf32>
    %broadcast_in_dim3A_213 = vector.broadcast %broadcast_in_dim3A_212 : vector<10000x1xf32> to vector<10000x16xf32>
    %broadcast_in_dim3A_214 = vector.broadcast %jit3A_211 : f32 to vector<10000x16xf32>
    %select_n3A_215 = arith.select %gt3A_210, %broadcast_in_dim3A_213, %broadcast_in_dim3A_214 : vector<10000x16xi1>, vector<10000x16xf32>
    %reduce_max3A_216 = arith.constant dense<0xFF800000> : vector<16xf32>
    %reduce_max3A_217 = vector.multi_reduction <maximumf>, %select_n3A_215, %reduce_max3A_216 [0] : vector<10000x16xf32> to vector<16xf32>
    %broadcast_in_dim3A_218 = vector.shape_cast %reduce_max3A_217 : vector<16xf32> to vector<1x16xf32>
    %mul3A_219 = vector.broadcast %broadcast_in_dim3A_218 : vector<1x16xf32> to vector<10000x16xf32>
    %mul3A_220 = arith.mulf %convert_element_type3A_6, %mul3A_219 : vector<10000x16xf32>
    %reduce_sum3A_221 = arith.constant dense<0.000000e+00> : vector<10000xf32>
    %reduce_sum3A_222 = vector.multi_reduction <add>, %mul3A_220, %reduce_sum3A_221 [1] : vector<10000x16xf32> to vector<10000xf32>
    %broadcast_in_dim3A_223 = vector.shape_cast %reduce_sum3A_222 : vector<10000xf32> to vector<10000x1xf32>
    %sub3A_224 = arith.subf %broadcast_in_dim3A_207, %broadcast_in_dim3A_223 : vector<10000x1xf32>
    %exp3A_225 = math.exp %sub3A_224 : vector<10000x1xf32>
    %mul3A_226 = vector.broadcast %exp3A_225 : vector<10000x1xf32> to vector<10000x16xf32>
    %mul3A_227 = arith.mulf %convert_element_type3A_6, %mul3A_226 : vector<10000x16xf32>
    %reduce_sum3A_228 = arith.constant dense<0.000000e+00> : vector<16xf32>
    %reduce_sum3A_229 = vector.multi_reduction <add>, %mul3A_227, %reduce_sum3A_228 [0] : vector<10000x16xf32> to vector<16xf32>
    %broadcast_in_dim3A_230 = vector.shape_cast %reduce_sum3A_229 : vector<16xf32> to vector<1x16xf32>
    %mul3A_231 = vector.broadcast %broadcast_in_dim3A_230 : vector<1x16xf32> to vector<10000x16xf32>
    %mul3A_232 = arith.mulf %convert_element_type3A_6, %mul3A_231 : vector<10000x16xf32>
    %reduce_sum3A_233 = arith.constant dense<0.000000e+00> : vector<10000xf32>
    %reduce_sum3A_234 = vector.multi_reduction <add>, %mul3A_232, %reduce_sum3A_233 [1] : vector<10000x16xf32> to vector<10000xf32>
    %broadcast_in_dim3A_235 = vector.shape_cast %reduce_sum3A_234 : vector<10000xf32> to vector<10000x1xf32>
    %add3A_236 = arith.constant 1.000000e-16 : f32
    %add3A_237 = vector.broadcast %add3A_236 : f32 to vector<10000x1xf32>
    %add3A_238 = arith.addf %broadcast_in_dim3A_235, %add3A_237 : vector<10000x1xf32>
    %div3A_239 = arith.divf %exp3A_225, %add3A_238 : vector<10000x1xf32>
    %mul3A_240 = vector.broadcast %div3A_239 : vector<10000x1xf32> to vector<10000x32xf32>
    %mul3A_241 = arith.mulf %mul3A_240, %get3A_1 : vector<10000x32xf32>
    %convert_element_type3A_242 = arith.truncf %mul3A_241 : vector<10000x32xf32> to vector<10000x32xbf16>
    %convert_element_type3A_243 = arith.extf %convert_element_type3A_242 : vector<10000x32xbf16> to vector<10000x32xf32>
    %dot_general3A_244 = arith.constant dense<0.000000e+00> : vector<16x32xf32>
    %dot_general3A_245 = tpu.matmul %convert_element_type3A_14, %convert_element_type3A_243, %dot_general3A_244 {dimension_numbers = #tpu.dot_dimension_numbers<[1], [0], [0], [1], [0, 0, 1, 1], [], []>, transpose_lhs_hint = false} : vector<16x10000xf32>, vector<10000x32xf32>, vector<16x32xf32> -> vector<16x32xf32>
    %sub3A_246 = arith.subf %mul3A_241, %convert_element_type3A_243 : vector<10000x32xf32>
    %dot_general3A_247 = arith.constant dense<0.000000e+00> : vector<16x32xf32>
    %dot_general3A_248 = tpu.matmul %convert_element_type3A_14, %sub3A_246, %dot_general3A_247 {dimension_numbers = #tpu.dot_dimension_numbers<[1], [0], [0], [1], [0, 0, 1, 1], [], []>, transpose_lhs_hint = false} : vector<16x10000xf32>, vector<10000x32xf32>, vector<16x32xf32> -> vector<16x32xf32>
    %add3A_249 = arith.addf %dot_general3A_245, %dot_general3A_248 : vector<16x32xf32>
    %concatenate3A_250 = tpu.concatenate %mul3A_195, %add3A_249 in 1 : vector<16x32xf32>, vector<16x32xf32> -> vector<16x64xf32>
    %get3A_251 = arith.constant 0 : index
    %get3A_252 = arith.constant 0 : index
    %get3A_253 = vector.load %arg3[%get3A_251, %get3A_252] : memref<64x128xf32, #tpu.memory_space<vmem>>, vector<64x128xf32>
    %convert_element_type3A_254 = arith.truncf %concatenate3A_250 : vector<16x64xf32> to vector<16x64xbf16>
    %convert_element_type3A_255 = arith.extf %convert_element_type3A_254 : vector<16x64xbf16> to vector<16x64xf32>
    %convert_element_type3A_256 = arith.truncf %get3A_253 : vector<64x128xf32> to vector<64x128xbf16>
    %convert_element_type3A_257 = arith.extf %convert_element_type3A_256 : vector<64x128xbf16> to vector<64x128xf32>
    %dot_general3A_258 = arith.constant dense<0.000000e+00> : vector<16x128xf32>
    %dot_general3A_259 = tpu.matmul %convert_element_type3A_255, %convert_element_type3A_257, %dot_general3A_258 {dimension_numbers = #tpu.dot_dimension_numbers<[1], [0], [0], [1], [0, 0, 1, 1], [], []>, transpose_lhs_hint = false} : vector<16x64xf32>, vector<64x128xf32>, vector<16x128xf32> -> vector<16x128xf32>
    %sub3A_260 = arith.subf %get3A_253, %convert_element_type3A_257 : vector<64x128xf32>
    %dot_general3A_261 = arith.constant dense<0.000000e+00> : vector<16x128xf32>
    %dot_general3A_262 = tpu.matmul %convert_element_type3A_255, %sub3A_260, %dot_general3A_261 {dimension_numbers = #tpu.dot_dimension_numbers<[1], [0], [0], [1], [0, 0, 1, 1], [], []>, transpose_lhs_hint = false} : vector<16x64xf32>, vector<64x128xf32>, vector<16x128xf32> -> vector<16x128xf32>
    %add3A_263 = arith.addf %dot_general3A_259, %dot_general3A_262 : vector<16x128xf32>
    %sub3A_264 = arith.subf %concatenate3A_250, %convert_element_type3A_255 : vector<16x64xf32>
    %dot_general3A_265 = arith.constant dense<0.000000e+00> : vector<16x128xf32>
    %dot_general3A_266 = tpu.matmul %sub3A_264, %convert_element_type3A_257, %dot_general3A_265 {dimension_numbers = #tpu.dot_dimension_numbers<[1], [0], [0], [1], [0, 0, 1, 1], [], []>, transpose_lhs_hint = false} : vector<16x64xf32>, vector<64x128xf32>, vector<16x128xf32> -> vector<16x128xf32>
    %add3A_267 = arith.addf %add3A_263, %dot_general3A_266 : vector<16x128xf32>
    %get3A_268 = arith.constant 0 : index
    %get3A_269 = arith.constant 0 : index
    %get3A_270 = vector.load %arg4[%get3A_268, %get3A_269] : memref<32x128xf32, #tpu.memory_space<vmem>>, vector<32x128xf32>
    %convert_element_type3A_271 = arith.truncf %mul3A_195 : vector<16x32xf32> to vector<16x32xbf16>
    %convert_element_type3A_272 = arith.extf %convert_element_type3A_271 : vector<16x32xbf16> to vector<16x32xf32>
    %convert_element_type3A_273 = arith.truncf %get3A_270 : vector<32x128xf32> to vector<32x128xbf16>
    %convert_element_type3A_274 = arith.extf %convert_element_type3A_273 : vector<32x128xbf16> to vector<32x128xf32>
    %dot_general3A_275 = arith.constant dense<0.000000e+00> : vector<16x128xf32>
    %dot_general3A_276 = tpu.matmul %convert_element_type3A_272, %convert_element_type3A_274, %dot_general3A_275 {dimension_numbers = #tpu.dot_dimension_numbers<[1], [0], [0], [1], [0, 0, 1, 1], [], []>, transpose_lhs_hint = false} : vector<16x32xf32>, vector<32x128xf32>, vector<16x128xf32> -> vector<16x128xf32>
    %sub3A_277 = arith.subf %get3A_270, %convert_element_type3A_274 : vector<32x128xf32>
    %dot_general3A_278 = arith.constant dense<0.000000e+00> : vector<16x128xf32>
    %dot_general3A_279 = tpu.matmul %convert_element_type3A_272, %sub3A_277, %dot_general3A_278 {dimension_numbers = #tpu.dot_dimension_numbers<[1], [0], [0], [1], [0, 0, 1, 1], [], []>, transpose_lhs_hint = false} : vector<16x32xf32>, vector<32x128xf32>, vector<16x128xf32> -> vector<16x128xf32>
    %add3A_280 = arith.addf %dot_general3A_276, %dot_general3A_279 : vector<16x128xf32>
    %sub3A_281 = arith.subf %mul3A_195, %convert_element_type3A_272 : vector<16x32xf32>
    %dot_general3A_282 = arith.constant dense<0.000000e+00> : vector<16x128xf32>
    %dot_general3A_283 = tpu.matmul %sub3A_281, %convert_element_type3A_274, %dot_general3A_282 {dimension_numbers = #tpu.dot_dimension_numbers<[1], [0], [0], [1], [0, 0, 1, 1], [], []>, transpose_lhs_hint = false} : vector<16x32xf32>, vector<32x128xf32>, vector<16x128xf32> -> vector<16x128xf32>
    %add3A_284 = arith.addf %add3A_280, %dot_general3A_283 : vector<16x128xf32>
    %add3A_285 = arith.addf %add3A_267, %add3A_284 : vector<16x128xf32>
    %get3A_286 = arith.constant 0 : index
    %get3A_287 = arith.constant 0 : index
    %get3A_288 = vector.load %arg5[%get3A_286, %get3A_287] : memref<1x128xf32, #tpu.memory_space<vmem>>, vector<1x128xf32>
    %add3A_289 = vector.broadcast %get3A_288 : vector<1x128xf32> to vector<16x128xf32>
    %add3A_290 = arith.addf %add3A_285, %add3A_289 : vector<16x128xf32>
    %slice3A_291 = vector.extract_strided_slice %add3A_290 {offsets = [0, 0], sizes = [16, 32], strides = [1, 1]} : vector<16x128xf32> to vector<16x32xf32>
    %logistic3A_292 = arith.negf %slice3A_291 : vector<16x32xf32>
    %logistic3A_293 = math.exp %logistic3A_292 : vector<16x32xf32>
    %logistic3A_294 = arith.constant 1.000000e+00 : f32
    %logistic3A_295 = vector.broadcast %logistic3A_294 : f32 to vector<16x32xf32>
    %logistic3A_296 = arith.addf %logistic3A_295, %logistic3A_293 : vector<16x32xf32>
    %logistic3A_297 = arith.divf %logistic3A_295, %logistic3A_296 : vector<16x32xf32>
    %slice3A_298 = vector.extract_strided_slice %add3A_290 {offsets = [0, 32], sizes = [16, 32], strides = [1, 1]} : vector<16x128xf32> to vector<16x32xf32>
    %logistic3A_299 = arith.negf %slice3A_298 : vector<16x32xf32>
    %logistic3A_300 = math.exp %logistic3A_299 : vector<16x32xf32>
    %logistic3A_301 = arith.constant 1.000000e+00 : f32
    %logistic3A_302 = vector.broadcast %logistic3A_301 : f32 to vector<16x32xf32>
    %logistic3A_303 = arith.addf %logistic3A_302, %logistic3A_300 : vector<16x32xf32>
    %logistic3A_304 = arith.divf %logistic3A_302, %logistic3A_303 : vector<16x32xf32>
    %slice3A_305 = vector.extract_strided_slice %add3A_290 {offsets = [0, 64], sizes = [16, 32], strides = [1, 1]} : vector<16x128xf32> to vector<16x32xf32>
    %tanh3A_306 = math.tanh %slice3A_305 : vector<16x32xf32>
    %slice3A_307 = vector.extract_strided_slice %add3A_290 {offsets = [0, 96], sizes = [16, 32], strides = [1, 1]} : vector<16x128xf32> to vector<16x32xf32>
    %logistic3A_308 = arith.negf %slice3A_307 : vector<16x32xf32>
    %logistic3A_309 = math.exp %logistic3A_308 : vector<16x32xf32>
    %logistic3A_310 = arith.constant 1.000000e+00 : f32
    %logistic3A_311 = vector.broadcast %logistic3A_310 : f32 to vector<16x32xf32>
    %logistic3A_312 = arith.addf %logistic3A_311, %logistic3A_309 : vector<16x32xf32>
    %logistic3A_313 = arith.divf %logistic3A_311, %logistic3A_312 : vector<16x32xf32>
    %mul3A_314 = arith.mulf %logistic3A_304, %add3A_193 : vector<16x32xf32>
    %mul3A_315 = arith.mulf %logistic3A_297, %tanh3A_306 : vector<16x32xf32>
    %add3A_316 = arith.addf %mul3A_314, %mul3A_315 : vector<16x32xf32>
    %tanh3A_317 = math.tanh %add3A_316 : vector<16x32xf32>
    %mul3A_318 = arith.mulf %logistic3A_313, %tanh3A_317 : vector<16x32xf32>
    %convert_element_type3A_319 = arith.truncf %mul3A_318 : vector<16x32xf32> to vector<16x32xbf16>
    %convert_element_type3A_320 = arith.extf %convert_element_type3A_319 : vector<16x32xbf16> to vector<16x32xf32>
    %dot_general3A_321 = arith.constant dense<0.000000e+00> : vector<10000x32xf32>
    %dot_general3A_322 = tpu.matmul %convert_element_type3A_6, %convert_element_type3A_320, %dot_general3A_321 {dimension_numbers = #tpu.dot_dimension_numbers<[1], [0], [0], [1], [0, 0, 1, 1], [], []>, transpose_lhs_hint = false} : vector<10000x16xf32>, vector<16x32xf32>, vector<10000x32xf32> -> vector<10000x32xf32>
    %sub3A_323 = arith.subf %mul3A_318, %convert_element_type3A_320 : vector<16x32xf32>
    %dot_general3A_324 = arith.constant dense<0.000000e+00> : vector<10000x32xf32>
    %dot_general3A_325 = tpu.matmul %convert_element_type3A_6, %sub3A_323, %dot_general3A_324 {dimension_numbers = #tpu.dot_dimension_numbers<[1], [0], [0], [1], [0, 0, 1, 1], [], []>, transpose_lhs_hint = false} : vector<10000x16xf32>, vector<16x32xf32>, vector<10000x32xf32> -> vector<10000x32xf32>
    %add3A_326 = arith.addf %dot_general3A_322, %dot_general3A_325 : vector<10000x32xf32>
    %mul3A_327 = arith.mulf %get3A_1, %add3A_326 : vector<10000x32xf32>
    %reduce_sum3A_328 = arith.constant dense<0.000000e+00> : vector<10000xf32>
    %reduce_sum3A_329 = vector.multi_reduction <add>, %mul3A_327, %reduce_sum3A_328 [1] : vector<10000x32xf32> to vector<10000xf32>
    %broadcast_in_dim3A_330 = vector.shape_cast %reduce_sum3A_329 : vector<10000xf32> to vector<10000x1xf32>
    %gt3A_331 = arith.constant 0.000000e+00 : f32
    %gt3A_332 = vector.broadcast %gt3A_331 : f32 to vector<10000x16xf32>
    %gt3A_333 = arith.cmpf ogt, %convert_element_type3A_6, %gt3A_332 : vector<10000x16xf32>
    %jit3A_334 = arith.constant -1.000000e+30 : f32
    %broadcast_in_dim3A_335 = vector.shape_cast %broadcast_in_dim3A_330 : vector<10000x1xf32> to vector<10000x1xf32>
    %broadcast_in_dim3A_336 = vector.broadcast %broadcast_in_dim3A_335 : vector<10000x1xf32> to vector<10000x16xf32>
    %broadcast_in_dim3A_337 = vector.broadcast %jit3A_334 : f32 to vector<10000x16xf32>
    %select_n3A_338 = arith.select %gt3A_333, %broadcast_in_dim3A_336, %broadcast_in_dim3A_337 : vector<10000x16xi1>, vector<10000x16xf32>
    %reduce_max3A_339 = arith.constant dense<0xFF800000> : vector<16xf32>
    %reduce_max3A_340 = vector.multi_reduction <maximumf>, %select_n3A_338, %reduce_max3A_339 [0] : vector<10000x16xf32> to vector<16xf32>
    %broadcast_in_dim3A_341 = vector.shape_cast %reduce_max3A_340 : vector<16xf32> to vector<1x16xf32>
    %mul3A_342 = vector.broadcast %broadcast_in_dim3A_341 : vector<1x16xf32> to vector<10000x16xf32>
    %mul3A_343 = arith.mulf %convert_element_type3A_6, %mul3A_342 : vector<10000x16xf32>
    %reduce_sum3A_344 = arith.constant dense<0.000000e+00> : vector<10000xf32>
    %reduce_sum3A_345 = vector.multi_reduction <add>, %mul3A_343, %reduce_sum3A_344 [1] : vector<10000x16xf32> to vector<10000xf32>
    %broadcast_in_dim3A_346 = vector.shape_cast %reduce_sum3A_345 : vector<10000xf32> to vector<10000x1xf32>
    %sub3A_347 = arith.subf %broadcast_in_dim3A_330, %broadcast_in_dim3A_346 : vector<10000x1xf32>
    %exp3A_348 = math.exp %sub3A_347 : vector<10000x1xf32>
    %mul3A_349 = vector.broadcast %exp3A_348 : vector<10000x1xf32> to vector<10000x16xf32>
    %mul3A_350 = arith.mulf %convert_element_type3A_6, %mul3A_349 : vector<10000x16xf32>
    %reduce_sum3A_351 = arith.constant dense<0.000000e+00> : vector<16xf32>
    %reduce_sum3A_352 = vector.multi_reduction <add>, %mul3A_350, %reduce_sum3A_351 [0] : vector<10000x16xf32> to vector<16xf32>
    %broadcast_in_dim3A_353 = vector.shape_cast %reduce_sum3A_352 : vector<16xf32> to vector<1x16xf32>
    %mul3A_354 = vector.broadcast %broadcast_in_dim3A_353 : vector<1x16xf32> to vector<10000x16xf32>
    %mul3A_355 = arith.mulf %convert_element_type3A_6, %mul3A_354 : vector<10000x16xf32>
    %reduce_sum3A_356 = arith.constant dense<0.000000e+00> : vector<10000xf32>
    %reduce_sum3A_357 = vector.multi_reduction <add>, %mul3A_355, %reduce_sum3A_356 [1] : vector<10000x16xf32> to vector<10000xf32>
    %broadcast_in_dim3A_358 = vector.shape_cast %reduce_sum3A_357 : vector<10000xf32> to vector<10000x1xf32>
    %add3A_359 = arith.constant 1.000000e-16 : f32
    %add3A_360 = vector.broadcast %add3A_359 : f32 to vector<10000x1xf32>
    %add3A_361 = arith.addf %broadcast_in_dim3A_358, %add3A_360 : vector<10000x1xf32>
    %div3A_362 = arith.divf %exp3A_348, %add3A_361 : vector<10000x1xf32>
    %mul3A_363 = vector.broadcast %div3A_362 : vector<10000x1xf32> to vector<10000x32xf32>
    %mul3A_364 = arith.mulf %mul3A_363, %get3A_1 : vector<10000x32xf32>
    %convert_element_type3A_365 = arith.truncf %mul3A_364 : vector<10000x32xf32> to vector<10000x32xbf16>
    %convert_element_type3A_366 = arith.extf %convert_element_type3A_365 : vector<10000x32xbf16> to vector<10000x32xf32>
    %dot_general3A_367 = arith.constant dense<0.000000e+00> : vector<16x32xf32>
    %dot_general3A_368 = tpu.matmul %convert_element_type3A_14, %convert_element_type3A_366, %dot_general3A_367 {dimension_numbers = #tpu.dot_dimension_numbers<[1], [0], [0], [1], [0, 0, 1, 1], [], []>, transpose_lhs_hint = false} : vector<16x10000xf32>, vector<10000x32xf32>, vector<16x32xf32> -> vector<16x32xf32>
    %sub3A_369 = arith.subf %mul3A_364, %convert_element_type3A_366 : vector<10000x32xf32>
    %dot_general3A_370 = arith.constant dense<0.000000e+00> : vector<16x32xf32>
    %dot_general3A_371 = tpu.matmul %convert_element_type3A_14, %sub3A_369, %dot_general3A_370 {dimension_numbers = #tpu.dot_dimension_numbers<[1], [0], [0], [1], [0, 0, 1, 1], [], []>, transpose_lhs_hint = false} : vector<16x10000xf32>, vector<10000x32xf32>, vector<16x32xf32> -> vector<16x32xf32>
    %add3A_372 = arith.addf %dot_general3A_368, %dot_general3A_371 : vector<16x32xf32>
    %concatenate3A_373 = tpu.concatenate %mul3A_318, %add3A_372 in 1 : vector<16x32xf32>, vector<16x32xf32> -> vector<16x64xf32>
    %get3A_374 = arith.constant 0 : index
    %get3A_375 = arith.constant 0 : index
    %get3A_376 = vector.load %arg6[%get3A_374, %get3A_375] : memref<64x32xf32, #tpu.memory_space<vmem>>, vector<64x32xf32>
    %convert_element_type3A_377 = arith.truncf %concatenate3A_373 : vector<16x64xf32> to vector<16x64xbf16>
    %convert_element_type3A_378 = arith.extf %convert_element_type3A_377 : vector<16x64xbf16> to vector<16x64xf32>
    %convert_element_type3A_379 = arith.truncf %get3A_376 : vector<64x32xf32> to vector<64x32xbf16>
    %convert_element_type3A_380 = arith.extf %convert_element_type3A_379 : vector<64x32xbf16> to vector<64x32xf32>
    %dot_general3A_381 = arith.constant dense<0.000000e+00> : vector<16x32xf32>
    %dot_general3A_382 = tpu.matmul %convert_element_type3A_378, %convert_element_type3A_380, %dot_general3A_381 {dimension_numbers = #tpu.dot_dimension_numbers<[1], [0], [0], [1], [0, 0, 1, 1], [], []>, transpose_lhs_hint = false} : vector<16x64xf32>, vector<64x32xf32>, vector<16x32xf32> -> vector<16x32xf32>
    %sub3A_383 = arith.subf %get3A_376, %convert_element_type3A_380 : vector<64x32xf32>
    %dot_general3A_384 = arith.constant dense<0.000000e+00> : vector<16x32xf32>
    %dot_general3A_385 = tpu.matmul %convert_element_type3A_378, %sub3A_383, %dot_general3A_384 {dimension_numbers = #tpu.dot_dimension_numbers<[1], [0], [0], [1], [0, 0, 1, 1], [], []>, transpose_lhs_hint = false} : vector<16x64xf32>, vector<64x32xf32>, vector<16x32xf32> -> vector<16x32xf32>
    %add3A_386 = arith.addf %dot_general3A_382, %dot_general3A_385 : vector<16x32xf32>
    %sub3A_387 = arith.subf %concatenate3A_373, %convert_element_type3A_378 : vector<16x64xf32>
    %dot_general3A_388 = arith.constant dense<0.000000e+00> : vector<16x32xf32>
    %dot_general3A_389 = tpu.matmul %sub3A_387, %convert_element_type3A_380, %dot_general3A_388 {dimension_numbers = #tpu.dot_dimension_numbers<[1], [0], [0], [1], [0, 0, 1, 1], [], []>, transpose_lhs_hint = false} : vector<16x64xf32>, vector<64x32xf32>, vector<16x32xf32> -> vector<16x32xf32>
    %add3A_390 = arith.addf %add3A_386, %dot_general3A_389 : vector<16x32xf32>
    %get3A_391 = arith.constant 0 : index
    %get3A_392 = arith.constant 0 : index
    %get3A_393 = vector.load %arg7[%get3A_391, %get3A_392] : memref<1x32xf32, #tpu.memory_space<vmem>>, vector<1x32xf32>
    %add3A_394 = vector.broadcast %get3A_393 : vector<1x32xf32> to vector<16x32xf32>
    %add3A_395 = arith.addf %add3A_390, %add3A_394 : vector<16x32xf32>
    %max3A = arith.constant 0.000000e+00 : f32
    %max3A_396 = vector.broadcast %max3A : f32 to vector<16x32xf32>
    %max3A_397 = arith.maximumf %add3A_395, %max3A_396 : vector<16x32xf32>
    %get3A_398 = arith.constant 0 : index
    %get3A_399 = arith.constant 0 : index
    %get3A_400 = vector.load %arg8[%get3A_398, %get3A_399] : memref<1x32xf32, #tpu.memory_space<vmem>>, vector<1x32xf32>
    %mul3A_401 = vector.broadcast %get3A_400 : vector<1x32xf32> to vector<16x32xf32>
    %mul3A_402 = arith.mulf %max3A_397, %mul3A_401 : vector<16x32xf32>
    %reduce_sum3A_403 = arith.constant dense<0.000000e+00> : vector<16xf32>
    %reduce_sum3A_404 = vector.multi_reduction <add>, %mul3A_402, %reduce_sum3A_403 [1] : vector<16x32xf32> to vector<16xf32>
    %broadcast_in_dim3A_405 = vector.shape_cast %reduce_sum3A_404 : vector<16xf32> to vector<16x1xf32>
    %get3A_406 = arith.constant 0 : index
    %get3A_407 = arith.constant 0 : index
    %get3A_408 = vector.load %arg9[%get3A_406, %get3A_407] : memref<1x1xf32, #tpu.memory_space<vmem>>, vector<1x1xf32>
    %add3A_409 = vector.broadcast %get3A_408 : vector<1x1xf32> to vector<16x1xf32>
    %add3A_410 = arith.addf %broadcast_in_dim3A_405, %add3A_409 : vector<16x1xf32>
    %swap3A = arith.constant 0 : index
    %swap3A_411 = arith.constant 0 : index
    %swap3A_412 = vector.load %arg10[%swap3A, %swap3A_411] : memref<16x1xf32, #tpu.memory_space<vmem>>, vector<16x1xf32>
    tpu.vector_store %arg10[%swap3A, %swap3A_411], %add3A_410 {strides = array<i32>} : memref<16x1xf32, #tpu.memory_space<vmem>>, vector<16x1xf32>,
    return
  }
}

</mosaic_0001>

<sc_bundles>
// kernel: kernel.14.cloned.1.call-start
scs
__scs_entry_jumppad:
0x0: {  	(pc) =	sbr.rel $0x88, $3  }
0x1: {  	(tag) =	ssettag $0x0;
	lr =	simm.s32 $0x1  }
0x2: {  	[smem:$0x3F81] =	sst lr;
	_ =	strace $0xD0000000  }
0x3: {  	_ = 	snop  }
0x4: {  	_ = 	snop  }
0x5: {  	_ = 	snop  }
0x6: {  	_ = 	snop  }
0x7: {  	_ = 	snop  }
__scs_overlays_trampoline_lowered:
0x8: {  	[smem:$0x3F90] =	sst s0  }
0x9: {  	[smem:$0x3F91] =	sst s1  }
0xa: {  	[smem:$0x3F92] =	sst s2  }
0xb: {  	[smem:$0x3F93] =	sst s3  }
0xc: {  	[smem:$0x3F94] =	sst s4  }
0xd: {  	[smem:$0x3F95] =	sst s5  }
0xe: {  	[smem:$0x3F96] =	sst s6  }
0xf: {  	[smem:$0x3F97] =	sst s7  }
0x10: {  	[smem:$0x3F98] =	sst s8  }
0x11: {  	[smem:$0x3F99] =	sst s9;
	s0 =	simm.s32 @!p0 $0x0  }
0x12: {  	s1 =	sld [smem:$0x3F7F];
	s0 =	simm.s32 @p0 $0x1  }
0x13: {  	[smem:$0x3F9A] =	sst s0;
	s0 =	simm.s32 @!p1 $0x0  }
0x14: {  	s2 =	sld [smem:$0x3F7E];
	s0 =	simm.s32 @p1 $0x1  }
0x15: {  	[smem:$0x3F9B] =	sst s0;
	s0 =	simm.s32 @!p2 $0x0  }
0x16: {  	s3 =	sld [smem:$0x3FDB];
	s0 =	simm.s32 @p2 $0x1  }
0x17: {  	s4 =	simm.s32 $0x1BF5;
	[smem:$0x3F9D] =	sst s0  }
0x18: {  	s0 =	sld [smem:$0x3F80];
	_ =	swait.ge [sflag:s4], $0x0  }
0x19: {  	s7 =	sld [smem:$0x3F81]  }
0x1a: {  	s8 =	sadd.s32 $0xFFFFE003, lr  }
0x1b: {  	s9 =	sadd.s32 $0xFFFFFEF7, lr;
	s5 =	simm.s32 $0xFFFFFFFF;
	p2 =	slt.u32 s8, $0xFFFFF086  }
0x1c: {  	p1 =	slt.u32 s9, $0xF7A;
	s5 =	simm.s32 @!p2 $0x0  }
0x1d: {  	s5 =	simm.s32 @p1 $0x1;
	p0 =	seq.s32 s7, s2  }
0x1e: {  	s7 =	smul.u32 @!p0 $0xF7A, s2;
	p2 =	seq.s32 @!p0 s5, $0x0  }
0x1f: {  	s9 =	smul.u32 $0xF7A, s1;
	s8 =	simm.s32 @!p0 $0x1BF5;
	p2 =	por !p2, p0  }
0x20: {  	[sflag:s8] =	ssyncset.s32 @!p0 $0xFFFFF086;
	s6 =	sadd.s32 @!p0 s3, s7;
	s7 =	simm.s32 @!p0 $0x108  }
0x21: {  	s3 =	sadd.s32 s3, s9;
	s6 =	sadd.s32 @!p0 $0x88, s6;
	s7 =	simm.s32 @p2 $0x1082  }
0x22: {  	[simem:s7], [sflag:s8] =	dma.local @!p0 [hbm:s6], $0xF7A  }
0x23: {  	s9 =	sor.u32 $0xD0000000, s2;
	s6 =	simm.s32 $0x108;
	_ =	swait.ge @!p0 [sflag:s8], $0x0  }
0x24: {  	s3 =	sadd.s32 $0x88, s3;
	s6 =	simm.s32 @!p1 $0x1082;
	[sflag:s4] =	ssyncset.s32 $0xFFFFF086  }
0x25: {  	[simem:s6], [sflag:s4] =	dma.local [hbm:s3], $0xF7A  }
0x26: {  	[smem:$0x3F81] =	sst s1;
	(tag) =	ssettag s2;
	_ =	strace s9  }
0x27: {  	s1 =	sld [smem:$0x3F91]  }
0x28: {  	s2 =	sld [smem:$0x3F92]  }
0x29: {  	s4 =	sld [smem:$0x3F94]  }
0x2a: {  	p0 =	seq.s32 s5, $0x0;
	s5 =	sld [smem:$0x3F95]  }
0x2b: {  	s6 =	sld [smem:$0x3F96]  }
0x2c: {  	s7 =	sld [smem:$0x3F97]  }
0x2d: {  	s3 =	simm.s32 $0x108;
	s8 =	sld [smem:$0x3F98]  }
0x2e: {  	s3 =	simm.s32 @!p0 $0x1082;
	s9 =	sld [smem:$0x3F99]  }
0x2f: {  	lr =	sadd.s32 s0, s3;
	s0 =	sld [smem:$0x3F90]  }
0x30: {  	s3 =	sld [smem:$0x3F93]  }
0x31: {  	[smem:$0x3F9C] =	sst s10  }
0x32: {  	s10 =	sld [smem:$0x3F9A];
	_ =	sdelay $0x3  }
0x33: {  	p0 =	seq.s32 s10, $0x1;
	s10 =	sld [smem:$0x3F9C];
	_ =	sdelay $0x3  }
0x34: {  	[smem:$0x3F9C] =	sst s10  }
0x35: {  	s10 =	sld [smem:$0x3F9B];
	_ =	sdelay $0x3  }
0x36: {  	p1 =	seq.s32 s10, $0x1;
	s10 =	sld [smem:$0x3F9C];
	_ =	sdelay $0x3  }
0x37: {  	[smem:$0x3F9C] =	sst s10  }
0x38: {  	s10 =	sld [smem:$0x3F9D]  }
0x39: {  	_ = 	snop;
	(pc) =	sbr.ind lr, $3  }
0x3a: {  	_ = 	snop  }
0x3b: {  	_ = 	snop  }
0x3c: {  	p2 =	seq.s32 s10, $0x1;
	s10 =	sld [smem:$0x3F9C]  }
0x3d: {  	_ =	shalt  }
0x3e: {  	_ =	shalt  }
0x3f: {  	_ =	shalt  }
0x40: {  	_ =	shalt  }
0x41: {  	_ =	shalt  }
0x42: {  	_ =	shalt  }
0x43: {  	_ =	shalt  }
0x44: {  	_ =	shalt  }
0x45: {  	_ =	shalt  }
0x46: {  	_ =	shalt  }
0x47: {  	_ =	shalt  }
0x48: {  	_ =	shalt  }
0x49: {  	_ =	shalt  }
0x4a: {  	_ =	shalt  }
0x4b: {  	_ =	shalt  }
0x4c: {  	_ =	shalt  }
0x4d: {  	_ =	shalt  }
0x4e: {  	_ =	shalt  }
0x4f: {  	_ =	shalt  }
0x50: {  	_ =	shalt  }
0x51: {  	_ =	shalt  }
0x52: {  	_ =	shalt  }
0x53: {  	_ =	shalt  }
0x54: {  	_ =	shalt  }
0x55: {  	_ =	shalt  }
0x56: {  	_ =	shalt  }
0x57: {  	_ =	shalt  }
0x58: {  	_ =	shalt  }
0x59: {  	_ =	shalt  }
0x5a: {  	_ =	shalt  }
0x5b: {  	_ =	shalt  }
0x5c: {  	_ =	shalt  }
0x5d: {  	_ =	shalt  }
0x5e: {  	_ =	shalt  }
0x5f: {  	_ =	shalt  }
0x60: {  	_ =	shalt  }
0x61: {  	_ =	shalt  }
0x62: {  	_ =	shalt  }
0x63: {  	_ =	shalt  }
0x64: {  	_ =	shalt  }
0x65: {  	_ =	shalt  }
0x66: {  	_ =	shalt  }
0x67: {  	_ =	shalt  }
0x68: {  	_ =	shalt  }
0x69: {  	_ =	shalt  }
0x6a: {  	_ =	shalt  }
0x6b: {  	_ =	shalt  }
0x6c: {  	_ =	shalt  }
0x6d: {  	_ =	shalt  }
0x6e: {  	_ =	shalt  }
0x6f: {  	_ =	shalt  }
0x70: {  	_ =	shalt  }
0x71: {  	_ =	shalt  }
0x72: {  	_ =	shalt  }
0x73: {  	_ =	shalt  }
0x74: {  	_ =	shalt  }
0x75: {  	_ =	shalt  }
0x76: {  	_ =	shalt  }
0x77: {  	_ =	shalt  }
0x78: {  	_ =	shalt  }
0x79: {  	_ =	shalt  }
0x7a: {  	_ =	shalt  }
0x7b: {  	_ =	shalt  }
0x7c: {  	_ =	shalt  }
0x7d: {  	_ =	shalt  }
0x7e: {  	_ =	shalt  }
0x7f: {  	_ =	shalt  }
0x80: {  	_ =	shalt  }
0x81: {  	_ =	shalt  }
0x82: {  	_ =	shalt  }
0x83: {  	_ =	shalt  }
0x84: {  	_ =	shalt  }
0x85: {  	_ =	shalt  }
0x86: {  	_ =	shalt  }
0x87: {  	_ =	shalt  }
.Lfunc_end0:
.L_simem_size_0:
called_computation_lowered:
.L_overlay_start_0:
0x88: {  	s2 =	sld [smem:$0x3FD9]  }
0x89: {  	s3 =	sld [smem:$0x3FFE];
	_ =	sdelay $0x1  }
0x8a: {  	s1 =	srdreg.scid  }
0x8b: {  	s0 =	sand.u32 $0x1, s1  }
0x8c: {  	s16 =	sshll.u32 s0, $0xA;
	s2 =	sadd.s32 s3, s2  }
0x8d: {  	s2 =	sadd.s32 s2, s16  }
0x8e: {  	[smem:$0x3FA8] =	sst s2  }
0x8f: {  	_ = 	snop  }
0x90: {  	(tm) =	ssettm $0x1  }
0x91: {  	s17 =	sld [smem:$0x3FFB];
	_ =	sdelay $0x3  }
0x92: {  	_ =	strace s17  }
0x93: {  	s2 =	sld [smem:$0x3FFC];
	_ =	sdelay $0x3  }
0x94: {  	_ =	strace s2  }
0x95: {  	s2 =	sld [smem:$0x3FFD];
	_ =	sdelay $0x3  }
0x96: {  	_ =	strace s2  }
0x97: {  	_ =	strace $0x8FFFFFFF  }
0x98: {  	s18 =	sld [smem:$0x3FDB];
	_ =	sdelay $0x1  }
0x99: {  	s19 =	simm.s32 $_scs_section_size  }
0x9a: {  	s4 =	simm.s32 $_size__tile_overlayer_lowered;
	s5 =	simm.s32 $_tile_overlayer_lowered  }
0x9b: {  	s22 =	simm.s32 $0x1BFF;
	s21 =	sshll.u32 s5, $0x1;
	s2 =	sadd.s32 s19, s18  }
0x9c: {  	s6 =	simm.s32 $0x0;
	s20 =	sshll.u32 s4, $0x1;
	s4 =	sadd.s32 s21, s2  }
0x9d: {  	[timem:s6], [sflag:s22] =	dma.local [hbm:s4], s20  }
0x9e: {  	_ =	swait.ge [sflag:s22], s20  }
0x9f: {  	s3 =	ssub.s32 $0x0, s20;
	[sflag:s22] =	ssyncset.done $0x0  }
0xa0: {  	[sflag:s22] =	ssyncadd.s32 s3;
	_ =	sdelay $0x1  }
0xa1: {  	s23 =	simm.s32 $0x1B8B  }
0xa2: {  	_ =	swait.ge [sflag:s23], $0x1  }
0xa3: {  	[sflag:s23] =	ssyncset.done $0x0  }
0xa4: {  	s25 =	simm.s32 $0x1B8E;
	s24 =	sld [smem:$0x3FFE];
	[sflag:s23] =	ssyncadd.s32 $0xFFFFFFFF  }
0xa5: {  	s26 =	simm.s32 $execute0_lowered;
	[smem:$0x3FD2] =	sst s25  }
0xa6: {  	s4 =	sshll.u32 s26, $0x1;
	_ =	strace $0x80000046;
	[dreg:$0x1] =	wrdreg $0xFFFFFFFF  }
0xa7: {  	s28 =	simm.s32 $_size_execute0_lowered;
	s2 =	sadd.s32 s2, s4;
	[dreg:$0x0] =	wrdreg $0x0  }
0xa8: {  	s4 =	sshll.u32 s28, $0x1;
	[dreg:$0x2] =	wrdreg s2  }
0xa9: {  	[dreg:$0x3] =	wrdreg s4  }
0xaa: {  	[dreg:$0x4] =	wrdreg $0xC0  }
0xab: {  	_ =	task [dreg:s6], $0x5FFFF  }
0xac: {  	[dreg:$0x1] =	wrdreg $0xFFFFFFFF  }
0xad: {  	[dreg:$0x0] =	wrdreg $0x60  }
0xae: {  	[dreg:$0x2] =	wrdreg s24  }
0xaf: {  	[dreg:$0x3] =	wrdreg $0x9  }
0xb0: {  	_ =	task.clear_ibuf [dreg:s6], $0x4FFFF;
	_ =	strace $0x90000046  }
0xb1: {  	s29 =	simm.s32 $0x9;
	_ =	strace $0x80000048  }
0xb2: {  	_ =	swait.ge [sflag:s29], $0x1  }
0xb3: {  	[sflag:s29] =	ssyncadd.s32 $0xFFFFFFFF  }
0xb4: {  	_ =	strace $0x90000048  }
0xb5: {  	_ =	sfence  }
0xb6: {  	s30 =	sld [smem:$0x0];
	_ =	sdelay $0x2  }
0xb7: {  	s31 =	sshll.u32 s1, $0xD;
	s1 =	sshrl.u32 s1, $0x2  }
0xb8: {  	s3 =	sand.u32 $0x4000, s31;
	s1 =	sadd.s32 s1, s30  }
0xb9: {  	s0 =	sor.u32 s3, s0;
	s1 =	sshll.u32 s1, $0x11  }
0xba: {  	s0 =	sor.u32 s1, s0  }
0xbb: {  	s0 =	sadd.s32 $0x8F2B, s0  }
0xbc: {  	[sflag:s0] =	ssyncadd.remote.s32 $0x1  }
0xbd: {  	_ =	sfence.sel $0xFFFF  }
0xbe: {  	[dreg:$0x0] =	wrdreg $0xFFFFFFFF;
	(pc) =	sbr.abs _section_cstart, $3  }
0xbf: {  	[dreg:$0x1] =	wrdreg $0xFFFFFFFF  }
0xc0: {  	_ =	task.clear_ibuf [dreg:s6], $0x2FFFF;
	_ =	strace $0x9FFFFFFF  }
0xc1: {  	(tm) =	ssettm $0x7FFFFFFF  }
tec
execute0_lowered:
.L_overlay_start_1:
0x0: {  	(tag) =	ssettag $0x1  }
0x1: {  	s3 =	rddreg [dreg:$0x0]  }
0x2: {  	s0 =	rddreg [dreg:$0x1];
	s1 =	stileid.u32  }
0x3: {  	s4 =	srdreg.scid;
	s5 =	smul.u32 $0x2800, s1  }
0x4: {  	s2 =	simm.s32 $0x0;
	s4 =	sand.u32 $0x1, s4;
	s29 =	smul.u32 $0xA000, s1  }
0x5: {  	[smem:$0x7FF] =	sst s2;
	s6 =	smul.u32 $0x1400, s4  }
0x6: {  	_ =	strace $0x80000047;
	s7 =	ssub.s32 $0x2, s4;
	s9 =	smul.u32 $0x5000, s4  }
0x7: {  	s8 =	sshrl.u32 s7, $0x1;
	s30 =	sadd.s32 s29, s3;
	s5 =	sadd.s32 s6, s5  }
0x8: {  	s31 =	ssub.s32 s7, s8;
	s7 =	simm.s32 $0x2;
	s5 =	sshrl.u32 s5, $0x3  }
0x9: {  	s8 =	simm.s32 $0x80;
	s4 =	smax.u32 s31, $0x1;
	s10 =	sadd.s32 s5, s3  }
0xa: {  	s3 =	sadd.s32 $0x2DA00, s3;
	s5 =	sadd.s32 s9, s30;
	s9 =	simm.s32 $0x1  }
0xb: {  	s5 =	sadd.s32 $0x3C800, s5;
	s6 =	sadd.s32 $0x37800, s10;
	s10 =	simm.s32 $0x0  }
.LBB2_1:
0xc: {  	s11 =	sadd.s32 $0x0, s6  }
0xd: {  	[tilespmem:s2], [sflag:$0x2] =	stream.linear.gather [hbm4b:s11+s2], $0x80, $0x38;
	[tilespmem:$0x1080] =	vst v63  }
0xe: {  	_ =	swait.ge [sflag:s7], $0x80  }
0xf: {  	[sflag:s7] =	ssyncset.done $0x0  }
0x10: {  	[sflag:s7] =	ssyncadd.s32 $0xFFFFFF80  }
0x11: {  	[tilespmem:s8], [sflag:$0x1] =	stream.indirect.gather [hbm4b:s3+s8], $0x20, s2, s8, $0xb8;
	[tilespmem:$0x1080] =	vst v63  }
0x12: {  	_ =	swait.ge [sflag:s9], $0x1000  }
0x13: {  	[sflag:s9] =	ssyncset.done $0x0  }
0x14: {  	[sflag:s9] =	ssyncadd.s32 $0xFFFFF000  }
0x15: {  	[hbm4b:s5+s2] =	stream.linear.scatter [tilespmem:s8], [sflag:$0x2], $0x1000, $0x38;
	[tilespmem:$0x1080] =	vst v63  }
0x16: {  	s12 =	simm.s32 $0x10;
	_ =	swait.ge [sflag:s7], $0x1000  }
0x17: {  	s13 =	simm.s32 $0x20;
	s11 =	sadd.s32 $0x200, s5;
	[sflag:s7] =	ssyncset.done $0x0  }
.LBB2_2:
0x18: {  	s14 =	sadd.s32 s12, s6  }
0x19: {  	[sflag:s7] =	ssyncadd.s32 $0xFFFFF000;
	s12 =	smov.u32 s13;
	s15 =	sadd.s32 $0x10, s13  }
0x1a: {  	[tilespmem:s2], [sflag:$0x2] =	stream.linear.gather [hbm4b:s14+s2], $0x80, $0x38;
	[tilespmem:$0x1080] =	vst v63  }
0x1b: {  	p0 =	sne.s32 s13, $0x270;
	_ =	swait.ge [sflag:s7], $0x80  }
0x1c: {  	[sflag:s7] =	ssyncset.done $0x0  }
0x1d: {  	[sflag:s7] =	ssyncadd.s32 $0xFFFFFF80  }
0x1e: {  	[tilespmem:s8], [sflag:$0x1] =	stream.indirect.gather [hbm4b:s3+s8], $0x20, s2, s8, $0xb8;
	[tilespmem:$0x1080] =	vst v63  }
0x1f: {  	_ =	swait.ge [sflag:s9], $0x1000  }
.Ltmp0:
0x20: {  	[sflag:s9] =	ssyncset.done $0x0;
	(pc) =	sbr.rel @p0 .LBB2_2-.Ltmp0, $4  }
0x21: {  	[sflag:s9] =	ssyncadd.s32 $0xFFFFF000  }
0x22: {  	[hbm4b:s11+s2] =	stream.linear.scatter [tilespmem:s8], [sflag:$0x2], $0x1000, $0x38;
	[tilespmem:$0x1080] =	vst v63  }
0x23: {  	_ =	swait.ge [sflag:s7], $0x1000  }
0x24: {  	s13 =	smov.u32 s15;
	s11 =	sadd.s32 $0x200, s11;
	[sflag:s7] =	ssyncset.done $0x0  }
0x25: {  	s12 =	sadd.s32 s12, s6;
	[sflag:s7] =	ssyncadd.s32 $0xFFFFF000  }
0x26: {  	[tilespmem:s2], [sflag:$0x2] =	stream.linear.gather [hbm4b:s12+s2], $0x80, $0x38;
	[tilespmem:$0x1080] =	vst v63  }
0x27: {  	_ =	swait.ge [sflag:s7], $0x80  }
0x28: {  	[sflag:s7] =	ssyncset.done $0x0  }
0x29: {  	[sflag:s7] =	ssyncadd.s32 $0xFFFFFF80  }
0x2a: {  	[tilespmem:s8], [sflag:$0x1] =	stream.indirect.gather [hbm4b:s3+s8], $0x20, s2, s8, $0xb8;
	[tilespmem:$0x1080] =	vst v63  }
0x2b: {  	s10 =	sadd.s32 $0x1, s10;
	_ =	swait.ge [sflag:s9], $0x1000  }
0x2c: {  	p0 =	sne.s32 s10, s4;
	[sflag:s9] =	ssyncset.done $0x0  }
.Ltmp1:
0x2d: {  	[sflag:s9] =	ssyncadd.s32 $0xFFFFF000;
	(pc) =	sbr.rel @p0 .LBB2_1-.Ltmp1, $4  }
0x2e: {  	[hbm4b:s11+s2] =	stream.linear.scatter [tilespmem:s8], [sflag:$0x2], $0x1000, $0x38;
	[tilespmem:$0x1080] =	vst v63  }
0x2f: {  	_ =	swait.ge [sflag:s7], $0x1000  }
0x30: {  	[sflag:s7] =	ssyncset.done $0x0  }
0x31: {  	[sflag:s7] =	ssyncadd.s32 $0xFFFFF000  }
0x32: {  	_ =	sfence.sel $0x180000  }
0x33: {  	[bflag:$0x0] =	sbarrier.arrive $0xFFFF  }
0x34: {  	p0 =	sne.s32 s1, $0x0;
	_ =	strace $0x90000047  }
0x35: {  	s0 =	sadd.s32 @!p0 $0x100000, s0;
	[bflag:$0x2] =	sbarrier.arrive $0xFFFF  }
0x36: {  	[sflag:s0] =	ssyncadd.tile.s32 @!p0 $0x1;
	_ =	shalt  }
.Lfunc_end2:
_tile_overlayer_lowered:
.L_overlay_start_2:
0x37: {  	(tag) =	ssettag $0x2  }
0x38: {  	s0 =	rddreg [dreg:$0x0];
	s2 =	stileid.u32  }
0x39: {  	s1 =	rddreg [dreg:$0x1];
	p0 =	sne.s32 s2, $0x0  }
0x3a: {  	s3 =	rddreg [dreg:$0x2];
	[bflag:$0x3] =	sbarrier.arrive $0xFFFF;
	s2 =	simm.s32 @!p0 $0x1C02  }
0x3b: {  	[timem:s3], [sflag:s2] =	dma.local @!p0 [hbm:s0], s1  }
0x3c: {  	s0 =	simm.s32 @!p0 $0x2  }
0x3d: {  	_ =	swait.ge @!p0 [sflag:s0], s1  }
0x3e: {  	s1 =	ssub.s32 @!p0 $0x0, s1;
	[sflag:s0] =	ssyncset.done @!p0 $0x0  }
0x3f: {  	[sflag:s0] =	ssyncadd.s32 @!p0 s1  }
0x40: {  	[bflag:$0x3] =	sbarrier.arrive $0xFFFF  }
0x41: {  	_ =	shalt  }

// kernel: kernel.17.cloned.1.call-start
scs
__scs_entry_jumppad:
0x0: {  	(pc) =	sbr.rel $0x88, $3  }
0x1: {  	(tag) =	ssettag $0x0;
	lr =	simm.s32 $0x1  }
0x2: {  	[smem:$0x3F81] =	sst lr;
	_ =	strace $0xD0000000  }
0x3: {  	_ = 	snop  }
0x4: {  	_ = 	snop  }
0x5: {  	_ = 	snop  }
0x6: {  	_ = 	snop  }
0x7: {  	_ = 	snop  }
__scs_overlays_trampoline_lowered:
0x8: {  	[smem:$0x3F90] =	sst s0  }
0x9: {  	[smem:$0x3F91] =	sst s1  }
0xa: {  	[smem:$0x3F92] =	sst s2  }
0xb: {  	[smem:$0x3F93] =	sst s3  }
0xc: {  	[smem:$0x3F94] =	sst s4  }
0xd: {  	[smem:$0x3F95] =	sst s5  }
0xe: {  	[smem:$0x3F96] =	sst s6  }
0xf: {  	[smem:$0x3F97] =	sst s7  }
0x10: {  	[smem:$0x3F98] =	sst s8  }
0x11: {  	[smem:$0x3F99] =	sst s9;
	s0 =	simm.s32 @!p0 $0x0  }
0x12: {  	s1 =	sld [smem:$0x3F7F];
	s0 =	simm.s32 @p0 $0x1  }
0x13: {  	[smem:$0x3F9A] =	sst s0;
	s0 =	simm.s32 @!p1 $0x0  }
0x14: {  	s2 =	sld [smem:$0x3F7E];
	s0 =	simm.s32 @p1 $0x1  }
0x15: {  	[smem:$0x3F9B] =	sst s0;
	s0 =	simm.s32 @!p2 $0x0  }
0x16: {  	s3 =	sld [smem:$0x3FDB];
	s0 =	simm.s32 @p2 $0x1  }
0x17: {  	s4 =	simm.s32 $0x1BF5;
	[smem:$0x3F9D] =	sst s0  }
0x18: {  	s0 =	sld [smem:$0x3F80];
	_ =	swait.ge [sflag:s4], $0x0  }
0x19: {  	s7 =	sld [smem:$0x3F81]  }
0x1a: {  	s8 =	sadd.s32 $0xFFFFE003, lr  }
0x1b: {  	s9 =	sadd.s32 $0xFFFFFEF7, lr;
	s5 =	simm.s32 $0xFFFFFFFF;
	p2 =	slt.u32 s8, $0xFFFFF086  }
0x1c: {  	p1 =	slt.u32 s9, $0xF7A;
	s5 =	simm.s32 @!p2 $0x0  }
0x1d: {  	s5 =	simm.s32 @p1 $0x1;
	p0 =	seq.s32 s7, s2  }
0x1e: {  	s7 =	smul.u32 @!p0 $0xF7A, s2;
	p2 =	seq.s32 @!p0 s5, $0x0  }
0x1f: {  	s9 =	smul.u32 $0xF7A, s1;
	s8 =	simm.s32 @!p0 $0x1BF5;
	p2 =	por !p2, p0  }
0x20: {  	[sflag:s8] =	ssyncset.s32 @!p0 $0xFFFFF086;
	s6 =	sadd.s32 @!p0 s3, s7;
	s7 =	simm.s32 @!p0 $0x108  }
0x21: {  	s3 =	sadd.s32 s3, s9;
	s6 =	sadd.s32 @!p0 $0x88, s6;
	s7 =	simm.s32 @p2 $0x1082  }
0x22: {  	[simem:s7], [sflag:s8] =	dma.local @!p0 [hbm:s6], $0xF7A  }
0x23: {  	s9 =	sor.u32 $0xD0000000, s2;
	s6 =	simm.s32 $0x108;
	_ =	swait.ge @!p0 [sflag:s8], $0x0  }
0x24: {  	s3 =	sadd.s32 $0x88, s3;
	s6 =	simm.s32 @!p1 $0x1082;
	[sflag:s4] =	ssyncset.s32 $0xFFFFF086  }
0x25: {  	[simem:s6], [sflag:s4] =	dma.local [hbm:s3], $0xF7A  }
0x26: {  	[smem:$0x3F81] =	sst s1;
	(tag) =	ssettag s2;
	_ =	strace s9  }
0x27: {  	s1 =	sld [smem:$0x3F91]  }
0x28: {  	s2 =	sld [smem:$0x3F92]  }
0x29: {  	s4 =	sld [smem:$0x3F94]  }
0x2a: {  	p0 =	seq.s32 s5, $0x0;
	s5 =	sld [smem:$0x3F95]  }
0x2b: {  	s6 =	sld [smem:$0x3F96]  }
0x2c: {  	s7 =	sld [smem:$0x3F97]  }
0x2d: {  	s3 =	simm.s32 $0x108;
	s8 =	sld [smem:$0x3F98]  }
0x2e: {  	s3 =	simm.s32 @!p0 $0x1082;
	s9 =	sld [smem:$0x3F99]  }
0x2f: {  	lr =	sadd.s32 s0, s3;
	s0 =	sld [smem:$0x3F90]  }
0x30: {  	s3 =	sld [smem:$0x3F93]  }
0x31: {  	[smem:$0x3F9C] =	sst s10  }
0x32: {  	s10 =	sld [smem:$0x3F9A];
	_ =	sdelay $0x3  }
0x33: {  	p0 =	seq.s32 s10, $0x1;
	s10 =	sld [smem:$0x3F9C];
	_ =	sdelay $0x3  }
0x34: {  	[smem:$0x3F9C] =	sst s10  }
0x35: {  	s10 =	sld [smem:$0x3F9B];
	_ =	sdelay $0x3  }
0x36: {  	p1 =	seq.s32 s10, $0x1;
	s10 =	sld [smem:$0x3F9C];
	_ =	sdelay $0x3  }
0x37: {  	[smem:$0x3F9C] =	sst s10  }
0x38: {  	s10 =	sld [smem:$0x3F9D]  }
0x39: {  	_ = 	snop;
	(pc) =	sbr.ind lr, $3  }
0x3a: {  	_ = 	snop  }
0x3b: {  	_ = 	snop  }
0x3c: {  	p2 =	seq.s32 s10, $0x1;
	s10 =	sld [smem:$0x3F9C]  }
0x3d: {  	_ =	shalt  }
0x3e: {  	_ =	shalt  }
0x3f: {  	_ =	shalt  }
0x40: {  	_ =	shalt  }
0x41: {  	_ =	shalt  }
0x42: {  	_ =	shalt  }
0x43: {  	_ =	shalt  }
0x44: {  	_ =	shalt  }
0x45: {  	_ =	shalt  }
0x46: {  	_ =	shalt  }
0x47: {  	_ =	shalt  }
0x48: {  	_ =	shalt  }
0x49: {  	_ =	shalt  }
0x4a: {  	_ =	shalt  }
0x4b: {  	_ =	shalt  }
0x4c: {  	_ =	shalt  }
0x4d: {  	_ =	shalt  }
0x4e: {  	_ =	shalt  }
0x4f: {  	_ =	shalt  }
0x50: {  	_ =	shalt  }
0x51: {  	_ =	shalt  }
0x52: {  	_ =	shalt  }
0x53: {  	_ =	shalt  }
0x54: {  	_ =	shalt  }
0x55: {  	_ =	shalt  }
0x56: {  	_ =	shalt  }
0x57: {  	_ =	shalt  }
0x58: {  	_ =	shalt  }
0x59: {  	_ =	shalt  }
0x5a: {  	_ =	shalt  }
0x5b: {  	_ =	shalt  }
0x5c: {  	_ =	shalt  }
0x5d: {  	_ =	shalt  }
0x5e: {  	_ =	shalt  }
0x5f: {  	_ =	shalt  }
0x60: {  	_ =	shalt  }
0x61: {  	_ =	shalt  }
0x62: {  	_ =	shalt  }
0x63: {  	_ =	shalt  }
0x64: {  	_ =	shalt  }
0x65: {  	_ =	shalt  }
0x66: {  	_ =	shalt  }
0x67: {  	_ =	shalt  }
0x68: {  	_ =	shalt  }
0x69: {  	_ =	shalt  }
0x6a: {  	_ =	shalt  }
0x6b: {  	_ =	shalt  }
0x6c: {  	_ =	shalt  }
0x6d: {  	_ =	shalt  }
0x6e: {  	_ =	shalt  }
0x6f: {  	_ =	shalt  }
0x70: {  	_ =	shalt  }
0x71: {  	_ =	shalt  }
0x72: {  	_ =	shalt  }
0x73: {  	_ =	shalt  }
0x74: {  	_ =	shalt  }
0x75: {  	_ =	shalt  }
0x76: {  	_ =	shalt  }
0x77: {  	_ =	shalt  }
0x78: {  	_ =	shalt  }
0x79: {  	_ =	shalt  }
0x7a: {  	_ =	shalt  }
0x7b: {  	_ =	shalt  }
0x7c: {  	_ =	shalt  }
0x7d: {  	_ =	shalt  }
0x7e: {  	_ =	shalt  }
0x7f: {  	_ =	shalt  }
0x80: {  	_ =	shalt  }
0x81: {  	_ =	shalt  }
0x82: {  	_ =	shalt  }
0x83: {  	_ =	shalt  }
0x84: {  	_ =	shalt  }
0x85: {  	_ =	shalt  }
0x86: {  	_ =	shalt  }
0x87: {  	_ =	shalt  }
.Lfunc_end0:
.L_simem_size_0:
called_computation.1_lowered:
.L_overlay_start_0:
0x88: {  	s2 =	sld [smem:$0x3FD9]  }
0x89: {  	s3 =	sld [smem:$0x3FFE];
	_ =	sdelay $0x1  }
0x8a: {  	s1 =	srdreg.scid  }
0x8b: {  	s0 =	sand.u32 $0x1, s1  }
0x8c: {  	s16 =	sshll.u32 s0, $0xA;
	s2 =	sadd.s32 s3, s2  }
0x8d: {  	s2 =	sadd.s32 s2, s16  }
0x8e: {  	[smem:$0x3FA8] =	sst s2  }
0x8f: {  	_ = 	snop  }
0x90: {  	(tm) =	ssettm $0x1  }
0x91: {  	s17 =	sld [smem:$0x3FFB];
	_ =	sdelay $0x3  }
0x92: {  	_ =	strace s17  }
0x93: {  	s2 =	sld [smem:$0x3FFC];
	_ =	sdelay $0x3  }
0x94: {  	_ =	strace s2  }
0x95: {  	s2 =	sld [smem:$0x3FFD];
	_ =	sdelay $0x3  }
0x96: {  	_ =	strace s2  }
0x97: {  	_ =	strace $0x8FFFFFFF  }
0x98: {  	s18 =	sld [smem:$0x3FDB];
	_ =	sdelay $0x1  }
0x99: {  	s19 =	simm.s32 $_scs_section_size  }
0x9a: {  	s4 =	simm.s32 $_size__tile_overlayer_lowered;
	s5 =	simm.s32 $_tile_overlayer_lowered  }
0x9b: {  	s22 =	simm.s32 $0x1BFF;
	s21 =	sshll.u32 s5, $0x1;
	s2 =	sadd.s32 s19, s18  }
0x9c: {  	s6 =	simm.s32 $0x0;
	s20 =	sshll.u32 s4, $0x1;
	s4 =	sadd.s32 s21, s2  }
0x9d: {  	[timem:s6], [sflag:s22] =	dma.local [hbm:s4], s20  }
0x9e: {  	_ =	swait.ge [sflag:s22], s20  }
0x9f: {  	s3 =	ssub.s32 $0x0, s20;
	[sflag:s22] =	ssyncset.done $0x0  }
0xa0: {  	[sflag:s22] =	ssyncadd.s32 s3;
	_ =	sdelay $0x1  }
0xa1: {  	s23 =	simm.s32 $0x1B8B  }
0xa2: {  	_ =	swait.ge [sflag:s23], $0x1  }
0xa3: {  	[sflag:s23] =	ssyncset.done $0x0  }
0xa4: {  	s25 =	simm.s32 $0x1B8E;
	s24 =	sld [smem:$0x3FFE];
	[sflag:s23] =	ssyncadd.s32 $0xFFFFFFFF  }
0xa5: {  	s26 =	simm.s32 $execute0_lowered;
	[smem:$0x3FD2] =	sst s25  }
0xa6: {  	s4 =	sshll.u32 s26, $0x1;
	_ =	strace $0x80000049;
	[dreg:$0x1] =	wrdreg $0xFFFFFFFF  }
0xa7: {  	s28 =	simm.s32 $_size_execute0_lowered;
	s2 =	sadd.s32 s2, s4;
	[dreg:$0x0] =	wrdreg $0x0  }
0xa8: {  	s4 =	sshll.u32 s28, $0x1;
	[dreg:$0x2] =	wrdreg s2  }
0xa9: {  	[dreg:$0x3] =	wrdreg s4  }
0xaa: {  	[dreg:$0x4] =	wrdreg $0xC0  }
0xab: {  	_ =	task [dreg:s6], $0x5FFFF  }
0xac: {  	[dreg:$0x1] =	wrdreg $0xFFFFFFFF  }
0xad: {  	[dreg:$0x0] =	wrdreg $0x60  }
0xae: {  	[dreg:$0x2] =	wrdreg s24  }
0xaf: {  	[dreg:$0x3] =	wrdreg $0x5F800  }
0xb0: {  	[dreg:$0x4] =	wrdreg $0xDE000  }
0xb1: {  	[dreg:$0x5] =	wrdreg $0x9  }
0xb2: {  	_ =	task.clear_ibuf [dreg:s6], $0x6FFFF;
	_ =	strace $0x90000049  }
0xb3: {  	s29 =	simm.s32 $0x9;
	_ =	strace $0x8000004B  }
0xb4: {  	_ =	swait.ge [sflag:s29], $0x1  }
0xb5: {  	[sflag:s29] =	ssyncadd.s32 $0xFFFFFFFF  }
0xb6: {  	_ =	strace $0x9000004B  }
0xb7: {  	_ =	sfence  }
0xb8: {  	s30 =	sld [smem:$0x0];
	_ =	sdelay $0x2  }
0xb9: {  	s31 =	sshll.u32 s1, $0xD;
	s1 =	sshrl.u32 s1, $0x2  }
0xba: {  	s3 =	sand.u32 $0x4000, s31;
	s1 =	sadd.s32 s1, s30  }
0xbb: {  	s0 =	sor.u32 s3, s0;
	s1 =	sshll.u32 s1, $0x11  }
0xbc: {  	s0 =	sor.u32 s1, s0  }
0xbd: {  	s0 =	sadd.s32 $0x8F2B, s0  }
0xbe: {  	[sflag:s0] =	ssyncadd.remote.s32 $0x1  }
0xbf: {  	_ =	sfence.sel $0xFFFF  }
0xc0: {  	[dreg:$0x0] =	wrdreg $0xFFFFFFFF;
	(pc) =	sbr.abs _section_cstart, $3  }
0xc1: {  	[dreg:$0x1] =	wrdreg $0xFFFFFFFF  }
0xc2: {  	_ =	task.clear_ibuf [dreg:s6], $0x2FFFF;
	_ =	strace $0x9FFFFFFF  }
0xc3: {  	(tm) =	ssettm $0x7FFFFFFF  }
tec
execute0_lowered:
.L_overlay_start_1:
0x0: {  	(tag) =	ssettag $0x1  }
0x1: {  	s1 =	srdreg.scid;
	s0 =	stileid.u32  }
0x2: {  	s8 =	rddreg [dreg:$0x0];
	s5 =	smul.u32 $0x2800, s0  }
0x3: {  	s2 =	rddreg [dreg:$0x1];
	s7 =	smul.u32 $0xA000, s0  }
0x4: {  	s3 =	rddreg [dreg:$0x2];
	s4 =	simm.s32 $0x0;
	s10 =	smul.u32 $0x4F00, s0  }
0x5: {  	s18 =	simm.s32 $0xAE80;
	s9 =	sand.u32 $0x1, s1;
	s12 =	smul.u32 $0x2780, s0  }
0x6: {  	s19 =	simm.s32 $0x80;
	s1 =	rddreg [dreg:$0x3];
	s6 =	smul.u32 $0x1400, s9  }
0x7: {  	s20 =	simm.s32 $0x0;
	[smem:$0x7FF] =	sst s4;
	s11 =	smul.u32 $0x4F000, s9  }
0x8: {  	_ =	strace $0x8000004A;
	s15 =	smul.u32 $0x27800, s9;
	s16 =	ssub.s32 $0x2, s9  }
0x9: {  	s17 =	smul.u32 $0x5000, s9;
	s13 =	sadd.s32 s7, s8;
	s7 =	sadd.s32 $0x2EA00, s8  }
0xa: {  	s31 =	sshrl.u32 s16, $0x1;
	s9 =	sadd.s32 s12, s3;
	s5 =	sadd.s32 s6, s5  }
0xb: {  	s6 =	sadd.s32 $0x2E400, s8;
	s11 =	sadd.s32 s10, s11;
	s15 =	sadd.s32 s12, s15  }
0xc: {  	s16 =	ssub.s32 s16, s31;
	s13 =	sadd.s32 s17, s13;
	s17 =	simm.s32 $0xB680  }
0xd: {  	s5 =	sshrl.u32 s5, $0x3;
	s11 =	sshrl.u32 s11, $0x3;
	s15 =	sshrl.u32 s15, $0x3  }
0xe: {  	s12 =	smax.u32 s16, $0x1;
	s13 =	sadd.s32 $0x3C800, s13;
	s16 =	simm.s32 $0x1  }
0xf: {  	s14 =	sadd.s32 s5, s8;
	s5 =	sadd.s32 $0x2DA00, s8;
	s11 =	sadd.s32 s11, s8  }
0x10: {  	s15 =	sadd.s32 s15, s8;
	s8 =	sadd.s32 s10, s2;
	s10 =	sadd.s32 $0xEB600, s11  }
0x11: {  	s11 =	sadd.s32 $0xE1800, s15;
	s14 =	sadd.s32 $0xDC800, s14;
	s15 =	simm.s32 $0x1080  }
.LBB2_1:
0x12: {  	[tilespmem:s15], [sflag:$0x1] =	stream.linear.gather [hbm4b:s5+s4], $0x4F00, $0x38;
	[tilespmem:$0x10580] =	vst v63  }
0x13: {  	_ =	swait.ge [sflag:s16], $0x4F00  }
0x14: {  	[sflag:s16] =	ssyncset.done $0x0  }
0x15: {  	[sflag:s16] =	ssyncadd.s32 $0xFFFFB100  }
0x16: {  	[spmem:s8] =	stream.linear.scatter [tilespmem:s15], [sflag:$0x1], $0x4F00, $0x38;
	[tilespmem:$0x10580] =	vst v63  }
0x17: {  	_ =	swait.ge [sflag:s16], $0x4F00  }
0x18: {  	[sflag:s16] =	ssyncset.done $0x0  }
0x19: {  	[sflag:s16] =	ssyncadd.s32 $0xFFFFB100  }
0x1a: {  	[tilespmem:s17], [sflag:$0x1] =	stream.linear.gather [hbm4b:s6+s4], $0x2780, $0x38;
	[tilespmem:$0x10580] =	vst v63  }
0x1b: {  	_ =	swait.ge [sflag:s16], $0x2780  }
0x1c: {  	[sflag:s16] =	ssyncset.done $0x0  }
0x1d: {  	[sflag:s16] =	ssyncadd.s32 $0xFFFFD880  }
0x1e: {  	[spmem:s9] =	stream.linear.scatter [tilespmem:s17], [sflag:$0x1], $0x2780, $0x38;
	[tilespmem:$0x10580] =	vst v63  }
0x1f: {  	_ =	swait.ge [sflag:s16], $0x2780  }
0x20: {  	[sflag:s16] =	ssyncset.done $0x0  }
0x21: {  	[sflag:s16] =	ssyncadd.s32 $0xFFFFD880  }
0x22: {  	[tilespmem:s18], [sflag:$0x1] =	stream.linear.gather [hbm4b:s7+s4], $0x800, $0x38;
	[tilespmem:$0x10580] =	vst v63  }
0x23: {  	_ =	swait.ge [sflag:s16], $0x800  }
0x24: {  	[sflag:s16] =	ssyncset.done $0x0  }
0x25: {  	[sflag:s16] =	ssyncadd.s32 $0xFFFFF800  }
0x26: {  	s21 =	sadd.s32 $0x0, s14;
	[bflag:$0x0] =	sbarrier.arrive $0xFFFF  }
0x27: {  	[tilespmem:s4], [sflag:$0x1] =	stream.linear.gather [hbm4b:s21+s4], $0x80, $0x38;
	[tilespmem:$0x10580] =	vst v63  }
0x28: {  	_ =	swait.ge [sflag:s16], $0x80  }
0x29: {  	[sflag:s16] =	ssyncset.done $0x0  }
0x2a: {  	[sflag:s16] =	ssyncadd.s32 $0xFFFFFF80  }
0x2b: {  	[tilespmem:s19], [sflag:$0x1] =	stream.linear.gather [hbm4b:s13+s4], $0x1000, $0x38;
	[tilespmem:$0x10580] =	vst v63  }
0x2c: {  	_ =	swait.ge [sflag:s16], $0x1000  }
0x2d: {  	[sflag:s16] =	ssyncset.done $0x0  }
0x2e: {  	[sflag:s16] =	ssyncadd.s32 $0xFFFFF000  }
0x2f: {  	[spmem:s2] =	stream.indirect.scatter.add.f32 [tilespmem:s19], [sflag:$0x1], $0x20, s4, s19, $0xb8;
	[tilespmem:$0x10580] =	vst v63  }
0x30: {  	_ =	swait.ge [sflag:s16], $0x1000  }
0x31: {  	[sflag:s16] =	ssyncset.done $0x0  }
0x32: {  	[sflag:s16] =	ssyncadd.s32 $0xFFFFF000  }
0x33: {  	[spmem:s3] =	stream.indirect.scatter.add.f32 [tilespmem:s18], [sflag:$0x1], $0x10, s4, s19, $0xb8;
	[tilespmem:$0x10580] =	vst v63  }
0x34: {  	s22 =	simm.s32 $0x10;
	_ =	swait.ge [sflag:s16], $0x800  }
0x35: {  	s23 =	simm.s32 $0x20;
	s21 =	sadd.s32 $0x200, s13;
	[sflag:s16] =	ssyncset.done $0x0  }
.LBB2_2:
0x36: {  	s24 =	sadd.s32 s22, s14  }
0x37: {  	[sflag:s16] =	ssyncadd.s32 $0xFFFFF800;
	s22 =	smov.u32 s23;
	s25 =	sadd.s32 $0x10, s23  }
0x38: {  	[tilespmem:s4], [sflag:$0x1] =	stream.linear.gather [hbm4b:s24+s4], $0x80, $0x38;
	[tilespmem:$0x10580] =	vst v63  }
0x39: {  	p0 =	sne.s32 s23, $0x270;
	_ =	swait.ge [sflag:s16], $0x80  }
0x3a: {  	[sflag:s16] =	ssyncset.done $0x0  }
0x3b: {  	[sflag:s16] =	ssyncadd.s32 $0xFFFFFF80  }
0x3c: {  	[tilespmem:s19], [sflag:$0x1] =	stream.linear.gather [hbm4b:s21+s4], $0x1000, $0x38;
	[tilespmem:$0x10580] =	vst v63  }
0x3d: {  	_ =	swait.ge [sflag:s16], $0x1000  }
0x3e: {  	[sflag:s16] =	ssyncset.done $0x0  }
0x3f: {  	[sflag:s16] =	ssyncadd.s32 $0xFFFFF000  }
0x40: {  	[spmem:s2] =	stream.indirect.scatter.add.f32 [tilespmem:s19], [sflag:$0x1], $0x20, s4, s19, $0xb8;
	[tilespmem:$0x10580] =	vst v63  }
0x41: {  	_ =	swait.ge [sflag:s16], $0x1000  }
.Ltmp0:
0x42: {  	[sflag:s16] =	ssyncset.done $0x0;
	(pc) =	sbr.rel @p0 .LBB2_2-.Ltmp0, $4  }
0x43: {  	[sflag:s16] =	ssyncadd.s32 $0xFFFFF000  }
0x44: {  	[spmem:s3] =	stream.indirect.scatter.add.f32 [tilespmem:s18], [sflag:$0x1], $0x10, s4, s19, $0xb8;
	[tilespmem:$0x10580] =	vst v63  }
0x45: {  	_ =	swait.ge [sflag:s16], $0x800  }
0x46: {  	s23 =	smov.u32 s25;
	s21 =	sadd.s32 $0x200, s21;
	[sflag:s16] =	ssyncset.done $0x0  }
0x47: {  	s22 =	sadd.s32 s22, s14;
	[sflag:s16] =	ssyncadd.s32 $0xFFFFF800  }
0x48: {  	[tilespmem:s4], [sflag:$0x1] =	stream.linear.gather [hbm4b:s22+s4], $0x80, $0x38;
	[tilespmem:$0x10580] =	vst v63  }
0x49: {  	_ =	swait.ge [sflag:s16], $0x80  }
0x4a: {  	[sflag:s16] =	ssyncset.done $0x0  }
0x4b: {  	[sflag:s16] =	ssyncadd.s32 $0xFFFFFF80  }
0x4c: {  	[tilespmem:s19], [sflag:$0x1] =	stream.linear.gather [hbm4b:s21+s4], $0x1000, $0x38;
	[tilespmem:$0x10580] =	vst v63  }
0x4d: {  	_ =	swait.ge [sflag:s16], $0x1000  }
0x4e: {  	[sflag:s16] =	ssyncset.done $0x0  }
0x4f: {  	[sflag:s16] =	ssyncadd.s32 $0xFFFFF000  }
0x50: {  	[spmem:s2] =	stream.indirect.scatter.add.f32 [tilespmem:s19], [sflag:$0x1], $0x20, s4, s19, $0xb8;
	[tilespmem:$0x10580] =	vst v63  }
0x51: {  	_ =	swait.ge [sflag:s16], $0x1000  }
0x52: {  	[sflag:s16] =	ssyncset.done $0x0  }
0x53: {  	[sflag:s16] =	ssyncadd.s32 $0xFFFFF000  }
0x54: {  	[spmem:s3] =	stream.indirect.scatter.add.f32 [tilespmem:s18], [sflag:$0x1], $0x10, s4, s19, $0xb8;
	[tilespmem:$0x10580] =	vst v63  }
0x55: {  	_ =	swait.ge [sflag:s16], $0x800  }
0x56: {  	[sflag:s16] =	ssyncset.done $0x0  }
0x57: {  	[sflag:s16] =	ssyncadd.s32 $0xFFFFF800  }
0x58: {  	[bflag:$0x0] =	sbarrier.arrive $0xFFFF  }
0x59: {  	[tilespmem:s15], [sflag:$0x1] =	stream.linear.gather [spmem:s8], $0x4F00, $0x38;
	[tilespmem:$0x10580] =	vst v63  }
0x5a: {  	_ =	swait.ge [sflag:s16], $0x4F00  }
0x5b: {  	[sflag:s16] =	ssyncset.done $0x0  }
0x5c: {  	[sflag:s16] =	ssyncadd.s32 $0xFFFFB100  }
0x5d: {  	[hbm4b:s10+s4] =	stream.linear.scatter [tilespmem:s15], [sflag:$0x1], $0x4F00, $0x38;
	[tilespmem:$0x10580] =	vst v63  }
0x5e: {  	_ =	swait.ge [sflag:s16], $0x4F00  }
0x5f: {  	[sflag:s16] =	ssyncset.done $0x0  }
0x60: {  	[sflag:s16] =	ssyncadd.s32 $0xFFFFB100  }
0x61: {  	[tilespmem:s17], [sflag:$0x1] =	stream.linear.gather [spmem:s9], $0x2780, $0x38;
	[tilespmem:$0x10580] =	vst v63  }
0x62: {  	s20 =	sadd.s32 $0x1, s20;
	_ =	swait.ge [sflag:s16], $0x2780  }
0x63: {  	p0 =	sne.s32 s20, s12;
	[sflag:s16] =	ssyncset.done $0x0  }
.Ltmp1:
0x64: {  	[sflag:s16] =	ssyncadd.s32 $0xFFFFD880;
	(pc) =	sbr.rel @p0 .LBB2_1-.Ltmp1, $4  }
0x65: {  	[hbm4b:s11+s4] =	stream.linear.scatter [tilespmem:s17], [sflag:$0x1], $0x2780, $0x38;
	[tilespmem:$0x10580] =	vst v63  }
0x66: {  	_ =	swait.ge [sflag:s16], $0x2780  }
0x67: {  	[sflag:s16] =	ssyncset.done $0x0  }
0x68: {  	[sflag:s16] =	ssyncadd.s32 $0xFFFFD880  }
0x69: {  	_ =	sfence.sel $0x180000  }
0x6a: {  	[bflag:$0x0] =	sbarrier.arrive $0xFFFF  }
0x6b: {  	p0 =	sne.s32 s0, $0x0;
	_ =	strace $0x9000004A  }
0x6c: {  	s0 =	sadd.s32 @!p0 $0x100000, s1;
	[bflag:$0x2] =	sbarrier.arrive $0xFFFF  }
0x6d: {  	[sflag:s0] =	ssyncadd.tile.s32 @!p0 $0x1;
	_ =	shalt  }
.Lfunc_end2:
_tile_overlayer_lowered:
.L_overlay_start_2:
0x6e: {  	(tag) =	ssettag $0x2  }
0x6f: {  	s0 =	rddreg [dreg:$0x0];
	s2 =	stileid.u32  }
0x70: {  	s1 =	rddreg [dreg:$0x1];
	p0 =	sne.s32 s2, $0x0  }
0x71: {  	s3 =	rddreg [dreg:$0x2];
	[bflag:$0x3] =	sbarrier.arrive $0xFFFF;
	s2 =	simm.s32 @!p0 $0x1C01  }
0x72: {  	[timem:s3], [sflag:s2] =	dma.local @!p0 [hbm:s0], s1  }
0x73: {  	s0 =	simm.s32 @!p0 $0x1  }
0x74: {  	_ =	swait.ge @!p0 [sflag:s0], s1  }
0x75: {  	s1 =	ssub.s32 @!p0 $0x0, s1;
	[sflag:s0] =	ssyncset.done @!p0 $0x0  }
0x76: {  	[sflag:s0] =	ssyncadd.s32 @!p0 s1  }
0x77: {  	[bflag:$0x3] =	sbarrier.arrive $0xFFFF  }
0x78: {  	_ =	shalt  }

// kernel: kernel.20.cloned.1.call-start
scs
__scs_entry_jumppad:
0x0: {  	(pc) =	sbr.rel $0x88, $3  }
0x1: {  	(tag) =	ssettag $0x0;
	lr =	simm.s32 $0x1  }
0x2: {  	[smem:$0x3F81] =	sst lr;
	_ =	strace $0xD0000000  }
0x3: {  	_ = 	snop  }
0x4: {  	_ = 	snop  }
0x5: {  	_ = 	snop  }
0x6: {  	_ = 	snop  }
0x7: {  	_ = 	snop  }
__scs_overlays_trampoline_lowered:
0x8: {  	[smem:$0x3F90] =	sst s0  }
0x9: {  	[smem:$0x3F91] =	sst s1  }
0xa: {  	[smem:$0x3F92] =	sst s2  }
0xb: {  	[smem:$0x3F93] =	sst s3  }
0xc: {  	[smem:$0x3F94] =	sst s4  }
0xd: {  	[smem:$0x3F95] =	sst s5  }
0xe: {  	[smem:$0x3F96] =	sst s6  }
0xf: {  	[smem:$0x3F97] =	sst s7  }
0x10: {  	[smem:$0x3F98] =	sst s8  }
0x11: {  	[smem:$0x3F99] =	sst s9;
	s0 =	simm.s32 @!p0 $0x0  }
0x12: {  	s1 =	sld [smem:$0x3F7F];
	s0 =	simm.s32 @p0 $0x1  }
0x13: {  	[smem:$0x3F9A] =	sst s0;
	s0 =	simm.s32 @!p1 $0x0  }
0x14: {  	s2 =	sld [smem:$0x3F7E];
	s0 =	simm.s32 @p1 $0x1  }
0x15: {  	[smem:$0x3F9B] =	sst s0;
	s0 =	simm.s32 @!p2 $0x0  }
0x16: {  	s3 =	sld [smem:$0x3FDB];
	s0 =	simm.s32 @p2 $0x1  }
0x17: {  	s4 =	simm.s32 $0x1BF5;
	[smem:$0x3F9D] =	sst s0  }
0x18: {  	s0 =	sld [smem:$0x3F80];
	_ =	swait.ge [sflag:s4], $0x0  }
0x19: {  	s7 =	sld [smem:$0x3F81]  }
0x1a: {  	s8 =	sadd.s32 $0xFFFFE003, lr  }
0x1b: {  	s9 =	sadd.s32 $0xFFFFFEF7, lr;
	s5 =	simm.s32 $0xFFFFFFFF;
	p2 =	slt.u32 s8, $0xFFFFF086  }
0x1c: {  	p1 =	slt.u32 s9, $0xF7A;
	s5 =	simm.s32 @!p2 $0x0  }
0x1d: {  	s5 =	simm.s32 @p1 $0x1;
	p0 =	seq.s32 s7, s2  }
0x1e: {  	s7 =	smul.u32 @!p0 $0xF7A, s2;
	p2 =	seq.s32 @!p0 s5, $0x0  }
0x1f: {  	s9 =	smul.u32 $0xF7A, s1;
	s8 =	simm.s32 @!p0 $0x1BF5;
	p2 =	por !p2, p0  }
0x20: {  	[sflag:s8] =	ssyncset.s32 @!p0 $0xFFFFF086;
	s6 =	sadd.s32 @!p0 s3, s7;
	s7 =	simm.s32 @!p0 $0x108  }
0x21: {  	s3 =	sadd.s32 s3, s9;
	s6 =	sadd.s32 @!p0 $0x88, s6;
	s7 =	simm.s32 @p2 $0x1082  }
0x22: {  	[simem:s7], [sflag:s8] =	dma.local @!p0 [hbm:s6], $0xF7A  }
0x23: {  	s9 =	sor.u32 $0xD0000000, s2;
	s6 =	simm.s32 $0x108;
	_ =	swait.ge @!p0 [sflag:s8], $0x0  }
0x24: {  	s3 =	sadd.s32 $0x88, s3;
	s6 =	simm.s32 @!p1 $0x1082;
	[sflag:s4] =	ssyncset.s32 $0xFFFFF086  }
0x25: {  	[simem:s6], [sflag:s4] =	dma.local [hbm:s3], $0xF7A  }
0x26: {  	[smem:$0x3F81] =	sst s1;
	(tag) =	ssettag s2;
	_ =	strace s9  }
0x27: {  	s1 =	sld [smem:$0x3F91]  }
0x28: {  	s2 =	sld [smem:$0x3F92]  }
0x29: {  	s4 =	sld [smem:$0x3F94]  }
0x2a: {  	p0 =	seq.s32 s5, $0x0;
	s5 =	sld [smem:$0x3F95]  }
0x2b: {  	s6 =	sld [smem:$0x3F96]  }
0x2c: {  	s7 =	sld [smem:$0x3F97]  }
0x2d: {  	s3 =	simm.s32 $0x108;
	s8 =	sld [smem:$0x3F98]  }
0x2e: {  	s3 =	simm.s32 @!p0 $0x1082;
	s9 =	sld [smem:$0x3F99]  }
0x2f: {  	lr =	sadd.s32 s0, s3;
	s0 =	sld [smem:$0x3F90]  }
0x30: {  	s3 =	sld [smem:$0x3F93]  }
0x31: {  	[smem:$0x3F9C] =	sst s10  }
0x32: {  	s10 =	sld [smem:$0x3F9A];
	_ =	sdelay $0x3  }
0x33: {  	p0 =	seq.s32 s10, $0x1;
	s10 =	sld [smem:$0x3F9C];
	_ =	sdelay $0x3  }
0x34: {  	[smem:$0x3F9C] =	sst s10  }
0x35: {  	s10 =	sld [smem:$0x3F9B];
	_ =	sdelay $0x3  }
0x36: {  	p1 =	seq.s32 s10, $0x1;
	s10 =	sld [smem:$0x3F9C];
	_ =	sdelay $0x3  }
0x37: {  	[smem:$0x3F9C] =	sst s10  }
0x38: {  	s10 =	sld [smem:$0x3F9D]  }
0x39: {  	_ = 	snop;
	(pc) =	sbr.ind lr, $3  }
0x3a: {  	_ = 	snop  }
0x3b: {  	_ = 	snop  }
0x3c: {  	p2 =	seq.s32 s10, $0x1;
	s10 =	sld [smem:$0x3F9C]  }
0x3d: {  	_ =	shalt  }
0x3e: {  	_ =	shalt  }
0x3f: {  	_ =	shalt  }
0x40: {  	_ =	shalt  }
0x41: {  	_ =	shalt  }
0x42: {  	_ =	shalt  }
0x43: {  	_ =	shalt  }
0x44: {  	_ =	shalt  }
0x45: {  	_ =	shalt  }
0x46: {  	_ =	shalt  }
0x47: {  	_ =	shalt  }
0x48: {  	_ =	shalt  }
0x49: {  	_ =	shalt  }
0x4a: {  	_ =	shalt  }
0x4b: {  	_ =	shalt  }
0x4c: {  	_ =	shalt  }
0x4d: {  	_ =	shalt  }
0x4e: {  	_ =	shalt  }
0x4f: {  	_ =	shalt  }
0x50: {  	_ =	shalt  }
0x51: {  	_ =	shalt  }
0x52: {  	_ =	shalt  }
0x53: {  	_ =	shalt  }
0x54: {  	_ =	shalt  }
0x55: {  	_ =	shalt  }
0x56: {  	_ =	shalt  }
0x57: {  	_ =	shalt  }
0x58: {  	_ =	shalt  }
0x59: {  	_ =	shalt  }
0x5a: {  	_ =	shalt  }
0x5b: {  	_ =	shalt  }
0x5c: {  	_ =	shalt  }
0x5d: {  	_ =	shalt  }
0x5e: {  	_ =	shalt  }
0x5f: {  	_ =	shalt  }
0x60: {  	_ =	shalt  }
0x61: {  	_ =	shalt  }
0x62: {  	_ =	shalt  }
0x63: {  	_ =	shalt  }
0x64: {  	_ =	shalt  }
0x65: {  	_ =	shalt  }
0x66: {  	_ =	shalt  }
0x67: {  	_ =	shalt  }
0x68: {  	_ =	shalt  }
0x69: {  	_ =	shalt  }
0x6a: {  	_ =	shalt  }
0x6b: {  	_ =	shalt  }
0x6c: {  	_ =	shalt  }
0x6d: {  	_ =	shalt  }
0x6e: {  	_ =	shalt  }
0x6f: {  	_ =	shalt  }
0x70: {  	_ =	shalt  }
0x71: {  	_ =	shalt  }
0x72: {  	_ =	shalt  }
0x73: {  	_ =	shalt  }
0x74: {  	_ =	shalt  }
0x75: {  	_ =	shalt  }
0x76: {  	_ =	shalt  }
0x77: {  	_ =	shalt  }
0x78: {  	_ =	shalt  }
0x79: {  	_ =	shalt  }
0x7a: {  	_ =	shalt  }
0x7b: {  	_ =	shalt  }
0x7c: {  	_ =	shalt  }
0x7d: {  	_ =	shalt  }
0x7e: {  	_ =	shalt  }
0x7f: {  	_ =	shalt  }
0x80: {  	_ =	shalt  }
0x81: {  	_ =	shalt  }
0x82: {  	_ =	shalt  }
0x83: {  	_ =	shalt  }
0x84: {  	_ =	shalt  }
0x85: {  	_ =	shalt  }
0x86: {  	_ =	shalt  }
0x87: {  	_ =	shalt  }
.Lfunc_end0:
.L_simem_size_0:
called_computation.2_lowered:
.L_overlay_start_0:
0x88: {  	s2 =	sld [smem:$0x3FD9]  }
0x89: {  	s3 =	sld [smem:$0x3FFE];
	_ =	sdelay $0x1  }
0x8a: {  	s1 =	srdreg.scid  }
0x8b: {  	s0 =	sand.u32 $0x1, s1  }
0x8c: {  	s16 =	sshll.u32 s0, $0xA;
	s2 =	sadd.s32 s3, s2  }
0x8d: {  	s2 =	sadd.s32 s2, s16  }
0x8e: {  	[smem:$0x3FA8] =	sst s2  }
0x8f: {  	_ = 	snop  }
0x90: {  	(tm) =	ssettm $0x1  }
0x91: {  	s17 =	sld [smem:$0x3FFB];
	_ =	sdelay $0x3  }
0x92: {  	_ =	strace s17  }
0x93: {  	s2 =	sld [smem:$0x3FFC];
	_ =	sdelay $0x3  }
0x94: {  	_ =	strace s2  }
0x95: {  	s2 =	sld [smem:$0x3FFD];
	_ =	sdelay $0x3  }
0x96: {  	_ =	strace s2  }
0x97: {  	_ =	strace $0x8FFFFFFF  }
0x98: {  	s18 =	sld [smem:$0x3FDB];
	_ =	sdelay $0x1  }
0x99: {  	s19 =	simm.s32 $_scs_section_size  }
0x9a: {  	s4 =	simm.s32 $_size__tile_overlayer_lowered;
	s5 =	simm.s32 $_tile_overlayer_lowered  }
0x9b: {  	s22 =	simm.s32 $0x1BFF;
	s21 =	sshll.u32 s5, $0x1;
	s2 =	sadd.s32 s19, s18  }
0x9c: {  	s6 =	simm.s32 $0x0;
	s20 =	sshll.u32 s4, $0x1;
	s4 =	sadd.s32 s21, s2  }
0x9d: {  	[timem:s6], [sflag:s22] =	dma.local [hbm:s4], s20  }
0x9e: {  	_ =	swait.ge [sflag:s22], s20  }
0x9f: {  	s3 =	ssub.s32 $0x0, s20;
	[sflag:s22] =	ssyncset.done $0x0  }
0xa0: {  	[sflag:s22] =	ssyncadd.s32 s3;
	_ =	sdelay $0x1  }
0xa1: {  	s23 =	simm.s32 $0x1B8B  }
0xa2: {  	_ =	swait.ge [sflag:s23], $0x1  }
0xa3: {  	[sflag:s23] =	ssyncset.done $0x0  }
0xa4: {  	s25 =	simm.s32 $0x1B8E;
	s24 =	sld [smem:$0x3FFE];
	[sflag:s23] =	ssyncadd.s32 $0xFFFFFFFF  }
0xa5: {  	s26 =	simm.s32 $execute0_lowered;
	[smem:$0x3FD2] =	sst s25  }
0xa6: {  	s4 =	sshll.u32 s26, $0x1;
	_ =	strace $0x8000004C;
	[dreg:$0x1] =	wrdreg $0xFFFFFFFF  }
0xa7: {  	s28 =	simm.s32 $_size_execute0_lowered;
	s2 =	sadd.s32 s2, s4;
	[dreg:$0x0] =	wrdreg $0x0  }
0xa8: {  	s4 =	sshll.u32 s28, $0x1;
	[dreg:$0x2] =	wrdreg s2  }
0xa9: {  	[dreg:$0x3] =	wrdreg s4  }
0xaa: {  	[dreg:$0x4] =	wrdreg $0xC0  }
0xab: {  	_ =	task [dreg:s6], $0x5FFFF  }
0xac: {  	[dreg:$0x1] =	wrdreg $0xFFFFFFFF  }
0xad: {  	[dreg:$0x0] =	wrdreg $0x60  }
0xae: {  	[dreg:$0x2] =	wrdreg s24  }
0xaf: {  	[dreg:$0x3] =	wrdreg $0x9  }
0xb0: {  	_ =	task.clear_ibuf [dreg:s6], $0x4FFFF;
	_ =	strace $0x9000004C  }
0xb1: {  	s29 =	simm.s32 $0x9;
	_ =	strace $0x8000004E  }
0xb2: {  	_ =	swait.ge [sflag:s29], $0x1  }
0xb3: {  	[sflag:s29] =	ssyncadd.s32 $0xFFFFFFFF  }
0xb4: {  	_ =	strace $0x9000004E  }
0xb5: {  	_ =	sfence  }
0xb6: {  	s30 =	sld [smem:$0x0];
	_ =	sdelay $0x2  }
0xb7: {  	s31 =	sshll.u32 s1, $0xD;
	s1 =	sshrl.u32 s1, $0x2  }
0xb8: {  	s3 =	sand.u32 $0x4000, s31;
	s1 =	sadd.s32 s1, s30  }
0xb9: {  	s0 =	sor.u32 s3, s0;
	s1 =	sshll.u32 s1, $0x11  }
0xba: {  	s0 =	sor.u32 s1, s0  }
0xbb: {  	s0 =	sadd.s32 $0x8F2B, s0  }
0xbc: {  	[sflag:s0] =	ssyncadd.remote.s32 $0x1  }
0xbd: {  	_ =	sfence.sel $0xFFFF  }
0xbe: {  	[dreg:$0x0] =	wrdreg $0xFFFFFFFF;
	(pc) =	sbr.abs _section_cstart, $3  }
0xbf: {  	[dreg:$0x1] =	wrdreg $0xFFFFFFFF  }
0xc0: {  	_ =	task.clear_ibuf [dreg:s6], $0x2FFFF;
	_ =	strace $0x9FFFFFFF  }
0xc1: {  	(tm) =	ssettm $0x7FFFFFFF  }
tec
execute0_lowered:
.L_overlay_start_1:
0x0: {  	(tag) =	ssettag $0x1  }
0x1: {  	s3 =	rddreg [dreg:$0x0]  }
0x2: {  	s0 =	rddreg [dreg:$0x1];
	s1 =	stileid.u32  }
0x3: {  	s4 =	srdreg.scid;
	s5 =	smul.u32 $0x2800, s1  }
0x4: {  	s2 =	simm.s32 $0x0;
	s4 =	sand.u32 $0x1, s4;
	s29 =	smul.u32 $0xA000, s1  }
0x5: {  	[smem:$0x7FF] =	sst s2;
	s6 =	smul.u32 $0x1400, s4  }
0x6: {  	_ =	strace $0x8000004D;
	s7 =	ssub.s32 $0x2, s4;
	s9 =	smul.u32 $0x5000, s4  }
0x7: {  	s8 =	sshrl.u32 s7, $0x1;
	s30 =	sadd.s32 s29, s3;
	s5 =	sadd.s32 s6, s5  }
0x8: {  	s31 =	ssub.s32 s7, s8;
	s7 =	simm.s32 $0x2;
	s5 =	sshrl.u32 s5, $0x3  }
0x9: {  	s8 =	simm.s32 $0x80;
	s4 =	smax.u32 s31, $0x1;
	s10 =	sadd.s32 s5, s3  }
0xa: {  	s3 =	sadd.s32 $0xE1800, s3;
	s5 =	sadd.s32 s9, s30;
	s9 =	simm.s32 $0x1  }
0xb: {  	s5 =	sadd.s32 $0x126400, s5;
	s6 =	sadd.s32 $0x37800, s10;
	s10 =	simm.s32 $0x0  }
.LBB2_1:
0xc: {  	s11 =	sadd.s32 $0x0, s6  }
0xd: {  	[tilespmem:s2], [sflag:$0x2] =	stream.linear.gather [hbm4b:s11+s2], $0x80, $0x38;
	[tilespmem:$0x1080] =	vst v63  }
0xe: {  	_ =	swait.ge [sflag:s7], $0x80  }
0xf: {  	[sflag:s7] =	ssyncset.done $0x0  }
0x10: {  	[sflag:s7] =	ssyncadd.s32 $0xFFFFFF80  }
0x11: {  	[tilespmem:s8], [sflag:$0x1] =	stream.indirect.gather [hbm4b:s3+s8], $0x20, s2, s8, $0xb8;
	[tilespmem:$0x1080] =	vst v63  }
0x12: {  	_ =	swait.ge [sflag:s9], $0x1000  }
0x13: {  	[sflag:s9] =	ssyncset.done $0x0  }
0x14: {  	[sflag:s9] =	ssyncadd.s32 $0xFFFFF000  }
0x15: {  	[hbm4b:s5+s2] =	stream.linear.scatter [tilespmem:s8], [sflag:$0x2], $0x1000, $0x38;
	[tilespmem:$0x1080] =	vst v63  }
0x16: {  	s12 =	simm.s32 $0x10;
	_ =	swait.ge [sflag:s7], $0x1000  }
0x17: {  	s13 =	simm.s32 $0x20;
	s11 =	sadd.s32 $0x200, s5;
	[sflag:s7] =	ssyncset.done $0x0  }
.LBB2_2:
0x18: {  	s14 =	sadd.s32 s12, s6  }
0x19: {  	[sflag:s7] =	ssyncadd.s32 $0xFFFFF000;
	s12 =	smov.u32 s13;
	s15 =	sadd.s32 $0x10, s13  }
0x1a: {  	[tilespmem:s2], [sflag:$0x2] =	stream.linear.gather [hbm4b:s14+s2], $0x80, $0x38;
	[tilespmem:$0x1080] =	vst v63  }
0x1b: {  	p0 =	sne.s32 s13, $0x270;
	_ =	swait.ge [sflag:s7], $0x80  }
0x1c: {  	[sflag:s7] =	ssyncset.done $0x0  }
0x1d: {  	[sflag:s7] =	ssyncadd.s32 $0xFFFFFF80  }
0x1e: {  	[tilespmem:s8], [sflag:$0x1] =	stream.indirect.gather [hbm4b:s3+s8], $0x20, s2, s8, $0xb8;
	[tilespmem:$0x1080] =	vst v63  }
0x1f: {  	_ =	swait.ge [sflag:s9], $0x1000  }
.Ltmp0:
0x20: {  	[sflag:s9] =	ssyncset.done $0x0;
	(pc) =	sbr.rel @p0 .LBB2_2-.Ltmp0, $4  }
0x21: {  	[sflag:s9] =	ssyncadd.s32 $0xFFFFF000  }
0x22: {  	[hbm4b:s11+s2] =	stream.linear.scatter [tilespmem:s8], [sflag:$0x2], $0x1000, $0x38;
	[tilespmem:$0x1080] =	vst v63  }
0x23: {  	_ =	swait.ge [sflag:s7], $0x1000  }
0x24: {  	s13 =	smov.u32 s15;
	s11 =	sadd.s32 $0x200, s11;
	[sflag:s7] =	ssyncset.done $0x0  }
0x25: {  	s12 =	sadd.s32 s12, s6;
	[sflag:s7] =	ssyncadd.s32 $0xFFFFF000  }
0x26: {  	[tilespmem:s2], [sflag:$0x2] =	stream.linear.gather [hbm4b:s12+s2], $0x80, $0x38;
	[tilespmem:$0x1080] =	vst v63  }
0x27: {  	_ =	swait.ge [sflag:s7], $0x80  }
0x28: {  	[sflag:s7] =	ssyncset.done $0x0  }
0x29: {  	[sflag:s7] =	ssyncadd.s32 $0xFFFFFF80  }
0x2a: {  	[tilespmem:s8], [sflag:$0x1] =	stream.indirect.gather [hbm4b:s3+s8], $0x20, s2, s8, $0xb8;
	[tilespmem:$0x1080] =	vst v63  }
0x2b: {  	s10 =	sadd.s32 $0x1, s10;
	_ =	swait.ge [sflag:s9], $0x1000  }
0x2c: {  	p0 =	sne.s32 s10, s4;
	[sflag:s9] =	ssyncset.done $0x0  }
.Ltmp1:
0x2d: {  	[sflag:s9] =	ssyncadd.s32 $0xFFFFF000;
	(pc) =	sbr.rel @p0 .LBB2_1-.Ltmp1, $4  }
0x2e: {  	[hbm4b:s11+s2] =	stream.linear.scatter [tilespmem:s8], [sflag:$0x2], $0x1000, $0x38;
	[tilespmem:$0x1080] =	vst v63  }
0x2f: {  	_ =	swait.ge [sflag:s7], $0x1000  }
0x30: {  	[sflag:s7] =	ssyncset.done $0x0  }
0x31: {  	[sflag:s7] =	ssyncadd.s32 $0xFFFFF000  }
0x32: {  	_ =	sfence.sel $0x180000  }
0x33: {  	[bflag:$0x0] =	sbarrier.arrive $0xFFFF  }
0x34: {  	p0 =	sne.s32 s1, $0x0;
	_ =	strace $0x9000004D  }
0x35: {  	s0 =	sadd.s32 @!p0 $0x100000, s0;
	[bflag:$0x2] =	sbarrier.arrive $0xFFFF  }
0x36: {  	[sflag:s0] =	ssyncadd.tile.s32 @!p0 $0x1;
	_ =	shalt  }
.Lfunc_end2:
_tile_overlayer_lowered:
.L_overlay_start_2:
0x37: {  	(tag) =	ssettag $0x2  }
0x38: {  	s0 =	rddreg [dreg:$0x0];
	s2 =	stileid.u32  }
0x39: {  	s1 =	rddreg [dreg:$0x1];
	p0 =	sne.s32 s2, $0x0  }
0x3a: {  	s3 =	rddreg [dreg:$0x2];
	[bflag:$0x3] =	sbarrier.arrive $0xFFFF;
	s2 =	simm.s32 @!p0 $0x1C02  }
0x3b: {  	[timem:s3], [sflag:s2] =	dma.local @!p0 [hbm:s0], s1  }
0x3c: {  	s0 =	simm.s32 @!p0 $0x2  }
0x3d: {  	_ =	swait.ge @!p0 [sflag:s0], s1  }
0x3e: {  	s1 =	ssub.s32 @!p0 $0x0, s1;
	[sflag:s0] =	ssyncset.done @!p0 $0x0  }
0x3f: {  	[sflag:s0] =	ssyncadd.s32 @!p0 s1  }
0x40: {  	[bflag:$0x3] =	sbarrier.arrive $0xFFFF  }
0x41: {  	_ =	shalt  }

// kernel: kernel.23.cloned.1.call-start
scs
__scs_entry_jumppad:
0x0: {  	(pc) =	sbr.rel $0x88, $3  }
0x1: {  	(tag) =	ssettag $0x0;
	lr =	simm.s32 $0x1  }
0x2: {  	[smem:$0x3F81] =	sst lr;
	_ =	strace $0xD0000000  }
0x3: {  	_ = 	snop  }
0x4: {  	_ = 	snop  }
0x5: {  	_ = 	snop  }
0x6: {  	_ = 	snop  }
0x7: {  	_ = 	snop  }
__scs_overlays_trampoline_lowered:
0x8: {  	[smem:$0x3F90] =	sst s0  }
0x9: {  	[smem:$0x3F91] =	sst s1  }
0xa: {  	[smem:$0x3F92] =	sst s2  }
0xb: {  	[smem:$0x3F93] =	sst s3  }
0xc: {  	[smem:$0x3F94] =	sst s4  }
0xd: {  	[smem:$0x3F95] =	sst s5  }
0xe: {  	[smem:$0x3F96] =	sst s6  }
0xf: {  	[smem:$0x3F97] =	sst s7  }
0x10: {  	[smem:$0x3F98] =	sst s8  }
0x11: {  	[smem:$0x3F99] =	sst s9;
	s0 =	simm.s32 @!p0 $0x0  }
0x12: {  	s1 =	sld [smem:$0x3F7F];
	s0 =	simm.s32 @p0 $0x1  }
0x13: {  	[smem:$0x3F9A] =	sst s0;
	s0 =	simm.s32 @!p1 $0x0  }
0x14: {  	s2 =	sld [smem:$0x3F7E];
	s0 =	simm.s32 @p1 $0x1  }
0x15: {  	[smem:$0x3F9B] =	sst s0;
	s0 =	simm.s32 @!p2 $0x0  }
0x16: {  	s3 =	sld [smem:$0x3FDB];
	s0 =	simm.s32 @p2 $0x1  }
0x17: {  	s4 =	simm.s32 $0x1BF5;
	[smem:$0x3F9D] =	sst s0  }
0x18: {  	s0 =	sld [smem:$0x3F80];
	_ =	swait.ge [sflag:s4], $0x0  }
0x19: {  	s7 =	sld [smem:$0x3F81]  }
0x1a: {  	s8 =	sadd.s32 $0xFFFFE003, lr  }
0x1b: {  	s9 =	sadd.s32 $0xFFFFFEF7, lr;
	s5 =	simm.s32 $0xFFFFFFFF;
	p2 =	slt.u32 s8, $0xFFFFF086  }
0x1c: {  	p1 =	slt.u32 s9, $0xF7A;
	s5 =	simm.s32 @!p2 $0x0  }
0x1d: {  	s5 =	simm.s32 @p1 $0x1;
	p0 =	seq.s32 s7, s2  }
0x1e: {  	s7 =	smul.u32 @!p0 $0xF7A, s2;
	p2 =	seq.s32 @!p0 s5, $0x0  }
0x1f: {  	s9 =	smul.u32 $0xF7A, s1;
	s8 =	simm.s32 @!p0 $0x1BF5;
	p2 =	por !p2, p0  }
0x20: {  	[sflag:s8] =	ssyncset.s32 @!p0 $0xFFFFF086;
	s6 =	sadd.s32 @!p0 s3, s7;
	s7 =	simm.s32 @!p0 $0x108  }
0x21: {  	s3 =	sadd.s32 s3, s9;
	s6 =	sadd.s32 @!p0 $0x88, s6;
	s7 =	simm.s32 @p2 $0x1082  }
0x22: {  	[simem:s7], [sflag:s8] =	dma.local @!p0 [hbm:s6], $0xF7A  }
0x23: {  	s9 =	sor.u32 $0xD0000000, s2;
	s6 =	simm.s32 $0x108;
	_ =	swait.ge @!p0 [sflag:s8], $0x0  }
0x24: {  	s3 =	sadd.s32 $0x88, s3;
	s6 =	simm.s32 @!p1 $0x1082;
	[sflag:s4] =	ssyncset.s32 $0xFFFFF086  }
0x25: {  	[simem:s6], [sflag:s4] =	dma.local [hbm:s3], $0xF7A  }
0x26: {  	[smem:$0x3F81] =	sst s1;
	(tag) =	ssettag s2;
	_ =	strace s9  }
0x27: {  	s1 =	sld [smem:$0x3F91]  }
0x28: {  	s2 =	sld [smem:$0x3F92]  }
0x29: {  	s4 =	sld [smem:$0x3F94]  }
0x2a: {  	p0 =	seq.s32 s5, $0x0;
	s5 =	sld [smem:$0x3F95]  }
0x2b: {  	s6 =	sld [smem:$0x3F96]  }
0x2c: {  	s7 =	sld [smem:$0x3F97]  }
0x2d: {  	s3 =	simm.s32 $0x108;
	s8 =	sld [smem:$0x3F98]  }
0x2e: {  	s3 =	simm.s32 @!p0 $0x1082;
	s9 =	sld [smem:$0x3F99]  }
0x2f: {  	lr =	sadd.s32 s0, s3;
	s0 =	sld [smem:$0x3F90]  }
0x30: {  	s3 =	sld [smem:$0x3F93]  }
0x31: {  	[smem:$0x3F9C] =	sst s10  }
0x32: {  	s10 =	sld [smem:$0x3F9A];
	_ =	sdelay $0x3  }
0x33: {  	p0 =	seq.s32 s10, $0x1;
	s10 =	sld [smem:$0x3F9C];
	_ =	sdelay $0x3  }
0x34: {  	[smem:$0x3F9C] =	sst s10  }
0x35: {  	s10 =	sld [smem:$0x3F9B];
	_ =	sdelay $0x3  }
0x36: {  	p1 =	seq.s32 s10, $0x1;
	s10 =	sld [smem:$0x3F9C];
	_ =	sdelay $0x3  }
0x37: {  	[smem:$0x3F9C] =	sst s10  }
0x38: {  	s10 =	sld [smem:$0x3F9D]  }
0x39: {  	_ = 	snop;
	(pc) =	sbr.ind lr, $3  }
0x3a: {  	_ = 	snop  }
0x3b: {  	_ = 	snop  }
0x3c: {  	p2 =	seq.s32 s10, $0x1;
	s10 =	sld [smem:$0x3F9C]  }
0x3d: {  	_ =	shalt  }
0x3e: {  	_ =	shalt  }
0x3f: {  	_ =	shalt  }
0x40: {  	_ =	shalt  }
0x41: {  	_ =	shalt  }
0x42: {  	_ =	shalt  }
0x43: {  	_ =	shalt  }
0x44: {  	_ =	shalt  }
0x45: {  	_ =	shalt  }
0x46: {  	_ =	shalt  }
0x47: {  	_ =	shalt  }
0x48: {  	_ =	shalt  }
0x49: {  	_ =	shalt  }
0x4a: {  	_ =	shalt  }
0x4b: {  	_ =	shalt  }
0x4c: {  	_ =	shalt  }
0x4d: {  	_ =	shalt  }
0x4e: {  	_ =	shalt  }
0x4f: {  	_ =	shalt  }
0x50: {  	_ =	shalt  }
0x51: {  	_ =	shalt  }
0x52: {  	_ =	shalt  }
0x53: {  	_ =	shalt  }
0x54: {  	_ =	shalt  }
0x55: {  	_ =	shalt  }
0x56: {  	_ =	shalt  }
0x57: {  	_ =	shalt  }
0x58: {  	_ =	shalt  }
0x59: {  	_ =	shalt  }
0x5a: {  	_ =	shalt  }
0x5b: {  	_ =	shalt  }
0x5c: {  	_ =	shalt  }
0x5d: {  	_ =	shalt  }
0x5e: {  	_ =	shalt  }
0x5f: {  	_ =	shalt  }
0x60: {  	_ =	shalt  }
0x61: {  	_ =	shalt  }
0x62: {  	_ =	shalt  }
0x63: {  	_ =	shalt  }
0x64: {  	_ =	shalt  }
0x65: {  	_ =	shalt  }
0x66: {  	_ =	shalt  }
0x67: {  	_ =	shalt  }
0x68: {  	_ =	shalt  }
0x69: {  	_ =	shalt  }
0x6a: {  	_ =	shalt  }
0x6b: {  	_ =	shalt  }
0x6c: {  	_ =	shalt  }
0x6d: {  	_ =	shalt  }
0x6e: {  	_ =	shalt  }
0x6f: {  	_ =	shalt  }
0x70: {  	_ =	shalt  }
0x71: {  	_ =	shalt  }
0x72: {  	_ =	shalt  }
0x73: {  	_ =	shalt  }
0x74: {  	_ =	shalt  }
0x75: {  	_ =	shalt  }
0x76: {  	_ =	shalt  }
0x77: {  	_ =	shalt  }
0x78: {  	_ =	shalt  }
0x79: {  	_ =	shalt  }
0x7a: {  	_ =	shalt  }
0x7b: {  	_ =	shalt  }
0x7c: {  	_ =	shalt  }
0x7d: {  	_ =	shalt  }
0x7e: {  	_ =	shalt  }
0x7f: {  	_ =	shalt  }
0x80: {  	_ =	shalt  }
0x81: {  	_ =	shalt  }
0x82: {  	_ =	shalt  }
0x83: {  	_ =	shalt  }
0x84: {  	_ =	shalt  }
0x85: {  	_ =	shalt  }
0x86: {  	_ =	shalt  }
0x87: {  	_ =	shalt  }
.Lfunc_end0:
.L_simem_size_0:
called_computation.3_lowered:
.L_overlay_start_0:
0x88: {  	s2 =	sld [smem:$0x3FD9]  }
0x89: {  	s3 =	sld [smem:$0x3FFE];
	_ =	sdelay $0x1  }
0x8a: {  	s1 =	srdreg.scid  }
0x8b: {  	s0 =	sand.u32 $0x1, s1  }
0x8c: {  	s16 =	sshll.u32 s0, $0xA;
	s2 =	sadd.s32 s3, s2  }
0x8d: {  	s2 =	sadd.s32 s2, s16  }
0x8e: {  	[smem:$0x3FA8] =	sst s2  }
0x8f: {  	_ = 	snop  }
0x90: {  	(tm) =	ssettm $0x1  }
0x91: {  	s17 =	sld [smem:$0x3FFB];
	_ =	sdelay $0x3  }
0x92: {  	_ =	strace s17  }
0x93: {  	s2 =	sld [smem:$0x3FFC];
	_ =	sdelay $0x3  }
0x94: {  	_ =	strace s2  }
0x95: {  	s2 =	sld [smem:$0x3FFD];
	_ =	sdelay $0x3  }
0x96: {  	_ =	strace s2  }
0x97: {  	_ =	strace $0x8FFFFFFF  }
0x98: {  	s18 =	sld [smem:$0x3FDB];
	_ =	sdelay $0x1  }
0x99: {  	s19 =	simm.s32 $_scs_section_size  }
0x9a: {  	s4 =	simm.s32 $_size__tile_overlayer_lowered;
	s5 =	simm.s32 $_tile_overlayer_lowered  }
0x9b: {  	s22 =	simm.s32 $0x1BFF;
	s21 =	sshll.u32 s5, $0x1;
	s2 =	sadd.s32 s19, s18  }
0x9c: {  	s6 =	simm.s32 $0x0;
	s20 =	sshll.u32 s4, $0x1;
	s4 =	sadd.s32 s21, s2  }
0x9d: {  	[timem:s6], [sflag:s22] =	dma.local [hbm:s4], s20  }
0x9e: {  	_ =	swait.ge [sflag:s22], s20  }
0x9f: {  	s3 =	ssub.s32 $0x0, s20;
	[sflag:s22] =	ssyncset.done $0x0  }
0xa0: {  	[sflag:s22] =	ssyncadd.s32 s3;
	_ =	sdelay $0x1  }
0xa1: {  	s23 =	simm.s32 $0x1B8B  }
0xa2: {  	_ =	swait.ge [sflag:s23], $0x1  }
0xa3: {  	[sflag:s23] =	ssyncset.done $0x0  }
0xa4: {  	s25 =	simm.s32 $0x1B8E;
	s24 =	sld [smem:$0x3FFE];
	[sflag:s23] =	ssyncadd.s32 $0xFFFFFFFF  }
0xa5: {  	s26 =	simm.s32 $execute0_lowered;
	[smem:$0x3FD2] =	sst s25  }
0xa6: {  	s4 =	sshll.u32 s26, $0x1;
	_ =	strace $0x8000004F;
	[dreg:$0x1] =	wrdreg $0xFFFFFFFF  }
0xa7: {  	s28 =	simm.s32 $_size_execute0_lowered;
	s2 =	sadd.s32 s2, s4;
	[dreg:$0x0] =	wrdreg $0x0  }
0xa8: {  	s4 =	sshll.u32 s28, $0x1;
	[dreg:$0x2] =	wrdreg s2  }
0xa9: {  	[dreg:$0x3] =	wrdreg s4  }
0xaa: {  	[dreg:$0x4] =	wrdreg $0xC0  }
0xab: {  	_ =	task [dreg:s6], $0x5FFFF  }
0xac: {  	[dreg:$0x1] =	wrdreg $0xFFFFFFFF  }
0xad: {  	[dreg:$0x0] =	wrdreg $0x60  }
0xae: {  	[dreg:$0x2] =	wrdreg s24  }
0xaf: {  	[dreg:$0x3] =	wrdreg $0x5F800  }
0xb0: {  	[dreg:$0x4] =	wrdreg $0x9  }
0xb1: {  	_ =	task.clear_ibuf [dreg:s6], $0x5FFFF;
	_ =	strace $0x9000004F  }
0xb2: {  	s29 =	simm.s32 $0x9;
	_ =	strace $0x80000051  }
0xb3: {  	_ =	swait.ge [sflag:s29], $0x1  }
0xb4: {  	[sflag:s29] =	ssyncadd.s32 $0xFFFFFFFF  }
0xb5: {  	_ =	strace $0x90000051  }
0xb6: {  	_ =	sfence  }
0xb7: {  	s30 =	sld [smem:$0x0];
	_ =	sdelay $0x2  }
0xb8: {  	s31 =	sshll.u32 s1, $0xD;
	s1 =	sshrl.u32 s1, $0x2  }
0xb9: {  	s3 =	sand.u32 $0x4000, s31;
	s1 =	sadd.s32 s1, s30  }
0xba: {  	s0 =	sor.u32 s3, s0;
	s1 =	sshll.u32 s1, $0x11  }
0xbb: {  	s0 =	sor.u32 s1, s0  }
0xbc: {  	s0 =	sadd.s32 $0x8F2B, s0  }
0xbd: {  	[sflag:s0] =	ssyncadd.remote.s32 $0x1  }
0xbe: {  	_ =	sfence.sel $0xFFFF  }
0xbf: {  	[dreg:$0x0] =	wrdreg $0xFFFFFFFF;
	(pc) =	sbr.abs _section_cstart, $3  }
0xc0: {  	[dreg:$0x1] =	wrdreg $0xFFFFFFFF  }
0xc1: {  	_ =	task.clear_ibuf [dreg:s6], $0x2FFFF;
	_ =	strace $0x9FFFFFFF  }
0xc2: {  	(tm) =	ssettm $0x7FFFFFFF  }
0xc3: {  	_ =	shalt  }
tec
execute0_lowered:
.L_overlay_start_1:
0x0: {  	(tag) =	ssettag $0x1  }
0x1: {  	s1 =	srdreg.scid;
	s0 =	stileid.u32  }
0x2: {  	s5 =	rddreg [dreg:$0x0];
	s4 =	smul.u32 $0x2800, s0  }
0x3: {  	s2 =	rddreg [dreg:$0x1];
	s3 =	simm.s32 $0x0;
	s8 =	smul.u32 $0xA000, s0  }
0x4: {  	s6 =	sand.u32 $0x1, s1;
	s1 =	rddreg [dreg:$0x2];
	s29 =	smul.u32 $0x4F00, s0  }
0x5: {  	[smem:$0x7FF] =	sst s3;
	s7 =	smul.u32 $0x1400, s6  }
0x6: {  	s9 =	smul.u32 $0x4F000, s6;
	_ =	strace $0x80000050;
	s11 =	ssub.s32 $0x2, s6  }
0x7: {  	s13 =	smul.u32 $0x5000, s6;
	s8 =	sadd.s32 s8, s5;
	s12 =	sshrl.u32 s11, $0x1  }
0x8: {  	s4 =	sadd.s32 s7, s4;
	s9 =	sadd.s32 s29, s9;
	s31 =	ssub.s32 s11, s12  }
0x9: {  	s8 =	sadd.s32 s13, s8;
	s11 =	simm.s32 $0x1;
	s12 =	simm.s32 $0x80  }
0xa: {  	s13 =	simm.s32 $0x0;
	s4 =	sshrl.u32 s4, $0x3;
	s9 =	sshrl.u32 s9, $0x3  }
0xb: {  	s7 =	smax.u32 s31, $0x1;
	s8 =	sadd.s32 $0x126400, s8;
	s10 =	sadd.s32 s4, s5  }
0xc: {  	s4 =	sadd.s32 $0x2DA00, s5;
	s30 =	sadd.s32 s9, s5;
	s5 =	sadd.s32 s29, s2  }
0xd: {  	s6 =	sadd.s32 $0xE1800, s30;
	s9 =	sadd.s32 $0xDC800, s10;
	s10 =	simm.s32 $0x1080  }
.LBB2_1:
0xe: {  	[tilespmem:s10], [sflag:$0x1] =	stream.linear.gather [hbm4b:s4+s3], $0x4F00, $0x38;
	[tilespmem:$0xAE80] =	vst v63  }
0xf: {  	_ =	swait.ge [sflag:s11], $0x4F00  }
0x10: {  	[sflag:s11] =	ssyncset.done $0x0  }
0x11: {  	[sflag:s11] =	ssyncadd.s32 $0xFFFFB100  }
0x12: {  	[spmem:s5] =	stream.linear.scatter [tilespmem:s10], [sflag:$0x1], $0x4F00, $0x38;
	[tilespmem:$0xAE80] =	vst v63  }
0x13: {  	_ =	swait.ge [sflag:s11], $0x4F00  }
0x14: {  	[sflag:s11] =	ssyncset.done $0x0  }
0x15: {  	[sflag:s11] =	ssyncadd.s32 $0xFFFFB100  }
0x16: {  	s14 =	sadd.s32 $0x0, s9;
	[bflag:$0x0] =	sbarrier.arrive $0xFFFF  }
0x17: {  	[tilespmem:s3], [sflag:$0x1] =	stream.linear.gather [hbm4b:s14+s3], $0x80, $0x38;
	[tilespmem:$0xAE80] =	vst v63  }
0x18: {  	_ =	swait.ge [sflag:s11], $0x80  }
0x19: {  	[sflag:s11] =	ssyncset.done $0x0  }
0x1a: {  	[sflag:s11] =	ssyncadd.s32 $0xFFFFFF80  }
0x1b: {  	[tilespmem:s12], [sflag:$0x1] =	stream.linear.gather [hbm4b:s8+s3], $0x1000, $0x38;
	[tilespmem:$0xAE80] =	vst v63  }
0x1c: {  	_ =	swait.ge [sflag:s11], $0x1000  }
0x1d: {  	[sflag:s11] =	ssyncset.done $0x0  }
0x1e: {  	[sflag:s11] =	ssyncadd.s32 $0xFFFFF000  }
0x1f: {  	[spmem:s2] =	stream.indirect.scatter.add.f32 [tilespmem:s12], [sflag:$0x1], $0x20, s3, s12, $0xb8;
	[tilespmem:$0xAE80] =	vst v63  }
0x20: {  	s15 =	simm.s32 $0x10;
	_ =	swait.ge [sflag:s11], $0x1000  }
0x21: {  	s16 =	simm.s32 $0x20;
	s14 =	sadd.s32 $0x200, s8;
	[sflag:s11] =	ssyncset.done $0x0  }
.LBB2_2:
0x22: {  	s17 =	sadd.s32 s15, s9  }
0x23: {  	[sflag:s11] =	ssyncadd.s32 $0xFFFFF000;
	s15 =	smov.u32 s16;
	s18 =	sadd.s32 $0x10, s16  }
0x24: {  	[tilespmem:s3], [sflag:$0x1] =	stream.linear.gather [hbm4b:s17+s3], $0x80, $0x38;
	[tilespmem:$0xAE80] =	vst v63  }
0x25: {  	p0 =	sne.s32 s16, $0x270;
	_ =	swait.ge [sflag:s11], $0x80  }
0x26: {  	[sflag:s11] =	ssyncset.done $0x0  }
0x27: {  	[sflag:s11] =	ssyncadd.s32 $0xFFFFFF80  }
0x28: {  	[tilespmem:s12], [sflag:$0x1] =	stream.linear.gather [hbm4b:s14+s3], $0x1000, $0x38;
	[tilespmem:$0xAE80] =	vst v63  }
0x29: {  	_ =	swait.ge [sflag:s11], $0x1000  }
.Ltmp0:
0x2a: {  	[sflag:s11] =	ssyncset.done $0x0;
	(pc) =	sbr.rel @p0 .LBB2_2-.Ltmp0, $4  }
0x2b: {  	[sflag:s11] =	ssyncadd.s32 $0xFFFFF000  }
0x2c: {  	[spmem:s2] =	stream.indirect.scatter.add.f32 [tilespmem:s12], [sflag:$0x1], $0x20, s3, s12, $0xb8;
	[tilespmem:$0xAE80] =	vst v63  }
0x2d: {  	_ =	swait.ge [sflag:s11], $0x1000  }
0x2e: {  	s16 =	smov.u32 s18;
	s14 =	sadd.s32 $0x200, s14;
	[sflag:s11] =	ssyncset.done $0x0  }
0x2f: {  	s15 =	sadd.s32 s15, s9;
	[sflag:s11] =	ssyncadd.s32 $0xFFFFF000  }
0x30: {  	[tilespmem:s3], [sflag:$0x1] =	stream.linear.gather [hbm4b:s15+s3], $0x80, $0x38;
	[tilespmem:$0xAE80] =	vst v63  }
0x31: {  	_ =	swait.ge [sflag:s11], $0x80  }
0x32: {  	[sflag:s11] =	ssyncset.done $0x0  }
0x33: {  	[sflag:s11] =	ssyncadd.s32 $0xFFFFFF80  }
0x34: {  	[tilespmem:s12], [sflag:$0x1] =	stream.linear.gather [hbm4b:s14+s3], $0x1000, $0x38;
	[tilespmem:$0xAE80] =	vst v63  }
0x35: {  	_ =	swait.ge [sflag:s11], $0x1000  }
0x36: {  	[sflag:s11] =	ssyncset.done $0x0  }
0x37: {  	[sflag:s11] =	ssyncadd.s32 $0xFFFFF000  }
0x38: {  	[spmem:s2] =	stream.indirect.scatter.add.f32 [tilespmem:s12], [sflag:$0x1], $0x20, s3, s12, $0xb8;
	[tilespmem:$0xAE80] =	vst v63  }
0x39: {  	_ =	swait.ge [sflag:s11], $0x1000  }
0x3a: {  	[sflag:s11] =	ssyncset.done $0x0  }
0x3b: {  	[sflag:s11] =	ssyncadd.s32 $0xFFFFF000  }
0x3c: {  	[bflag:$0x0] =	sbarrier.arrive $0xFFFF  }
0x3d: {  	[tilespmem:s10], [sflag:$0x1] =	stream.linear.gather [spmem:s5], $0x4F00, $0x38;
	[tilespmem:$0xAE80] =	vst v63  }
0x3e: {  	s13 =	sadd.s32 $0x1, s13;
	_ =	swait.ge [sflag:s11], $0x4F00  }
0x3f: {  	p0 =	sne.s32 s13, s7;
	[sflag:s11] =	ssyncset.done $0x0  }
.Ltmp1:
0x40: {  	[sflag:s11] =	ssyncadd.s32 $0xFFFFB100;
	(pc) =	sbr.rel @p0 .LBB2_1-.Ltmp1, $4  }
0x41: {  	[hbm4b:s6+s3] =	stream.linear.scatter [tilespmem:s10], [sflag:$0x1], $0x4F00, $0x38;
	[tilespmem:$0xAE80] =	vst v63  }
0x42: {  	_ =	swait.ge [sflag:s11], $0x4F00  }
0x43: {  	[sflag:s11] =	ssyncset.done $0x0  }
0x44: {  	[sflag:s11] =	ssyncadd.s32 $0xFFFFB100  }
0x45: {  	_ =	sfence.sel $0x180000  }
0x46: {  	[bflag:$0x0] =	sbarrier.arrive $0xFFFF  }
0x47: {  	p0 =	sne.s32 s0, $0x0;
	_ =	strace $0x90000050  }
0x48: {  	s0 =	sadd.s32 @!p0 $0x100000, s1;
	[bflag:$0x2] =	sbarrier.arrive $0xFFFF  }
0x49: {  	[sflag:s0] =	ssyncadd.tile.s32 @!p0 $0x1;
	_ =	shalt  }
.Lfunc_end2:
_tile_overlayer_lowered:
.L_overlay_start_2:
0x4a: {  	(tag) =	ssettag $0x2  }
0x4b: {  	s0 =	rddreg [dreg:$0x0];
	s2 =	stileid.u32  }
0x4c: {  	s1 =	rddreg [dreg:$0x1];
	p0 =	sne.s32 s2, $0x0  }
0x4d: {  	s3 =	rddreg [dreg:$0x2];
	[bflag:$0x3] =	sbarrier.arrive $0xFFFF;
	s2 =	simm.s32 @!p0 $0x1C01  }
0x4e: {  	[timem:s3], [sflag:s2] =	dma.local @!p0 [hbm:s0], s1  }
0x4f: {  	s0 =	simm.s32 @!p0 $0x1  }
0x50: {  	_ =	swait.ge @!p0 [sflag:s0], s1  }
0x51: {  	s1 =	ssub.s32 @!p0 $0x0, s1;
	[sflag:s0] =	ssyncset.done @!p0 $0x0  }
0x52: {  	[sflag:s0] =	ssyncadd.s32 @!p0 s1  }
0x53: {  	[bflag:$0x3] =	sbarrier.arrive $0xFFFF  }
0x54: {  	_ =	shalt  }

</sc_bundles>
